<compile_context>
chip_gen: v7x
topology: tpu7x:2x2x1
jax: 0.10.2.dev20260603
libtpu: 0.0.44.dev20260713+nightly
codegen_flags: <defaults>
</compile_context>

<pallas_src>
import functools

import jax
import jax.numpy as jnp
from jax import lax
from jax.experimental import pallas as pl
from jax.experimental.pallas import tpu as pltpu
from jax.experimental.pallas import tpu_sc as plsc

_NC = 2
_NS = 16
_NW = _NC * _NS
_L = 16
_K = 8
_W = _L * _K


@functools.lru_cache(maxsize=None)
def _make_sc_pass(n_rows: int, groups: int):
    chunk = groups * _L
    total_chunks = n_rows // chunk
    main_chunks = (total_chunks // _NW) * _NW
    per_w = main_chunks // _NW
    npairs = per_w // 2
    tail = total_chunks - main_chunks
    assert total_chunks * chunk == n_rows
    assert npairs * 2 == per_w
    assert tail < _NW

    mesh = plsc.VectorSubcoreMesh(core_axis_name="c", subcore_axis_name="s")

    @functools.partial(
        pl.kernel,
        mesh=mesh,
        out_type=jax.ShapeDtypeStruct((_NW, _L), jnp.float32),
        scratch_types=[
            pltpu.VMEM((_K, chunk), jnp.float32),
            pltpu.VMEM((_K, chunk), jnp.float32),
            pltpu.VMEM((chunk,), jnp.int32),
            pltpu.VMEM((chunk,), jnp.int32),
            pltpu.VMEM((_L * _K,), jnp.float32),
            pltpu.VMEM((_L * _K,), jnp.float32),
            pltpu.VMEM((_L,), jnp.float32),
            pltpu.SemaphoreType.DMA,
            pltpu.SemaphoreType.DMA,
        ],
        compiler_params=pltpu.CompilerParams(needs_layout_passes=False),
    )
    def sc_pass(logits_hbm, a_hbm, out_hbm,
                lbuf0, lbuf1, abuf0, abuf1,
                acc_tbl, cnt_tbl, obuf, sem0, sem1):
        lbufs = (lbuf0, lbuf1)
        abufs = (abuf0, abuf1)
        wid = lax.axis_index("s") * _NC + lax.axis_index("c")

        iota = lax.iota(jnp.int32, _L)
        i8 = iota * _K
        zeros = jnp.zeros((_L,), jnp.float32)
        ones = jnp.ones((_L,), jnp.float32)

        for k in range(_K):
            acc_tbl[pl.ds(k * _L, _L)] = zeros
            cnt_tbl[pl.ds(k * _L, _L)] = zeros

        def start_copy(cid, b, sem):
            pltpu.async_copy(
                logits_hbm.at[:, pl.ds(cid * chunk, chunk)],
                lbufs[b], sem)
            pltpu.async_copy(
                a_hbm.at[pl.ds(cid * chunk, chunk)],
                abufs[b], sem)

        def wait_copy(cid, b, sem):
            pltpu.make_async_copy(
                logits_hbm.at[:, pl.ds(cid * chunk, chunk)],
                lbufs[b], sem).wait()
            pltpu.make_async_copy(
                a_hbm.at[pl.ds(cid * chunk, chunk)],
                abufs[b], sem).wait()

        def compute(b):
            lref = lbufs[b]
            aref = abufs[b]

            @plsc.parallel_loop(0, groups, 1, unroll=4)
            def group_body(i):
                r0 = i * _L
                rows = iota + r0
                a = aref[pl.ds(r0, _L)]
                es = [jnp.exp(lref[j, pl.ds(r0, _L)]) for j in range(_K)]
                s = ((es[0] + es[1]) + (es[2] + es[3])) + \
                    ((es[4] + es[5]) + (es[6] + es[7]))
                ct = plsc.load_gather(lref, [a, rows])
                err = 1.0 - jnp.exp(ct) / s
                t = i8 + a
                plsc.addupdate_scatter(acc_tbl, [t], err)
                plsc.addupdate_scatter(cnt_tbl, [t], ones)

        start_copy(wid, 0, sem0)

        def pair_body(p, carry):
            c_even = wid + _NW * (2 * p)
            c_odd = c_even + _NW
            start_copy(c_odd, 1, sem1)
            wait_copy(c_even, 0, sem0)
            compute(0)

            @pl.when(p < npairs - 1)
            def _prefetch_even():
                start_copy(c_even + 2 * _NW, 0, sem0)

            wait_copy(c_odd, 1, sem1)
            compute(1)
            return carry

        lax.fori_loop(0, npairs, pair_body, 0)

        if tail:
            @pl.when(wid < tail)
            def _tail_chunk():
                cid = main_chunks + wid
                start_copy(cid, 0, sem0)
                wait_copy(cid, 0, sem0)
                compute(0)

        accv = zeros
        cntv = zeros
        for aa in range(_K):
            ra = jnp.sum(plsc.load_gather(acc_tbl, [i8 + aa]))
            rc = jnp.sum(plsc.load_gather(cnt_tbl, [i8 + aa]))
            accv = jnp.where(iota == aa, ra, accv)
            cntv = jnp.where(iota == _K + aa, rc, cntv)
        obuf[...] = accv + cntv
        pltpu.sync_copy(obuf, out_hbm.at[wid])

    return sc_pass


def _finish_body(p_ref, o_ref):
    x = p_ref[...]
    s = jnp.sum(x, axis=0, keepdims=True)
    acc = s[:, 0:_K]
    cnt = s[:, _K:2 * _K]
    per = jnp.where(cnt > 0.0, acc / jnp.where(cnt > 0.0, cnt, 1.0), acc)
    o_ref[0, 0] = jnp.sum(per) - 1.0


_finish = pl.pallas_call(
    _finish_body,
    out_shape=jax.ShapeDtypeStruct((1, 1), jnp.float32),
    out_specs=pl.BlockSpec(memory_space=pltpu.SMEM),
)


def kernel(adv_logits, A):
    n, k = adv_logits.shape
    partials = _make_sc_pass(n, 200)(adv_logits.T, A.astype(jnp.int32))
    return _finish(partials)[0, 0]

# --- scband reference (transcript-rebuilt; emitter-appended) ---
"""Pipeline reference for scband-adversary-loss-52810917871800 (READ-ONLY COPY).

The authoritative reference and input builder live on the scoring server;
editing this copy changes nothing except your own understanding.
"""

import jax, jax.numpy as jnp
import numpy as np


def setup_inputs(seed: int = 0) -> dict:
    key = jax.random.key(seed)
    k1, k2 = jax.random.split(key)
    N, K = 6400000, 8
    adv_logits = jax.random.normal(k1, (N, K), dtype=jnp.float32)
    A = jax.random.randint(k2, (N,), 0, K)
    return {"adv_logits": adv_logits, "A": A}


def reference(adv_logits, A):
    K = adv_logits.shape[1]
    probs = jax.nn.softmax(adv_logits, axis=1)
    prob_true = jnp.take_along_axis(probs, A[:, None], axis=1).squeeze(1)
    errors = 1.0 - prob_true
    # scatter-add per-group errors (index_add equivalent)
    loss = jax.ops.segment_sum(errors, A, num_segments=K)
    counts_A = jnp.bincount(A, length=K).astype(jnp.float32)
    loss = jnp.where(counts_A > 0, loss / jnp.where(counts_A > 0, counts_A, 1.0), loss)
    return loss.sum() - 1.0

if __name__ == "__main__":
    import jax
    _d = setup_inputs()
    print(jax.jit(kernel)(*tuple(_d.values())))

</pallas_src>

<mosaic_0001>
#map = affine_map<(d0, d1) -> (0, 0)>
#map1 = affine_map<(d0, d1) -> (0)>
module attributes {stable_mosaic.version = 14 : i64} {
  func.func @sc_pass(%arg0: i32, %arg1: i32, %arg2: memref<8x6400000xf32, #tpu.memory_space<hbm>>, %arg3: memref<6400000xi32, #tpu.memory_space<hbm>>, %arg4: memref<32x16xf32, #tpu.memory_space<hbm>>, %arg5: memref<8x3200xf32, #tpu.memory_space<vmem>>, %arg6: memref<8x3200xf32, #tpu.memory_space<vmem>>, %arg7: memref<3200xi32, #tpu.memory_space<vmem>>, %arg8: memref<3200xi32, #tpu.memory_space<vmem>>, %arg9: memref<128xf32, #tpu.memory_space<vmem>>, %arg10: memref<128xf32, #tpu.memory_space<vmem>>, %arg11: memref<16xf32, #tpu.memory_space<vmem>>, %arg12: memref<!tpu.dma_semaphore, #tpu.memory_space<semaphore_mem>>, %arg13: memref<!tpu.dma_semaphore, #tpu.memory_space<semaphore_mem>>) attributes {dimension_semantics = [#tpu.dimension_semantics<core_parallel>, #tpu.dimension_semantics<subcore_parallel>], iteration_bounds = array<i64: 2, 16>, scalar_prefetch = 0 : i64, scratch_operands = 9 : i64, tpu.core_type = #tpu.core_type<sc_vector_subcore>, window_params = [{transform_indices = #map}, {transform_indices = #map1}, {transform_indices = #map}]} {
    %mul3A = arith.constant 2 : i32
    %mul3A_0 = arith.muli %arg1, %mul3A : i32
    %add3A = arith.addi %mul3A_0, %arg0 : i32
    %iota3A = tpu.iota {dimensions = array<i32: 0>} : vector<16xi32>
    %mul3A_1 = arith.constant 8 : i32
    %mul3A_2 = vector.broadcast %mul3A_1 : i32 to vector<16xi32>
    %mul3A_3 = arith.muli %iota3A, %mul3A_2 : vector<16xi32>
    %broadcast_in_dim3A = arith.constant 0.000000e+00 : f32
    %broadcast_in_dim3A_4 = vector.broadcast %broadcast_in_dim3A : f32 to vector<16xf32>
    %broadcast_in_dim3A_5 = arith.constant 1.000000e+00 : f32
    %broadcast_in_dim3A_6 = vector.broadcast %broadcast_in_dim3A_5 : f32 to vector<16xf32>
    %swap3A = arith.constant 0 : index
    %swap3A_7 = tpu.vector_load %arg9[%swap3A] {strides = array<i32>} : memref<128xf32, #tpu.memory_space<vmem>>, vector<16xf32>,
    tpu.vector_store %arg9[%swap3A], %broadcast_in_dim3A_4 {strides = array<i32>} : memref<128xf32, #tpu.memory_space<vmem>>, vector<16xf32>,
    %swap3A_8 = arith.constant 0 : index
    %swap3A_9 = tpu.vector_load %arg10[%swap3A_8] {strides = array<i32>} : memref<128xf32, #tpu.memory_space<vmem>>, vector<16xf32>,
    tpu.vector_store %arg10[%swap3A_8], %broadcast_in_dim3A_4 {strides = array<i32>} : memref<128xf32, #tpu.memory_space<vmem>>, vector<16xf32>,
    %swap3A_10 = arith.constant 16 : index
    %swap3A_11 = tpu.vector_load %arg9[%swap3A_10] {strides = array<i32>} : memref<128xf32, #tpu.memory_space<vmem>>, vector<16xf32>,
    tpu.vector_store %arg9[%swap3A_10], %broadcast_in_dim3A_4 {strides = array<i32>} : memref<128xf32, #tpu.memory_space<vmem>>, vector<16xf32>,
    %swap3A_12 = arith.constant 16 : index
    %swap3A_13 = tpu.vector_load %arg10[%swap3A_12] {strides = array<i32>} : memref<128xf32, #tpu.memory_space<vmem>>, vector<16xf32>,
    tpu.vector_store %arg10[%swap3A_12], %broadcast_in_dim3A_4 {strides = array<i32>} : memref<128xf32, #tpu.memory_space<vmem>>, vector<16xf32>,
    %swap3A_14 = arith.constant 32 : index
    %swap3A_15 = tpu.vector_load %arg9[%swap3A_14] {strides = array<i32>} : memref<128xf32, #tpu.memory_space<vmem>>, vector<16xf32>,
    tpu.vector_store %arg9[%swap3A_14], %broadcast_in_dim3A_4 {strides = array<i32>} : memref<128xf32, #tpu.memory_space<vmem>>, vector<16xf32>,
    %swap3A_16 = arith.constant 32 : index
    %swap3A_17 = tpu.vector_load %arg10[%swap3A_16] {strides = array<i32>} : memref<128xf32, #tpu.memory_space<vmem>>, vector<16xf32>,
    tpu.vector_store %arg10[%swap3A_16], %broadcast_in_dim3A_4 {strides = array<i32>} : memref<128xf32, #tpu.memory_space<vmem>>, vector<16xf32>,
    %swap3A_18 = arith.constant 48 : index
    %swap3A_19 = tpu.vector_load %arg9[%swap3A_18] {strides = array<i32>} : memref<128xf32, #tpu.memory_space<vmem>>, vector<16xf32>,
    tpu.vector_store %arg9[%swap3A_18], %broadcast_in_dim3A_4 {strides = array<i32>} : memref<128xf32, #tpu.memory_space<vmem>>, vector<16xf32>,
    %swap3A_20 = arith.constant 48 : index
    %swap3A_21 = tpu.vector_load %arg10[%swap3A_20] {strides = array<i32>} : memref<128xf32, #tpu.memory_space<vmem>>, vector<16xf32>,
    tpu.vector_store %arg10[%swap3A_20], %broadcast_in_dim3A_4 {strides = array<i32>} : memref<128xf32, #tpu.memory_space<vmem>>, vector<16xf32>,
    %swap3A_22 = arith.constant 64 : index
    %swap3A_23 = tpu.vector_load %arg9[%swap3A_22] {strides = array<i32>} : memref<128xf32, #tpu.memory_space<vmem>>, vector<16xf32>,
    tpu.vector_store %arg9[%swap3A_22], %broadcast_in_dim3A_4 {strides = array<i32>} : memref<128xf32, #tpu.memory_space<vmem>>, vector<16xf32>,
    %swap3A_24 = arith.constant 64 : index
    %swap3A_25 = tpu.vector_load %arg10[%swap3A_24] {strides = array<i32>} : memref<128xf32, #tpu.memory_space<vmem>>, vector<16xf32>,
    tpu.vector_store %arg10[%swap3A_24], %broadcast_in_dim3A_4 {strides = array<i32>} : memref<128xf32, #tpu.memory_space<vmem>>, vector<16xf32>,
    %swap3A_26 = arith.constant 80 : index
    %swap3A_27 = tpu.vector_load %arg9[%swap3A_26] {strides = array<i32>} : memref<128xf32, #tpu.memory_space<vmem>>, vector<16xf32>,
    tpu.vector_store %arg9[%swap3A_26], %broadcast_in_dim3A_4 {strides = array<i32>} : memref<128xf32, #tpu.memory_space<vmem>>, vector<16xf32>,
    %swap3A_28 = arith.constant 80 : index
    %swap3A_29 = tpu.vector_load %arg10[%swap3A_28] {strides = array<i32>} : memref<128xf32, #tpu.memory_space<vmem>>, vector<16xf32>,
    tpu.vector_store %arg10[%swap3A_28], %broadcast_in_dim3A_4 {strides = array<i32>} : memref<128xf32, #tpu.memory_space<vmem>>, vector<16xf32>,
    %swap3A_30 = arith.constant 96 : index
    %swap3A_31 = tpu.vector_load %arg9[%swap3A_30] {strides = array<i32>} : memref<128xf32, #tpu.memory_space<vmem>>, vector<16xf32>,
    tpu.vector_store %arg9[%swap3A_30], %broadcast_in_dim3A_4 {strides = array<i32>} : memref<128xf32, #tpu.memory_space<vmem>>, vector<16xf32>,
    %swap3A_32 = arith.constant 96 : index
    %swap3A_33 = tpu.vector_load %arg10[%swap3A_32] {strides = array<i32>} : memref<128xf32, #tpu.memory_space<vmem>>, vector<16xf32>,
    tpu.vector_store %arg10[%swap3A_32], %broadcast_in_dim3A_4 {strides = array<i32>} : memref<128xf32, #tpu.memory_space<vmem>>, vector<16xf32>,
    %swap3A_34 = arith.constant 112 : index
    %swap3A_35 = tpu.vector_load %arg9[%swap3A_34] {strides = array<i32>} : memref<128xf32, #tpu.memory_space<vmem>>, vector<16xf32>,
    tpu.vector_store %arg9[%swap3A_34], %broadcast_in_dim3A_4 {strides = array<i32>} : memref<128xf32, #tpu.memory_space<vmem>>, vector<16xf32>,
    %swap3A_36 = arith.constant 112 : index
    %swap3A_37 = tpu.vector_load %arg10[%swap3A_36] {strides = array<i32>} : memref<128xf32, #tpu.memory_space<vmem>>, vector<16xf32>,
    tpu.vector_store %arg10[%swap3A_36], %broadcast_in_dim3A_4 {strides = array<i32>} : memref<128xf32, #tpu.memory_space<vmem>>, vector<16xf32>,
    %mul3A_38 = arith.constant 3200 : i32
    %mul3A_39 = arith.muli %add3A, %mul3A_38 : i32
    %dma_start3A = arith.constant 0 : i32
    %dma_start3A_40 = tpu.memref_slice %arg2[%dma_start3A, %mul3A_39] : memref<8x6400000xf32, #tpu.memory_space<hbm>> -> memref<8x3200xf32, #tpu.memory_space<hbm>>
    %dma_start3A_41 = arith.constant 0 : i32
    %dma_start3A_42 = tpu.memref_slice %arg2[%dma_start3A_41, %mul3A_39] : memref<8x6400000xf32, #tpu.memory_space<hbm>> -> memref<8x3200xf32, #tpu.memory_space<hbm>>
    tpu.enqueue_dma source(%dma_start3A_42 : memref<8x3200xf32, #tpu.memory_space<hbm>>) target(%arg5 : memref<8x3200xf32, #tpu.memory_space<vmem>>) target_semaphore(%arg12 : memref<!tpu.dma_semaphore, #tpu.memory_space<semaphore_mem>>)
    %mul3A_43 = arith.constant 3200 : i32
    %mul3A_44 = arith.muli %add3A, %mul3A_43 : i32
    %dma_start3A_45 = tpu.memref_slice %arg3[%mul3A_44] : memref<6400000xi32, #tpu.memory_space<hbm>> -> memref<3200xi32, #tpu.memory_space<hbm>>
    %dma_start3A_46 = tpu.memref_slice %arg3[%mul3A_44] : memref<6400000xi32, #tpu.memory_space<hbm>> -> memref<3200xi32, #tpu.memory_space<hbm>>
    tpu.enqueue_dma source(%dma_start3A_46 : memref<3200xi32, #tpu.memory_space<hbm>>) target(%arg7 : memref<3200xi32, #tpu.memory_space<vmem>>) target_semaphore(%arg12 : memref<!tpu.dma_semaphore, #tpu.memory_space<semaphore_mem>>)
    %scan3A = arith.constant 0 : i32
    %scan3A_47 = arith.constant 0 : i32
    %scan3A_48 = arith.constant 31 : i32
    %scan3A_49 = arith.addi %scan3A_47, %scan3A_48 : i32
    %scan3A_50 = arith.constant 1 : i32
    scf.for %scan3A_261 = %scan3A_47 to %scan3A_49 step %scan3A_50  : i32 {
      %mul3A_262 = arith.constant 2 : i32
      %mul3A_263 = arith.muli %mul3A_262, %scan3A_261 : i32
      %mul3A_264 = arith.constant 32 : i32
      %mul3A_265 = arith.muli %mul3A_264, %mul3A_263 : i32
      %add3A_266 = arith.addi %add3A, %mul3A_265 : i32
      %add3A_267 = arith.constant 32 : i32
      %add3A_268 = arith.addi %add3A_266, %add3A_267 : i32
      %mul3A_269 = arith.constant 3200 : i32
      %mul3A_270 = arith.muli %add3A_268, %mul3A_269 : i32
      %dma_start3A_271 = arith.constant 0 : i32
      %dma_start3A_272 = tpu.memref_slice %arg2[%dma_start3A_271, %mul3A_270] : memref<8x6400000xf32, #tpu.memory_space<hbm>> -> memref<8x3200xf32, #tpu.memory_space<hbm>>
      %dma_start3A_273 = arith.constant 0 : i32
      %dma_start3A_274 = tpu.memref_slice %arg2[%dma_start3A_273, %mul3A_270] : memref<8x6400000xf32, #tpu.memory_space<hbm>> -> memref<8x3200xf32, #tpu.memory_space<hbm>>
      tpu.enqueue_dma source(%dma_start3A_274 : memref<8x3200xf32, #tpu.memory_space<hbm>>) target(%arg6 : memref<8x3200xf32, #tpu.memory_space<vmem>>) target_semaphore(%arg13 : memref<!tpu.dma_semaphore, #tpu.memory_space<semaphore_mem>>)
      %mul3A_275 = arith.constant 3200 : i32
      %mul3A_276 = arith.muli %add3A_268, %mul3A_275 : i32
      %dma_start3A_277 = tpu.memref_slice %arg3[%mul3A_276] : memref<6400000xi32, #tpu.memory_space<hbm>> -> memref<3200xi32, #tpu.memory_space<hbm>>
      %dma_start3A_278 = tpu.memref_slice %arg3[%mul3A_276] : memref<6400000xi32, #tpu.memory_space<hbm>> -> memref<3200xi32, #tpu.memory_space<hbm>>
      tpu.enqueue_dma source(%dma_start3A_278 : memref<3200xi32, #tpu.memory_space<hbm>>) target(%arg8 : memref<3200xi32, #tpu.memory_space<vmem>>) target_semaphore(%arg13 : memref<!tpu.dma_semaphore, #tpu.memory_space<semaphore_mem>>)
      %mul3A_279 = arith.constant 3200 : i32
      %mul3A_280 = arith.muli %add3A_266, %mul3A_279 : i32
      %dma_wait3A = arith.constant 0 : i32
      %dma_wait3A_281 = tpu.memref_slice %arg2[%dma_wait3A, %mul3A_280] : memref<8x6400000xf32, #tpu.memory_space<hbm>> -> memref<8x3200xf32, #tpu.memory_space<hbm>>
      %dma_wait3A_282 = arith.constant 0 : i32
      %dma_wait3A_283 = tpu.memref_slice %arg2[%dma_wait3A_282, %mul3A_280] : memref<8x6400000xf32, #tpu.memory_space<hbm>> -> memref<8x3200xf32, #tpu.memory_space<hbm>>
      tpu.wait_dma2 semaphore(%arg12 : memref<!tpu.dma_semaphore, #tpu.memory_space<semaphore_mem>>) src(%dma_wait3A_283 : memref<8x3200xf32, #tpu.memory_space<hbm>>) dst(%arg5 : memref<8x3200xf32, #tpu.memory_space<vmem>>)
      %mul3A_284 = arith.constant 3200 : i32
      %mul3A_285 = arith.muli %add3A_266, %mul3A_284 : i32
      %dma_wait3A_286 = tpu.memref_slice %arg3[%mul3A_285] : memref<6400000xi32, #tpu.memory_space<hbm>> -> memref<3200xi32, #tpu.memory_space<hbm>>
      %dma_wait3A_287 = tpu.memref_slice %arg3[%mul3A_285] : memref<6400000xi32, #tpu.memory_space<hbm>> -> memref<3200xi32, #tpu.memory_space<hbm>>
      tpu.wait_dma2 semaphore(%arg12 : memref<!tpu.dma_semaphore, #tpu.memory_space<semaphore_mem>>) src(%dma_wait3A_287 : memref<3200xi32, #tpu.memory_space<hbm>>) dst(%arg7 : memref<3200xi32, #tpu.memory_space<vmem>>)
      %parallel_loop3A = arith.constant 0 : i32
      %parallel_loop3A_288 = arith.constant 200 : i32
      %parallel_loop3A_289 = arith.constant 1 : i32
      scf.for %parallel_loop3A_308 = %parallel_loop3A to %parallel_loop3A_288 step %parallel_loop3A_289  : i32 {
        %parallel_loop3A_309 = arith.constant 16 : i32
        %parallel_loop3A_310 = arith.muli %parallel_loop3A_308, %parallel_loop3A_309 : i32
        %parallel_loop3A_311 = vector.broadcast %parallel_loop3A_310 : i32 to vector<16xi32>
        %parallel_loop3A_312 = arith.addi %iota3A, %parallel_loop3A_311 : vector<16xi32>
        %parallel_loop3A_313 = arith.index_cast %parallel_loop3A_310 : i32 to index
        %parallel_loop3A_314 = tpu.vector_load %arg7[%parallel_loop3A_313] {strides = array<i32>} : memref<3200xi32, #tpu.memory_space<vmem>>, vector<16xi32>,
        %parallel_loop3A_315 = arith.constant 0 : i32
        %parallel_loop3A_316 = arith.index_cast %parallel_loop3A_315 : i32 to index
        %parallel_loop3A_317 = arith.index_cast %parallel_loop3A_310 : i32 to index
        %parallel_loop3A_318 = tpu.vector_load %arg5[%parallel_loop3A_316, %parallel_loop3A_317] {strides = array<i32>} : memref<8x3200xf32, #tpu.memory_space<vmem>>, vector<16xf32>,
        %parallel_loop3A_319 = math.exp %parallel_loop3A_318 : vector<16xf32>
        %parallel_loop3A_320 = arith.constant 1 : i32
        %parallel_loop3A_321 = arith.index_cast %parallel_loop3A_320 : i32 to index
        %parallel_loop3A_322 = arith.index_cast %parallel_loop3A_310 : i32 to index
        %parallel_loop3A_323 = tpu.vector_load %arg5[%parallel_loop3A_321, %parallel_loop3A_322] {strides = array<i32>} : memref<8x3200xf32, #tpu.memory_space<vmem>>, vector<16xf32>,
        %parallel_loop3A_324 = math.exp %parallel_loop3A_323 : vector<16xf32>
        %parallel_loop3A_325 = arith.constant 2 : i32
        %parallel_loop3A_326 = arith.index_cast %parallel_loop3A_325 : i32 to index
        %parallel_loop3A_327 = arith.index_cast %parallel_loop3A_310 : i32 to index
        %parallel_loop3A_328 = tpu.vector_load %arg5[%parallel_loop3A_326, %parallel_loop3A_327] {strides = array<i32>} : memref<8x3200xf32, #tpu.memory_space<vmem>>, vector<16xf32>,
        %parallel_loop3A_329 = math.exp %parallel_loop3A_328 : vector<16xf32>
        %parallel_loop3A_330 = arith.constant 3 : i32
        %parallel_loop3A_331 = arith.index_cast %parallel_loop3A_330 : i32 to index
        %parallel_loop3A_332 = arith.index_cast %parallel_loop3A_310 : i32 to index
        %parallel_loop3A_333 = tpu.vector_load %arg5[%parallel_loop3A_331, %parallel_loop3A_332] {strides = array<i32>} : memref<8x3200xf32, #tpu.memory_space<vmem>>, vector<16xf32>,
        %parallel_loop3A_334 = math.exp %parallel_loop3A_333 : vector<16xf32>
        %parallel_loop3A_335 = arith.constant 4 : i32
        %parallel_loop3A_336 = arith.index_cast %parallel_loop3A_335 : i32 to index
        %parallel_loop3A_337 = arith.index_cast %parallel_loop3A_310 : i32 to index
        %parallel_loop3A_338 = tpu.vector_load %arg5[%parallel_loop3A_336, %parallel_loop3A_337] {strides = array<i32>} : memref<8x3200xf32, #tpu.memory_space<vmem>>, vector<16xf32>,
        %parallel_loop3A_339 = math.exp %parallel_loop3A_338 : vector<16xf32>
        %parallel_loop3A_340 = arith.constant 5 : i32
        %parallel_loop3A_341 = arith.index_cast %parallel_loop3A_340 : i32 to index
        %parallel_loop3A_342 = arith.index_cast %parallel_loop3A_310 : i32 to index
        %parallel_loop3A_343 = tpu.vector_load %arg5[%parallel_loop3A_341, %parallel_loop3A_342] {strides = array<i32>} : memref<8x3200xf32, #tpu.memory_space<vmem>>, vector<16xf32>,
        %parallel_loop3A_344 = math.exp %parallel_loop3A_343 : vector<16xf32>
        %parallel_loop3A_345 = arith.constant 6 : i32
        %parallel_loop3A_346 = arith.index_cast %parallel_loop3A_345 : i32 to index
        %parallel_loop3A_347 = arith.index_cast %parallel_loop3A_310 : i32 to index
        %parallel_loop3A_348 = tpu.vector_load %arg5[%parallel_loop3A_346, %parallel_loop3A_347] {strides = array<i32>} : memref<8x3200xf32, #tpu.memory_space<vmem>>, vector<16xf32>,
        %parallel_loop3A_349 = math.exp %parallel_loop3A_348 : vector<16xf32>
        %parallel_loop3A_350 = arith.constant 7 : i32
        %parallel_loop3A_351 = arith.index_cast %parallel_loop3A_350 : i32 to index
        %parallel_loop3A_352 = arith.index_cast %parallel_loop3A_310 : i32 to index
        %parallel_loop3A_353 = tpu.vector_load %arg5[%parallel_loop3A_351, %parallel_loop3A_352] {strides = array<i32>} : memref<8x3200xf32, #tpu.memory_space<vmem>>, vector<16xf32>,
        %parallel_loop3A_354 = math.exp %parallel_loop3A_353 : vector<16xf32>
        %parallel_loop3A_355 = arith.addf %parallel_loop3A_319, %parallel_loop3A_324 : vector<16xf32>
        %parallel_loop3A_356 = arith.addf %parallel_loop3A_329, %parallel_loop3A_334 : vector<16xf32>
        %parallel_loop3A_357 = arith.addf %parallel_loop3A_355, %parallel_loop3A_356 : vector<16xf32>
        %parallel_loop3A_358 = arith.addf %parallel_loop3A_339, %parallel_loop3A_344 : vector<16xf32>
        %parallel_loop3A_359 = arith.addf %parallel_loop3A_349, %parallel_loop3A_354 : vector<16xf32>
        %parallel_loop3A_360 = arith.addf %parallel_loop3A_358, %parallel_loop3A_359 : vector<16xf32>
        %parallel_loop3A_361 = arith.addf %parallel_loop3A_357, %parallel_loop3A_360 : vector<16xf32>
        %parallel_loop3A_362 = tpu.vector_load_idx %arg5[%parallel_loop3A_314, %parallel_loop3A_312] : memref<8x3200xf32, #tpu.memory_space<vmem>>[vector<16xi32>, vector<16xi32>], vector<16xf32>,
        %parallel_loop3A_363 = math.exp %parallel_loop3A_362 : vector<16xf32>
        %parallel_loop3A_364 = arith.divf %parallel_loop3A_363, %parallel_loop3A_361 : vector<16xf32>
        %parallel_loop3A_365 = arith.constant 1.000000e+00 : f32
        %parallel_loop3A_366 = vector.broadcast %parallel_loop3A_365 : f32 to vector<16xf32>
        %parallel_loop3A_367 = arith.subf %parallel_loop3A_366, %parallel_loop3A_364 : vector<16xf32>
        %parallel_loop3A_368 = arith.addi %mul3A_3, %parallel_loop3A_314 : vector<16xi32>
        tpu.vector_store_idx %arg9[%parallel_loop3A_368], %parallel_loop3A_367 {add = true} : memref<128xf32, #tpu.memory_space<vmem>>[vector<16xi32>], vector<16xf32>,
        tpu.vector_store_idx %arg10[%parallel_loop3A_368], %broadcast_in_dim3A_6 {add = true} : memref<128xf32, #tpu.memory_space<vmem>>[vector<16xi32>], vector<16xf32>,
      } {sc.loop_unroll_factor = 4 : i64, sc.parallel_access}
      %lt3A_290 = arith.constant 30 : i32
      %lt3A_291 = arith.cmpi slt, %scan3A_261, %lt3A_290 : i32
      %convert_element_type3A_292 = arith.extui %lt3A_291 : i1 to i32
      %cond3A_293 = arith.constant 0 : i32
      %cond3A_294 = arith.cmpi ne, %convert_element_type3A_292, %cond3A_293 : i32
      scf.if %cond3A_294 {
        %add3A_308 = arith.constant 64 : i32
        %add3A_309 = arith.addi %add3A_266, %add3A_308 : i32
        %mul3A_310 = arith.constant 3200 : i32
        %mul3A_311 = arith.muli %add3A_309, %mul3A_310 : i32
        %dma_start3A_312 = arith.constant 0 : i32
        %dma_start3A_313 = tpu.memref_slice %arg2[%dma_start3A_312, %mul3A_311] : memref<8x6400000xf32, #tpu.memory_space<hbm>> -> memref<8x3200xf32, #tpu.memory_space<hbm>>
        %dma_start3A_314 = arith.constant 0 : i32
        %dma_start3A_315 = tpu.memref_slice %arg2[%dma_start3A_314, %mul3A_311] : memref<8x6400000xf32, #tpu.memory_space<hbm>> -> memref<8x3200xf32, #tpu.memory_space<hbm>>
        tpu.enqueue_dma source(%dma_start3A_315 : memref<8x3200xf32, #tpu.memory_space<hbm>>) target(%arg5 : memref<8x3200xf32, #tpu.memory_space<vmem>>) target_semaphore(%arg12 : memref<!tpu.dma_semaphore, #tpu.memory_space<semaphore_mem>>)
        %mul3A_316 = arith.constant 3200 : i32
        %mul3A_317 = arith.muli %add3A_309, %mul3A_316 : i32
        %dma_start3A_318 = tpu.memref_slice %arg3[%mul3A_317] : memref<6400000xi32, #tpu.memory_space<hbm>> -> memref<3200xi32, #tpu.memory_space<hbm>>
        %dma_start3A_319 = tpu.memref_slice %arg3[%mul3A_317] : memref<6400000xi32, #tpu.memory_space<hbm>> -> memref<3200xi32, #tpu.memory_space<hbm>>
        tpu.enqueue_dma source(%dma_start3A_319 : memref<3200xi32, #tpu.memory_space<hbm>>) target(%arg7 : memref<3200xi32, #tpu.memory_space<vmem>>) target_semaphore(%arg12 : memref<!tpu.dma_semaphore, #tpu.memory_space<semaphore_mem>>)
      } else {
      }
      %mul3A_295 = arith.constant 3200 : i32
      %mul3A_296 = arith.muli %add3A_268, %mul3A_295 : i32
      %dma_wait3A_297 = arith.constant 0 : i32
      %dma_wait3A_298 = tpu.memref_slice %arg2[%dma_wait3A_297, %mul3A_296] : memref<8x6400000xf32, #tpu.memory_space<hbm>> -> memref<8x3200xf32, #tpu.memory_space<hbm>>
      %dma_wait3A_299 = arith.constant 0 : i32
      %dma_wait3A_300 = tpu.memref_slice %arg2[%dma_wait3A_299, %mul3A_296] : memref<8x6400000xf32, #tpu.memory_space<hbm>> -> memref<8x3200xf32, #tpu.memory_space<hbm>>
      tpu.wait_dma2 semaphore(%arg13 : memref<!tpu.dma_semaphore, #tpu.memory_space<semaphore_mem>>) src(%dma_wait3A_300 : memref<8x3200xf32, #tpu.memory_space<hbm>>) dst(%arg6 : memref<8x3200xf32, #tpu.memory_space<vmem>>)
      %mul3A_301 = arith.constant 3200 : i32
      %mul3A_302 = arith.muli %add3A_268, %mul3A_301 : i32
      %dma_wait3A_303 = tpu.memref_slice %arg3[%mul3A_302] : memref<6400000xi32, #tpu.memory_space<hbm>> -> memref<3200xi32, #tpu.memory_space<hbm>>
      %dma_wait3A_304 = tpu.memref_slice %arg3[%mul3A_302] : memref<6400000xi32, #tpu.memory_space<hbm>> -> memref<3200xi32, #tpu.memory_space<hbm>>
      tpu.wait_dma2 semaphore(%arg13 : memref<!tpu.dma_semaphore, #tpu.memory_space<semaphore_mem>>) src(%dma_wait3A_304 : memref<3200xi32, #tpu.memory_space<hbm>>) dst(%arg8 : memref<3200xi32, #tpu.memory_space<vmem>>)
      %parallel_loop3A_305 = arith.constant 0 : i32
      %parallel_loop3A_306 = arith.constant 200 : i32
      %parallel_loop3A_307 = arith.constant 1 : i32
      scf.for %parallel_loop3A_308 = %parallel_loop3A_305 to %parallel_loop3A_306 step %parallel_loop3A_307  : i32 {
        %parallel_loop3A_309 = arith.constant 16 : i32
        %parallel_loop3A_310 = arith.muli %parallel_loop3A_308, %parallel_loop3A_309 : i32
        %parallel_loop3A_311 = vector.broadcast %parallel_loop3A_310 : i32 to vector<16xi32>
        %parallel_loop3A_312 = arith.addi %iota3A, %parallel_loop3A_311 : vector<16xi32>
        %parallel_loop3A_313 = arith.index_cast %parallel_loop3A_310 : i32 to index
        %parallel_loop3A_314 = tpu.vector_load %arg8[%parallel_loop3A_313] {strides = array<i32>} : memref<3200xi32, #tpu.memory_space<vmem>>, vector<16xi32>,
        %parallel_loop3A_315 = arith.constant 0 : i32
        %parallel_loop3A_316 = arith.index_cast %parallel_loop3A_315 : i32 to index
        %parallel_loop3A_317 = arith.index_cast %parallel_loop3A_310 : i32 to index
        %parallel_loop3A_318 = tpu.vector_load %arg6[%parallel_loop3A_316, %parallel_loop3A_317] {strides = array<i32>} : memref<8x3200xf32, #tpu.memory_space<vmem>>, vector<16xf32>,
        %parallel_loop3A_319 = math.exp %parallel_loop3A_318 : vector<16xf32>
        %parallel_loop3A_320 = arith.constant 1 : i32
        %parallel_loop3A_321 = arith.index_cast %parallel_loop3A_320 : i32 to index
        %parallel_loop3A_322 = arith.index_cast %parallel_loop3A_310 : i32 to index
        %parallel_loop3A_323 = tpu.vector_load %arg6[%parallel_loop3A_321, %parallel_loop3A_322] {strides = array<i32>} : memref<8x3200xf32, #tpu.memory_space<vmem>>, vector<16xf32>,
        %parallel_loop3A_324 = math.exp %parallel_loop3A_323 : vector<16xf32>
        %parallel_loop3A_325 = arith.constant 2 : i32
        %parallel_loop3A_326 = arith.index_cast %parallel_loop3A_325 : i32 to index
        %parallel_loop3A_327 = arith.index_cast %parallel_loop3A_310 : i32 to index
        %parallel_loop3A_328 = tpu.vector_load %arg6[%parallel_loop3A_326, %parallel_loop3A_327] {strides = array<i32>} : memref<8x3200xf32, #tpu.memory_space<vmem>>, vector<16xf32>,
        %parallel_loop3A_329 = math.exp %parallel_loop3A_328 : vector<16xf32>
        %parallel_loop3A_330 = arith.constant 3 : i32
        %parallel_loop3A_331 = arith.index_cast %parallel_loop3A_330 : i32 to index
        %parallel_loop3A_332 = arith.index_cast %parallel_loop3A_310 : i32 to index
        %parallel_loop3A_333 = tpu.vector_load %arg6[%parallel_loop3A_331, %parallel_loop3A_332] {strides = array<i32>} : memref<8x3200xf32, #tpu.memory_space<vmem>>, vector<16xf32>,
        %parallel_loop3A_334 = math.exp %parallel_loop3A_333 : vector<16xf32>
        %parallel_loop3A_335 = arith.constant 4 : i32
        %parallel_loop3A_336 = arith.index_cast %parallel_loop3A_335 : i32 to index
        %parallel_loop3A_337 = arith.index_cast %parallel_loop3A_310 : i32 to index
        %parallel_loop3A_338 = tpu.vector_load %arg6[%parallel_loop3A_336, %parallel_loop3A_337] {strides = array<i32>} : memref<8x3200xf32, #tpu.memory_space<vmem>>, vector<16xf32>,
        %parallel_loop3A_339 = math.exp %parallel_loop3A_338 : vector<16xf32>
        %parallel_loop3A_340 = arith.constant 5 : i32
        %parallel_loop3A_341 = arith.index_cast %parallel_loop3A_340 : i32 to index
        %parallel_loop3A_342 = arith.index_cast %parallel_loop3A_310 : i32 to index
        %parallel_loop3A_343 = tpu.vector_load %arg6[%parallel_loop3A_341, %parallel_loop3A_342] {strides = array<i32>} : memref<8x3200xf32, #tpu.memory_space<vmem>>, vector<16xf32>,
        %parallel_loop3A_344 = math.exp %parallel_loop3A_343 : vector<16xf32>
        %parallel_loop3A_345 = arith.constant 6 : i32
        %parallel_loop3A_346 = arith.index_cast %parallel_loop3A_345 : i32 to index
        %parallel_loop3A_347 = arith.index_cast %parallel_loop3A_310 : i32 to index
        %parallel_loop3A_348 = tpu.vector_load %arg6[%parallel_loop3A_346, %parallel_loop3A_347] {strides = array<i32>} : memref<8x3200xf32, #tpu.memory_space<vmem>>, vector<16xf32>,
        %parallel_loop3A_349 = math.exp %parallel_loop3A_348 : vector<16xf32>
        %parallel_loop3A_350 = arith.constant 7 : i32
        %parallel_loop3A_351 = arith.index_cast %parallel_loop3A_350 : i32 to index
        %parallel_loop3A_352 = arith.index_cast %parallel_loop3A_310 : i32 to index
        %parallel_loop3A_353 = tpu.vector_load %arg6[%parallel_loop3A_351, %parallel_loop3A_352] {strides = array<i32>} : memref<8x3200xf32, #tpu.memory_space<vmem>>, vector<16xf32>,
        %parallel_loop3A_354 = math.exp %parallel_loop3A_353 : vector<16xf32>
        %parallel_loop3A_355 = arith.addf %parallel_loop3A_319, %parallel_loop3A_324 : vector<16xf32>
        %parallel_loop3A_356 = arith.addf %parallel_loop3A_329, %parallel_loop3A_334 : vector<16xf32>
        %parallel_loop3A_357 = arith.addf %parallel_loop3A_355, %parallel_loop3A_356 : vector<16xf32>
        %parallel_loop3A_358 = arith.addf %parallel_loop3A_339, %parallel_loop3A_344 : vector<16xf32>
        %parallel_loop3A_359 = arith.addf %parallel_loop3A_349, %parallel_loop3A_354 : vector<16xf32>
        %parallel_loop3A_360 = arith.addf %parallel_loop3A_358, %parallel_loop3A_359 : vector<16xf32>
        %parallel_loop3A_361 = arith.addf %parallel_loop3A_357, %parallel_loop3A_360 : vector<16xf32>
        %parallel_loop3A_362 = tpu.vector_load_idx %arg6[%parallel_loop3A_314, %parallel_loop3A_312] : memref<8x3200xf32, #tpu.memory_space<vmem>>[vector<16xi32>, vector<16xi32>], vector<16xf32>,
        %parallel_loop3A_363 = math.exp %parallel_loop3A_362 : vector<16xf32>
        %parallel_loop3A_364 = arith.divf %parallel_loop3A_363, %parallel_loop3A_361 : vector<16xf32>
        %parallel_loop3A_365 = arith.constant 1.000000e+00 : f32
        %parallel_loop3A_366 = vector.broadcast %parallel_loop3A_365 : f32 to vector<16xf32>
        %parallel_loop3A_367 = arith.subf %parallel_loop3A_366, %parallel_loop3A_364 : vector<16xf32>
        %parallel_loop3A_368 = arith.addi %mul3A_3, %parallel_loop3A_314 : vector<16xi32>
        tpu.vector_store_idx %arg9[%parallel_loop3A_368], %parallel_loop3A_367 {add = true} : memref<128xf32, #tpu.memory_space<vmem>>[vector<16xi32>], vector<16xf32>,
        tpu.vector_store_idx %arg10[%parallel_loop3A_368], %broadcast_in_dim3A_6 {add = true} : memref<128xf32, #tpu.memory_space<vmem>>[vector<16xi32>], vector<16xf32>,
      } {sc.loop_unroll_factor = 4 : i64, sc.parallel_access}
    }
    %scan3A_51 = arith.constant 31 : i32
    %lt3A = arith.constant 16 : i32
    %lt3A_52 = arith.cmpi slt, %add3A, %lt3A : i32
    %convert_element_type3A = arith.extui %lt3A_52 : i1 to i32
    %cond3A = arith.constant 0 : i32
    %cond3A_53 = arith.cmpi ne, %convert_element_type3A, %cond3A : i32
    scf.if %cond3A_53 {
      %add3A_261 = arith.constant 1984 : i32
      %add3A_262 = arith.addi %add3A_261, %add3A : i32
      %mul3A_263 = arith.constant 3200 : i32
      %mul3A_264 = arith.muli %add3A_262, %mul3A_263 : i32
      %dma_start3A_265 = arith.constant 0 : i32
      %dma_start3A_266 = tpu.memref_slice %arg2[%dma_start3A_265, %mul3A_264] : memref<8x6400000xf32, #tpu.memory_space<hbm>> -> memref<8x3200xf32, #tpu.memory_space<hbm>>
      %dma_start3A_267 = arith.constant 0 : i32
      %dma_start3A_268 = tpu.memref_slice %arg2[%dma_start3A_267, %mul3A_264] : memref<8x6400000xf32, #tpu.memory_space<hbm>> -> memref<8x3200xf32, #tpu.memory_space<hbm>>
      tpu.enqueue_dma source(%dma_start3A_268 : memref<8x3200xf32, #tpu.memory_space<hbm>>) target(%arg5 : memref<8x3200xf32, #tpu.memory_space<vmem>>) target_semaphore(%arg12 : memref<!tpu.dma_semaphore, #tpu.memory_space<semaphore_mem>>)
      %mul3A_269 = arith.constant 3200 : i32
      %mul3A_270 = arith.muli %add3A_262, %mul3A_269 : i32
      %dma_start3A_271 = tpu.memref_slice %arg3[%mul3A_270] : memref<6400000xi32, #tpu.memory_space<hbm>> -> memref<3200xi32, #tpu.memory_space<hbm>>
      %dma_start3A_272 = tpu.memref_slice %arg3[%mul3A_270] : memref<6400000xi32, #tpu.memory_space<hbm>> -> memref<3200xi32, #tpu.memory_space<hbm>>
      tpu.enqueue_dma source(%dma_start3A_272 : memref<3200xi32, #tpu.memory_space<hbm>>) target(%arg7 : memref<3200xi32, #tpu.memory_space<vmem>>) target_semaphore(%arg12 : memref<!tpu.dma_semaphore, #tpu.memory_space<semaphore_mem>>)
      %mul3A_273 = arith.constant 3200 : i32
      %mul3A_274 = arith.muli %add3A_262, %mul3A_273 : i32
      %dma_wait3A = arith.constant 0 : i32
      %dma_wait3A_275 = tpu.memref_slice %arg2[%dma_wait3A, %mul3A_274] : memref<8x6400000xf32, #tpu.memory_space<hbm>> -> memref<8x3200xf32, #tpu.memory_space<hbm>>
      %dma_wait3A_276 = arith.constant 0 : i32
      %dma_wait3A_277 = tpu.memref_slice %arg2[%dma_wait3A_276, %mul3A_274] : memref<8x6400000xf32, #tpu.memory_space<hbm>> -> memref<8x3200xf32, #tpu.memory_space<hbm>>
      tpu.wait_dma2 semaphore(%arg12 : memref<!tpu.dma_semaphore, #tpu.memory_space<semaphore_mem>>) src(%dma_wait3A_277 : memref<8x3200xf32, #tpu.memory_space<hbm>>) dst(%arg5 : memref<8x3200xf32, #tpu.memory_space<vmem>>)
      %mul3A_278 = arith.constant 3200 : i32
      %mul3A_279 = arith.muli %add3A_262, %mul3A_278 : i32
      %dma_wait3A_280 = tpu.memref_slice %arg3[%mul3A_279] : memref<6400000xi32, #tpu.memory_space<hbm>> -> memref<3200xi32, #tpu.memory_space<hbm>>
      %dma_wait3A_281 = tpu.memref_slice %arg3[%mul3A_279] : memref<6400000xi32, #tpu.memory_space<hbm>> -> memref<3200xi32, #tpu.memory_space<hbm>>
      tpu.wait_dma2 semaphore(%arg12 : memref<!tpu.dma_semaphore, #tpu.memory_space<semaphore_mem>>) src(%dma_wait3A_281 : memref<3200xi32, #tpu.memory_space<hbm>>) dst(%arg7 : memref<3200xi32, #tpu.memory_space<vmem>>)
      %parallel_loop3A = arith.constant 0 : i32
      %parallel_loop3A_282 = arith.constant 200 : i32
      %parallel_loop3A_283 = arith.constant 1 : i32
      scf.for %parallel_loop3A_284 = %parallel_loop3A to %parallel_loop3A_282 step %parallel_loop3A_283  : i32 {
        %parallel_loop3A_285 = arith.constant 16 : i32
        %parallel_loop3A_286 = arith.muli %parallel_loop3A_284, %parallel_loop3A_285 : i32
        %parallel_loop3A_287 = vector.broadcast %parallel_loop3A_286 : i32 to vector<16xi32>
        %parallel_loop3A_288 = arith.addi %iota3A, %parallel_loop3A_287 : vector<16xi32>
        %parallel_loop3A_289 = arith.index_cast %parallel_loop3A_286 : i32 to index
        %parallel_loop3A_290 = tpu.vector_load %arg7[%parallel_loop3A_289] {strides = array<i32>} : memref<3200xi32, #tpu.memory_space<vmem>>, vector<16xi32>,
        %parallel_loop3A_291 = arith.constant 0 : i32
        %parallel_loop3A_292 = arith.index_cast %parallel_loop3A_291 : i32 to index
        %parallel_loop3A_293 = arith.index_cast %parallel_loop3A_286 : i32 to index
        %parallel_loop3A_294 = tpu.vector_load %arg5[%parallel_loop3A_292, %parallel_loop3A_293] {strides = array<i32>} : memref<8x3200xf32, #tpu.memory_space<vmem>>, vector<16xf32>,
        %parallel_loop3A_295 = math.exp %parallel_loop3A_294 : vector<16xf32>
        %parallel_loop3A_296 = arith.constant 1 : i32
        %parallel_loop3A_297 = arith.index_cast %parallel_loop3A_296 : i32 to index
        %parallel_loop3A_298 = arith.index_cast %parallel_loop3A_286 : i32 to index
        %parallel_loop3A_299 = tpu.vector_load %arg5[%parallel_loop3A_297, %parallel_loop3A_298] {strides = array<i32>} : memref<8x3200xf32, #tpu.memory_space<vmem>>, vector<16xf32>,
        %parallel_loop3A_300 = math.exp %parallel_loop3A_299 : vector<16xf32>
        %parallel_loop3A_301 = arith.constant 2 : i32
        %parallel_loop3A_302 = arith.index_cast %parallel_loop3A_301 : i32 to index
        %parallel_loop3A_303 = arith.index_cast %parallel_loop3A_286 : i32 to index
        %parallel_loop3A_304 = tpu.vector_load %arg5[%parallel_loop3A_302, %parallel_loop3A_303] {strides = array<i32>} : memref<8x3200xf32, #tpu.memory_space<vmem>>, vector<16xf32>,
        %parallel_loop3A_305 = math.exp %parallel_loop3A_304 : vector<16xf32>
        %parallel_loop3A_306 = arith.constant 3 : i32
        %parallel_loop3A_307 = arith.index_cast %parallel_loop3A_306 : i32 to index
        %parallel_loop3A_308 = arith.index_cast %parallel_loop3A_286 : i32 to index
        %parallel_loop3A_309 = tpu.vector_load %arg5[%parallel_loop3A_307, %parallel_loop3A_308] {strides = array<i32>} : memref<8x3200xf32, #tpu.memory_space<vmem>>, vector<16xf32>,
        %parallel_loop3A_310 = math.exp %parallel_loop3A_309 : vector<16xf32>
        %parallel_loop3A_311 = arith.constant 4 : i32
        %parallel_loop3A_312 = arith.index_cast %parallel_loop3A_311 : i32 to index
        %parallel_loop3A_313 = arith.index_cast %parallel_loop3A_286 : i32 to index
        %parallel_loop3A_314 = tpu.vector_load %arg5[%parallel_loop3A_312, %parallel_loop3A_313] {strides = array<i32>} : memref<8x3200xf32, #tpu.memory_space<vmem>>, vector<16xf32>,
        %parallel_loop3A_315 = math.exp %parallel_loop3A_314 : vector<16xf32>
        %parallel_loop3A_316 = arith.constant 5 : i32
        %parallel_loop3A_317 = arith.index_cast %parallel_loop3A_316 : i32 to index
        %parallel_loop3A_318 = arith.index_cast %parallel_loop3A_286 : i32 to index
        %parallel_loop3A_319 = tpu.vector_load %arg5[%parallel_loop3A_317, %parallel_loop3A_318] {strides = array<i32>} : memref<8x3200xf32, #tpu.memory_space<vmem>>, vector<16xf32>,
        %parallel_loop3A_320 = math.exp %parallel_loop3A_319 : vector<16xf32>
        %parallel_loop3A_321 = arith.constant 6 : i32
        %parallel_loop3A_322 = arith.index_cast %parallel_loop3A_321 : i32 to index
        %parallel_loop3A_323 = arith.index_cast %parallel_loop3A_286 : i32 to index
        %parallel_loop3A_324 = tpu.vector_load %arg5[%parallel_loop3A_322, %parallel_loop3A_323] {strides = array<i32>} : memref<8x3200xf32, #tpu.memory_space<vmem>>, vector<16xf32>,
        %parallel_loop3A_325 = math.exp %parallel_loop3A_324 : vector<16xf32>
        %parallel_loop3A_326 = arith.constant 7 : i32
        %parallel_loop3A_327 = arith.index_cast %parallel_loop3A_326 : i32 to index
        %parallel_loop3A_328 = arith.index_cast %parallel_loop3A_286 : i32 to index
        %parallel_loop3A_329 = tpu.vector_load %arg5[%parallel_loop3A_327, %parallel_loop3A_328] {strides = array<i32>} : memref<8x3200xf32, #tpu.memory_space<vmem>>, vector<16xf32>,
        %parallel_loop3A_330 = math.exp %parallel_loop3A_329 : vector<16xf32>
        %parallel_loop3A_331 = arith.addf %parallel_loop3A_295, %parallel_loop3A_300 : vector<16xf32>
        %parallel_loop3A_332 = arith.addf %parallel_loop3A_305, %parallel_loop3A_310 : vector<16xf32>
        %parallel_loop3A_333 = arith.addf %parallel_loop3A_331, %parallel_loop3A_332 : vector<16xf32>
        %parallel_loop3A_334 = arith.addf %parallel_loop3A_315, %parallel_loop3A_320 : vector<16xf32>
        %parallel_loop3A_335 = arith.addf %parallel_loop3A_325, %parallel_loop3A_330 : vector<16xf32>
        %parallel_loop3A_336 = arith.addf %parallel_loop3A_334, %parallel_loop3A_335 : vector<16xf32>
        %parallel_loop3A_337 = arith.addf %parallel_loop3A_333, %parallel_loop3A_336 : vector<16xf32>
        %parallel_loop3A_338 = tpu.vector_load_idx %arg5[%parallel_loop3A_290, %parallel_loop3A_288] : memref<8x3200xf32, #tpu.memory_space<vmem>>[vector<16xi32>, vector<16xi32>], vector<16xf32>,
        %parallel_loop3A_339 = math.exp %parallel_loop3A_338 : vector<16xf32>
        %parallel_loop3A_340 = arith.divf %parallel_loop3A_339, %parallel_loop3A_337 : vector<16xf32>
        %parallel_loop3A_341 = arith.constant 1.000000e+00 : f32
        %parallel_loop3A_342 = vector.broadcast %parallel_loop3A_341 : f32 to vector<16xf32>
        %parallel_loop3A_343 = arith.subf %parallel_loop3A_342, %parallel_loop3A_340 : vector<16xf32>
        %parallel_loop3A_344 = arith.addi %mul3A_3, %parallel_loop3A_290 : vector<16xi32>
        tpu.vector_store_idx %arg9[%parallel_loop3A_344], %parallel_loop3A_343 {add = true} : memref<128xf32, #tpu.memory_space<vmem>>[vector<16xi32>], vector<16xf32>,
        tpu.vector_store_idx %arg10[%parallel_loop3A_344], %broadcast_in_dim3A_6 {add = true} : memref<128xf32, #tpu.memory_space<vmem>>[vector<16xi32>], vector<16xf32>,
      } {sc.loop_unroll_factor = 4 : i64, sc.parallel_access}
    } else {
    }
    %add3A_54 = arith.constant 0 : i32
    %add3A_55 = vector.broadcast %add3A_54 : i32 to vector<16xi32>
    %add3A_56 = arith.addi %mul3A_3, %add3A_55 : vector<16xi32>
    %gather3A = tpu.vector_load_idx %arg9[%add3A_56] : memref<128xf32, #tpu.memory_space<vmem>>[vector<16xi32>], vector<16xf32>,
    %reduce_sum3A = arith.constant true
    %reduce_sum3A_57 = vector.broadcast %reduce_sum3A : i1 to vector<16xi1>
    %reduce_sum3A_58 = tpu.scan <sum>, %gather3A masked %reduce_sum3A_57 : vector<16xf32>, vector<16xi1> -> vector<16xf32>
    %reduce_sum3A_59 = vector.extract %reduce_sum3A_58[15] : f32 from vector<16xf32>
    %add3A_60 = arith.constant 0 : i32
    %add3A_61 = vector.broadcast %add3A_60 : i32 to vector<16xi32>
    %add3A_62 = arith.addi %mul3A_3, %add3A_61 : vector<16xi32>
    %gather3A_63 = tpu.vector_load_idx %arg10[%add3A_62] : memref<128xf32, #tpu.memory_space<vmem>>[vector<16xi32>], vector<16xf32>,
    %reduce_sum3A_64 = arith.constant true
    %reduce_sum3A_65 = vector.broadcast %reduce_sum3A_64 : i1 to vector<16xi1>
    %reduce_sum3A_66 = tpu.scan <sum>, %gather3A_63 masked %reduce_sum3A_65 : vector<16xf32>, vector<16xi1> -> vector<16xf32>
    %reduce_sum3A_67 = vector.extract %reduce_sum3A_66[15] : f32 from vector<16xf32>
    %eq3A = arith.constant 0 : i32
    %eq3A_68 = vector.broadcast %eq3A : i32 to vector<16xi32>
    %eq3A_69 = arith.cmpi eq, %iota3A, %eq3A_68 : vector<16xi32>
    %broadcast_in_dim3A_70 = vector.broadcast %reduce_sum3A_59 : f32 to vector<16xf32>
    %select_n3A = arith.select %eq3A_69, %broadcast_in_dim3A_70, %broadcast_in_dim3A_4 : vector<16xi1>, vector<16xf32>
    %eq3A_71 = arith.constant 8 : i32
    %eq3A_72 = vector.broadcast %eq3A_71 : i32 to vector<16xi32>
    %eq3A_73 = arith.cmpi eq, %iota3A, %eq3A_72 : vector<16xi32>
    %broadcast_in_dim3A_74 = vector.broadcast %reduce_sum3A_67 : f32 to vector<16xf32>
    %select_n3A_75 = arith.select %eq3A_73, %broadcast_in_dim3A_74, %broadcast_in_dim3A_4 : vector<16xi1>, vector<16xf32>
    %add3A_76 = arith.constant 1 : i32
    %add3A_77 = vector.broadcast %add3A_76 : i32 to vector<16xi32>
    %add3A_78 = arith.addi %mul3A_3, %add3A_77 : vector<16xi32>
    %gather3A_79 = tpu.vector_load_idx %arg9[%add3A_78] : memref<128xf32, #tpu.memory_space<vmem>>[vector<16xi32>], vector<16xf32>,
    %reduce_sum3A_80 = arith.constant true
    %reduce_sum3A_81 = vector.broadcast %reduce_sum3A_80 : i1 to vector<16xi1>
    %reduce_sum3A_82 = tpu.scan <sum>, %gather3A_79 masked %reduce_sum3A_81 : vector<16xf32>, vector<16xi1> -> vector<16xf32>
    %reduce_sum3A_83 = vector.extract %reduce_sum3A_82[15] : f32 from vector<16xf32>
    %add3A_84 = arith.constant 1 : i32
    %add3A_85 = vector.broadcast %add3A_84 : i32 to vector<16xi32>
    %add3A_86 = arith.addi %mul3A_3, %add3A_85 : vector<16xi32>
    %gather3A_87 = tpu.vector_load_idx %arg10[%add3A_86] : memref<128xf32, #tpu.memory_space<vmem>>[vector<16xi32>], vector<16xf32>,
    %reduce_sum3A_88 = arith.constant true
    %reduce_sum3A_89 = vector.broadcast %reduce_sum3A_88 : i1 to vector<16xi1>
    %reduce_sum3A_90 = tpu.scan <sum>, %gather3A_87 masked %reduce_sum3A_89 : vector<16xf32>, vector<16xi1> -> vector<16xf32>
    %reduce_sum3A_91 = vector.extract %reduce_sum3A_90[15] : f32 from vector<16xf32>
    %eq3A_92 = arith.constant 1 : i32
    %eq3A_93 = vector.broadcast %eq3A_92 : i32 to vector<16xi32>
    %eq3A_94 = arith.cmpi eq, %iota3A, %eq3A_93 : vector<16xi32>
    %broadcast_in_dim3A_95 = vector.broadcast %reduce_sum3A_83 : f32 to vector<16xf32>
    %select_n3A_96 = arith.select %eq3A_94, %broadcast_in_dim3A_95, %select_n3A : vector<16xi1>, vector<16xf32>
    %eq3A_97 = arith.constant 9 : i32
    %eq3A_98 = vector.broadcast %eq3A_97 : i32 to vector<16xi32>
    %eq3A_99 = arith.cmpi eq, %iota3A, %eq3A_98 : vector<16xi32>
    %broadcast_in_dim3A_100 = vector.broadcast %reduce_sum3A_91 : f32 to vector<16xf32>
    %select_n3A_101 = arith.select %eq3A_99, %broadcast_in_dim3A_100, %select_n3A_75 : vector<16xi1>, vector<16xf32>
    %add3A_102 = arith.constant 2 : i32
    %add3A_103 = vector.broadcast %add3A_102 : i32 to vector<16xi32>
    %add3A_104 = arith.addi %mul3A_3, %add3A_103 : vector<16xi32>
    %gather3A_105 = tpu.vector_load_idx %arg9[%add3A_104] : memref<128xf32, #tpu.memory_space<vmem>>[vector<16xi32>], vector<16xf32>,
    %reduce_sum3A_106 = arith.constant true
    %reduce_sum3A_107 = vector.broadcast %reduce_sum3A_106 : i1 to vector<16xi1>
    %reduce_sum3A_108 = tpu.scan <sum>, %gather3A_105 masked %reduce_sum3A_107 : vector<16xf32>, vector<16xi1> -> vector<16xf32>
    %reduce_sum3A_109 = vector.extract %reduce_sum3A_108[15] : f32 from vector<16xf32>
    %add3A_110 = arith.constant 2 : i32
    %add3A_111 = vector.broadcast %add3A_110 : i32 to vector<16xi32>
    %add3A_112 = arith.addi %mul3A_3, %add3A_111 : vector<16xi32>
    %gather3A_113 = tpu.vector_load_idx %arg10[%add3A_112] : memref<128xf32, #tpu.memory_space<vmem>>[vector<16xi32>], vector<16xf32>,
    %reduce_sum3A_114 = arith.constant true
    %reduce_sum3A_115 = vector.broadcast %reduce_sum3A_114 : i1 to vector<16xi1>
    %reduce_sum3A_116 = tpu.scan <sum>, %gather3A_113 masked %reduce_sum3A_115 : vector<16xf32>, vector<16xi1> -> vector<16xf32>
    %reduce_sum3A_117 = vector.extract %reduce_sum3A_116[15] : f32 from vector<16xf32>
    %eq3A_118 = arith.constant 2 : i32
    %eq3A_119 = vector.broadcast %eq3A_118 : i32 to vector<16xi32>
    %eq3A_120 = arith.cmpi eq, %iota3A, %eq3A_119 : vector<16xi32>
    %broadcast_in_dim3A_121 = vector.broadcast %reduce_sum3A_109 : f32 to vector<16xf32>
    %select_n3A_122 = arith.select %eq3A_120, %broadcast_in_dim3A_121, %select_n3A_96 : vector<16xi1>, vector<16xf32>
    %eq3A_123 = arith.constant 10 : i32
    %eq3A_124 = vector.broadcast %eq3A_123 : i32 to vector<16xi32>
    %eq3A_125 = arith.cmpi eq, %iota3A, %eq3A_124 : vector<16xi32>
    %broadcast_in_dim3A_126 = vector.broadcast %reduce_sum3A_117 : f32 to vector<16xf32>
    %select_n3A_127 = arith.select %eq3A_125, %broadcast_in_dim3A_126, %select_n3A_101 : vector<16xi1>, vector<16xf32>
    %add3A_128 = arith.constant 3 : i32
    %add3A_129 = vector.broadcast %add3A_128 : i32 to vector<16xi32>
    %add3A_130 = arith.addi %mul3A_3, %add3A_129 : vector<16xi32>
    %gather3A_131 = tpu.vector_load_idx %arg9[%add3A_130] : memref<128xf32, #tpu.memory_space<vmem>>[vector<16xi32>], vector<16xf32>,
    %reduce_sum3A_132 = arith.constant true
    %reduce_sum3A_133 = vector.broadcast %reduce_sum3A_132 : i1 to vector<16xi1>
    %reduce_sum3A_134 = tpu.scan <sum>, %gather3A_131 masked %reduce_sum3A_133 : vector<16xf32>, vector<16xi1> -> vector<16xf32>
    %reduce_sum3A_135 = vector.extract %reduce_sum3A_134[15] : f32 from vector<16xf32>
    %add3A_136 = arith.constant 3 : i32
    %add3A_137 = vector.broadcast %add3A_136 : i32 to vector<16xi32>
    %add3A_138 = arith.addi %mul3A_3, %add3A_137 : vector<16xi32>
    %gather3A_139 = tpu.vector_load_idx %arg10[%add3A_138] : memref<128xf32, #tpu.memory_space<vmem>>[vector<16xi32>], vector<16xf32>,
    %reduce_sum3A_140 = arith.constant true
    %reduce_sum3A_141 = vector.broadcast %reduce_sum3A_140 : i1 to vector<16xi1>
    %reduce_sum3A_142 = tpu.scan <sum>, %gather3A_139 masked %reduce_sum3A_141 : vector<16xf32>, vector<16xi1> -> vector<16xf32>
    %reduce_sum3A_143 = vector.extract %reduce_sum3A_142[15] : f32 from vector<16xf32>
    %eq3A_144 = arith.constant 3 : i32
    %eq3A_145 = vector.broadcast %eq3A_144 : i32 to vector<16xi32>
    %eq3A_146 = arith.cmpi eq, %iota3A, %eq3A_145 : vector<16xi32>
    %broadcast_in_dim3A_147 = vector.broadcast %reduce_sum3A_135 : f32 to vector<16xf32>
    %select_n3A_148 = arith.select %eq3A_146, %broadcast_in_dim3A_147, %select_n3A_122 : vector<16xi1>, vector<16xf32>
    %eq3A_149 = arith.constant 11 : i32
    %eq3A_150 = vector.broadcast %eq3A_149 : i32 to vector<16xi32>
    %eq3A_151 = arith.cmpi eq, %iota3A, %eq3A_150 : vector<16xi32>
    %broadcast_in_dim3A_152 = vector.broadcast %reduce_sum3A_143 : f32 to vector<16xf32>
    %select_n3A_153 = arith.select %eq3A_151, %broadcast_in_dim3A_152, %select_n3A_127 : vector<16xi1>, vector<16xf32>
    %add3A_154 = arith.constant 4 : i32
    %add3A_155 = vector.broadcast %add3A_154 : i32 to vector<16xi32>
    %add3A_156 = arith.addi %mul3A_3, %add3A_155 : vector<16xi32>
    %gather3A_157 = tpu.vector_load_idx %arg9[%add3A_156] : memref<128xf32, #tpu.memory_space<vmem>>[vector<16xi32>], vector<16xf32>,
    %reduce_sum3A_158 = arith.constant true
    %reduce_sum3A_159 = vector.broadcast %reduce_sum3A_158 : i1 to vector<16xi1>
    %reduce_sum3A_160 = tpu.scan <sum>, %gather3A_157 masked %reduce_sum3A_159 : vector<16xf32>, vector<16xi1> -> vector<16xf32>
    %reduce_sum3A_161 = vector.extract %reduce_sum3A_160[15] : f32 from vector<16xf32>
    %add3A_162 = arith.constant 4 : i32
    %add3A_163 = vector.broadcast %add3A_162 : i32 to vector<16xi32>
    %add3A_164 = arith.addi %mul3A_3, %add3A_163 : vector<16xi32>
    %gather3A_165 = tpu.vector_load_idx %arg10[%add3A_164] : memref<128xf32, #tpu.memory_space<vmem>>[vector<16xi32>], vector<16xf32>,
    %reduce_sum3A_166 = arith.constant true
    %reduce_sum3A_167 = vector.broadcast %reduce_sum3A_166 : i1 to vector<16xi1>
    %reduce_sum3A_168 = tpu.scan <sum>, %gather3A_165 masked %reduce_sum3A_167 : vector<16xf32>, vector<16xi1> -> vector<16xf32>
    %reduce_sum3A_169 = vector.extract %reduce_sum3A_168[15] : f32 from vector<16xf32>
    %eq3A_170 = arith.constant 4 : i32
    %eq3A_171 = vector.broadcast %eq3A_170 : i32 to vector<16xi32>
    %eq3A_172 = arith.cmpi eq, %iota3A, %eq3A_171 : vector<16xi32>
    %broadcast_in_dim3A_173 = vector.broadcast %reduce_sum3A_161 : f32 to vector<16xf32>
    %select_n3A_174 = arith.select %eq3A_172, %broadcast_in_dim3A_173, %select_n3A_148 : vector<16xi1>, vector<16xf32>
    %eq3A_175 = arith.constant 12 : i32
    %eq3A_176 = vector.broadcast %eq3A_175 : i32 to vector<16xi32>
    %eq3A_177 = arith.cmpi eq, %iota3A, %eq3A_176 : vector<16xi32>
    %broadcast_in_dim3A_178 = vector.broadcast %reduce_sum3A_169 : f32 to vector<16xf32>
    %select_n3A_179 = arith.select %eq3A_177, %broadcast_in_dim3A_178, %select_n3A_153 : vector<16xi1>, vector<16xf32>
    %add3A_180 = arith.constant 5 : i32
    %add3A_181 = vector.broadcast %add3A_180 : i32 to vector<16xi32>
    %add3A_182 = arith.addi %mul3A_3, %add3A_181 : vector<16xi32>
    %gather3A_183 = tpu.vector_load_idx %arg9[%add3A_182] : memref<128xf32, #tpu.memory_space<vmem>>[vector<16xi32>], vector<16xf32>,
    %reduce_sum3A_184 = arith.constant true
    %reduce_sum3A_185 = vector.broadcast %reduce_sum3A_184 : i1 to vector<16xi1>
    %reduce_sum3A_186 = tpu.scan <sum>, %gather3A_183 masked %reduce_sum3A_185 : vector<16xf32>, vector<16xi1> -> vector<16xf32>
    %reduce_sum3A_187 = vector.extract %reduce_sum3A_186[15] : f32 from vector<16xf32>
    %add3A_188 = arith.constant 5 : i32
    %add3A_189 = vector.broadcast %add3A_188 : i32 to vector<16xi32>
    %add3A_190 = arith.addi %mul3A_3, %add3A_189 : vector<16xi32>
    %gather3A_191 = tpu.vector_load_idx %arg10[%add3A_190] : memref<128xf32, #tpu.memory_space<vmem>>[vector<16xi32>], vector<16xf32>,
    %reduce_sum3A_192 = arith.constant true
    %reduce_sum3A_193 = vector.broadcast %reduce_sum3A_192 : i1 to vector<16xi1>
    %reduce_sum3A_194 = tpu.scan <sum>, %gather3A_191 masked %reduce_sum3A_193 : vector<16xf32>, vector<16xi1> -> vector<16xf32>
    %reduce_sum3A_195 = vector.extract %reduce_sum3A_194[15] : f32 from vector<16xf32>
    %eq3A_196 = arith.constant 5 : i32
    %eq3A_197 = vector.broadcast %eq3A_196 : i32 to vector<16xi32>
    %eq3A_198 = arith.cmpi eq, %iota3A, %eq3A_197 : vector<16xi32>
    %broadcast_in_dim3A_199 = vector.broadcast %reduce_sum3A_187 : f32 to vector<16xf32>
    %select_n3A_200 = arith.select %eq3A_198, %broadcast_in_dim3A_199, %select_n3A_174 : vector<16xi1>, vector<16xf32>
    %eq3A_201 = arith.constant 13 : i32
    %eq3A_202 = vector.broadcast %eq3A_201 : i32 to vector<16xi32>
    %eq3A_203 = arith.cmpi eq, %iota3A, %eq3A_202 : vector<16xi32>
    %broadcast_in_dim3A_204 = vector.broadcast %reduce_sum3A_195 : f32 to vector<16xf32>
    %select_n3A_205 = arith.select %eq3A_203, %broadcast_in_dim3A_204, %select_n3A_179 : vector<16xi1>, vector<16xf32>
    %add3A_206 = arith.constant 6 : i32
    %add3A_207 = vector.broadcast %add3A_206 : i32 to vector<16xi32>
    %add3A_208 = arith.addi %mul3A_3, %add3A_207 : vector<16xi32>
    %gather3A_209 = tpu.vector_load_idx %arg9[%add3A_208] : memref<128xf32, #tpu.memory_space<vmem>>[vector<16xi32>], vector<16xf32>,
    %reduce_sum3A_210 = arith.constant true
    %reduce_sum3A_211 = vector.broadcast %reduce_sum3A_210 : i1 to vector<16xi1>
    %reduce_sum3A_212 = tpu.scan <sum>, %gather3A_209 masked %reduce_sum3A_211 : vector<16xf32>, vector<16xi1> -> vector<16xf32>
    %reduce_sum3A_213 = vector.extract %reduce_sum3A_212[15] : f32 from vector<16xf32>
    %add3A_214 = arith.constant 6 : i32
    %add3A_215 = vector.broadcast %add3A_214 : i32 to vector<16xi32>
    %add3A_216 = arith.addi %mul3A_3, %add3A_215 : vector<16xi32>
    %gather3A_217 = tpu.vector_load_idx %arg10[%add3A_216] : memref<128xf32, #tpu.memory_space<vmem>>[vector<16xi32>], vector<16xf32>,
    %reduce_sum3A_218 = arith.constant true
    %reduce_sum3A_219 = vector.broadcast %reduce_sum3A_218 : i1 to vector<16xi1>
    %reduce_sum3A_220 = tpu.scan <sum>, %gather3A_217 masked %reduce_sum3A_219 : vector<16xf32>, vector<16xi1> -> vector<16xf32>
    %reduce_sum3A_221 = vector.extract %reduce_sum3A_220[15] : f32 from vector<16xf32>
    %eq3A_222 = arith.constant 6 : i32
    %eq3A_223 = vector.broadcast %eq3A_222 : i32 to vector<16xi32>
    %eq3A_224 = arith.cmpi eq, %iota3A, %eq3A_223 : vector<16xi32>
    %broadcast_in_dim3A_225 = vector.broadcast %reduce_sum3A_213 : f32 to vector<16xf32>
    %select_n3A_226 = arith.select %eq3A_224, %broadcast_in_dim3A_225, %select_n3A_200 : vector<16xi1>, vector<16xf32>
    %eq3A_227 = arith.constant 14 : i32
    %eq3A_228 = vector.broadcast %eq3A_227 : i32 to vector<16xi32>
    %eq3A_229 = arith.cmpi eq, %iota3A, %eq3A_228 : vector<16xi32>
    %broadcast_in_dim3A_230 = vector.broadcast %reduce_sum3A_221 : f32 to vector<16xf32>
    %select_n3A_231 = arith.select %eq3A_229, %broadcast_in_dim3A_230, %select_n3A_205 : vector<16xi1>, vector<16xf32>
    %add3A_232 = arith.constant 7 : i32
    %add3A_233 = vector.broadcast %add3A_232 : i32 to vector<16xi32>
    %add3A_234 = arith.addi %mul3A_3, %add3A_233 : vector<16xi32>
    %gather3A_235 = tpu.vector_load_idx %arg9[%add3A_234] : memref<128xf32, #tpu.memory_space<vmem>>[vector<16xi32>], vector<16xf32>,
    %reduce_sum3A_236 = arith.constant true
    %reduce_sum3A_237 = vector.broadcast %reduce_sum3A_236 : i1 to vector<16xi1>
    %reduce_sum3A_238 = tpu.scan <sum>, %gather3A_235 masked %reduce_sum3A_237 : vector<16xf32>, vector<16xi1> -> vector<16xf32>
    %reduce_sum3A_239 = vector.extract %reduce_sum3A_238[15] : f32 from vector<16xf32>
    %add3A_240 = arith.constant 7 : i32
    %add3A_241 = vector.broadcast %add3A_240 : i32 to vector<16xi32>
    %add3A_242 = arith.addi %mul3A_3, %add3A_241 : vector<16xi32>
    %gather3A_243 = tpu.vector_load_idx %arg10[%add3A_242] : memref<128xf32, #tpu.memory_space<vmem>>[vector<16xi32>], vector<16xf32>,
    %reduce_sum3A_244 = arith.constant true
    %reduce_sum3A_245 = vector.broadcast %reduce_sum3A_244 : i1 to vector<16xi1>
    %reduce_sum3A_246 = tpu.scan <sum>, %gather3A_243 masked %reduce_sum3A_245 : vector<16xf32>, vector<16xi1> -> vector<16xf32>
    %reduce_sum3A_247 = vector.extract %reduce_sum3A_246[15] : f32 from vector<16xf32>
    %eq3A_248 = arith.constant 7 : i32
    %eq3A_249 = vector.broadcast %eq3A_248 : i32 to vector<16xi32>
    %eq3A_250 = arith.cmpi eq, %iota3A, %eq3A_249 : vector<16xi32>
    %broadcast_in_dim3A_251 = vector.broadcast %reduce_sum3A_239 : f32 to vector<16xf32>
    %select_n3A_252 = arith.select %eq3A_250, %broadcast_in_dim3A_251, %select_n3A_226 : vector<16xi1>, vector<16xf32>
    %eq3A_253 = arith.constant 15 : i32
    %eq3A_254 = vector.broadcast %eq3A_253 : i32 to vector<16xi32>
    %eq3A_255 = arith.cmpi eq, %iota3A, %eq3A_254 : vector<16xi32>
    %broadcast_in_dim3A_256 = vector.broadcast %reduce_sum3A_247 : f32 to vector<16xf32>
    %select_n3A_257 = arith.select %eq3A_255, %broadcast_in_dim3A_256, %select_n3A_231 : vector<16xi1>, vector<16xf32>
    %add3A_258 = arith.addf %select_n3A_252, %select_n3A_257 : vector<16xf32>
    %swap3A_259 = arith.constant 0 : index
    %swap3A_260 = tpu.vector_load %arg11[%swap3A_259] {strides = array<i32>} : memref<16xf32, #tpu.memory_space<vmem>>, vector<16xf32>,
    tpu.vector_store %arg11[%swap3A_259], %add3A_258 {strides = array<i32>} : memref<16xf32, #tpu.memory_space<vmem>>, vector<16xf32>,
    "tpu.region"() ({
      %run_scoped3A = tpu.sem_alloc : memref<!tpu.dma_semaphore, #tpu.memory_space<semaphore_mem>>
      %dma_start3A_261 = arith.constant 0 : i32
      %dma_start3A_262 = tpu.memref_slice %arg4[%add3A, %dma_start3A_261] : memref<32x16xf32, #tpu.memory_space<hbm>> -> memref<1x16xf32, #tpu.memory_space<hbm>>
      %dma_start3A_263 = tpu.memref_squeeze %dma_start3A_262 : memref<1x16xf32, #tpu.memory_space<hbm>> -> memref<16xf32, #tpu.memory_space<hbm>>
      %dma_start3A_264 = arith.constant 0 : i32
      %dma_start3A_265 = tpu.memref_slice %arg4[%add3A, %dma_start3A_264] : memref<32x16xf32, #tpu.memory_space<hbm>> -> memref<1x16xf32, #tpu.memory_space<hbm>>
      %dma_start3A_266 = tpu.memref_squeeze %dma_start3A_265 : memref<1x16xf32, #tpu.memory_space<hbm>> -> memref<16xf32, #tpu.memory_space<hbm>>
      tpu.enqueue_dma source(%arg11 : memref<16xf32, #tpu.memory_space<vmem>>) target(%dma_start3A_266 : memref<16xf32, #tpu.memory_space<hbm>>) target_semaphore(%run_scoped3A : memref<!tpu.dma_semaphore, #tpu.memory_space<semaphore_mem>>)
      %dma_wait3A = arith.constant 0 : i32
      %dma_wait3A_267 = tpu.memref_slice %arg4[%add3A, %dma_wait3A] : memref<32x16xf32, #tpu.memory_space<hbm>> -> memref<1x16xf32, #tpu.memory_space<hbm>>
      %dma_wait3A_268 = tpu.memref_squeeze %dma_wait3A_267 : memref<1x16xf32, #tpu.memory_space<hbm>> -> memref<16xf32, #tpu.memory_space<hbm>>
      %dma_wait3A_269 = arith.constant 0 : i32
      %dma_wait3A_270 = tpu.memref_slice %arg4[%add3A, %dma_wait3A_269] : memref<32x16xf32, #tpu.memory_space<hbm>> -> memref<1x16xf32, #tpu.memory_space<hbm>>
      %dma_wait3A_271 = tpu.memref_squeeze %dma_wait3A_270 : memref<1x16xf32, #tpu.memory_space<hbm>> -> memref<16xf32, #tpu.memory_space<hbm>>
      tpu.wait_dma2 semaphore(%run_scoped3A : memref<!tpu.dma_semaphore, #tpu.memory_space<semaphore_mem>>) src(%arg11 : memref<16xf32, #tpu.memory_space<vmem>>) dst(%dma_wait3A_271 : memref<16xf32, #tpu.memory_space<hbm>>)
      tpu.yield
    }) : () -> ()
    return
  }
}

module attributes {stable_mosaic.version = 14 : i64} {
  func.func @_finish_body(%arg0: memref<32x16xf32, #tpu.memory_space<vmem>>, %arg1: memref<1x1xf32, #tpu.memory_space<smem>>) attributes {dimension_semantics = [], scalar_prefetch = 0 : i64, scratch_operands = 0 : i64, tpu.core_type = #tpu.core_type<tc>} {
    %get3A = arith.constant 0 : index
    %get3A_0 = arith.constant 0 : index
    %get3A_1 = vector.load %arg0[%get3A, %get3A_0] : memref<32x16xf32, #tpu.memory_space<vmem>>, vector<32x16xf32>
    %reduce_sum3A = arith.constant dense<0.000000e+00> : vector<16xf32>
    %reduce_sum3A_2 = vector.multi_reduction <add>, %get3A_1, %reduce_sum3A [0] : vector<32x16xf32> to vector<16xf32>
    %broadcast_in_dim3A = vector.shape_cast %reduce_sum3A_2 : vector<16xf32> to vector<1x16xf32>
    %slice3A = vector.extract_strided_slice %broadcast_in_dim3A {offsets = [0, 0], sizes = [1, 8], strides = [1, 1]} : vector<1x16xf32> to vector<1x8xf32>
    %slice3A_3 = vector.extract_strided_slice %broadcast_in_dim3A {offsets = [0, 8], sizes = [1, 8], strides = [1, 1]} : vector<1x16xf32> to vector<1x8xf32>
    %gt3A = arith.constant 0.000000e+00 : f32
    %gt3A_4 = vector.broadcast %gt3A : f32 to vector<1x8xf32>
    %gt3A_5 = arith.cmpf ogt, %slice3A_3, %gt3A_4 : vector<1x8xf32>
    %gt3A_6 = arith.constant 0.000000e+00 : f32
    %gt3A_7 = vector.broadcast %gt3A_6 : f32 to vector<1x8xf32>
    %gt3A_8 = arith.cmpf ogt, %slice3A_3, %gt3A_7 : vector<1x8xf32>
    %jit3A = arith.constant 1.000000e+00 : f32
    %broadcast_in_dim3A_9 = vector.broadcast %jit3A : f32 to vector<1x8xf32>
    %select_n3A = arith.select %gt3A_8, %slice3A_3, %broadcast_in_dim3A_9 : vector<1x8xi1>, vector<1x8xf32>
    %div3A = arith.divf %slice3A, %select_n3A : vector<1x8xf32>
    %select_n3A_10 = arith.select %gt3A_5, %div3A, %slice3A : vector<1x8xi1>, vector<1x8xf32>
    %reduce_sum3A_11 = vector.shape_cast %select_n3A_10 : vector<1x8xf32> to vector<1x1x8xf32>
    %reduce_sum3A_12 = arith.constant dense<0.000000e+00> : vector<1xf32>
    %reduce_sum3A_13 = vector.multi_reduction <add>, %reduce_sum3A_11, %reduce_sum3A_12 [1, 2] : vector<1x1x8xf32> to vector<1xf32>
    %reduce_sum3A_14 = vector.shape_cast %reduce_sum3A_13 : vector<1xf32> to vector<1x1x1xf32>
    %reduce_sum3A_15 = vector.extract %reduce_sum3A_14[0, 0, 0] : f32 from vector<1x1x1xf32>
    %sub3A = arith.constant 1.000000e+00 : f32
    %sub3A_16 = arith.subf %reduce_sum3A_15, %sub3A : f32
    %swap3A = arith.constant 0 : index
    %swap3A_17 = arith.constant 0 : index
    %swap3A_18 = memref.load %arg1[%swap3A, %swap3A_17] : memref<1x1xf32, #tpu.memory_space<smem>>
    memref.store %sub3A_16, %arg1[%swap3A, %swap3A_17] : memref<1x1xf32, #tpu.memory_space<smem>>
    return
  }
}

</mosaic_0001>

<sc_bundles>
// kernel: kernel.4.cloned.1.call-start
scs
__scs_entry_jumppad:
0x0: {  	(pc) =	sbr.rel $0x88, $3  }
0x1: {  	(tag) =	ssettag $0x0;
	lr =	simm.s32 $0x1  }
0x2: {  	[smem:$0x3F9F] =	sst lr;
	_ =	strace $0xD0000000  }
0x3: {  	_ = 	snop  }
0x4: {  	_ = 	snop  }
0x5: {  	_ = 	snop  }
0x6: {  	_ = 	snop  }
0x7: {  	_ = 	snop  }
__scs_overlays_trampoline_lowered:
0x8: {  	[smem:$0x3FAE] =	sst s0  }
0x9: {  	[smem:$0x3FAF] =	sst s1  }
0xa: {  	[smem:$0x3FB0] =	sst s2  }
0xb: {  	[smem:$0x3FB1] =	sst s3  }
0xc: {  	[smem:$0x3FB2] =	sst s4  }
0xd: {  	[smem:$0x3FB3] =	sst s5  }
0xe: {  	[smem:$0x3FB4] =	sst s6  }
0xf: {  	[smem:$0x3FB5] =	sst s7  }
0x10: {  	[smem:$0x3FB6] =	sst s8  }
0x11: {  	[smem:$0x3FB7] =	sst s9;
	s0 =	simm.s32 @!p0 $0x0  }
0x12: {  	s1 =	sld [smem:$0x3F9D];
	s0 =	simm.s32 @p0 $0x1  }
0x13: {  	[smem:$0x3FB8] =	sst s0;
	s0 =	simm.s32 @!p1 $0x0  }
0x14: {  	s2 =	sld [smem:$0x3F9C];
	s0 =	simm.s32 @p1 $0x1  }
0x15: {  	[smem:$0x3FB9] =	sst s0;
	s0 =	simm.s32 @!p2 $0x0  }
0x16: {  	s3 =	sld [smem:$0x3FDB];
	s0 =	simm.s32 @p2 $0x1  }
0x17: {  	s4 =	simm.s32 $0x1BF5;
	[smem:$0x3FBB] =	sst s0  }
0x18: {  	s0 =	sld [smem:$0x3F9E];
	_ =	swait.ge [sflag:s4], $0x0  }
0x19: {  	s7 =	sld [smem:$0x3F9F]  }
0x1a: {  	s8 =	sadd.s32 $0xFFFFE003, lr  }
0x1b: {  	s9 =	sadd.s32 $0xFFFFFEF7, lr;
	s5 =	simm.s32 $0xFFFFFFFF;
	p2 =	slt.u32 s8, $0xFFFFF086  }
0x1c: {  	p1 =	slt.u32 s9, $0xF7A;
	s5 =	simm.s32 @!p2 $0x0  }
0x1d: {  	s5 =	simm.s32 @p1 $0x1;
	p0 =	seq.s32 s7, s2  }
0x1e: {  	s7 =	smul.u32 @!p0 $0xF7A, s2;
	p2 =	seq.s32 @!p0 s5, $0x0  }
0x1f: {  	s9 =	smul.u32 $0xF7A, s1;
	s8 =	simm.s32 @!p0 $0x1BF5;
	p2 =	por !p2, p0  }
0x20: {  	[sflag:s8] =	ssyncset.s32 @!p0 $0xFFFFF086;
	s6 =	sadd.s32 @!p0 s3, s7;
	s7 =	simm.s32 @!p0 $0x108  }
0x21: {  	s3 =	sadd.s32 s3, s9;
	s6 =	sadd.s32 @!p0 $0x88, s6;
	s7 =	simm.s32 @p2 $0x1082  }
0x22: {  	[simem:s7], [sflag:s8] =	dma.local @!p0 [hbm:s6], $0xF7A  }
0x23: {  	s9 =	sor.u32 $0xD0000000, s2;
	s6 =	simm.s32 $0x108;
	_ =	swait.ge @!p0 [sflag:s8], $0x0  }
0x24: {  	s3 =	sadd.s32 $0x88, s3;
	s6 =	simm.s32 @!p1 $0x1082;
	[sflag:s4] =	ssyncset.s32 $0xFFFFF086  }
0x25: {  	[simem:s6], [sflag:s4] =	dma.local [hbm:s3], $0xF7A  }
0x26: {  	[smem:$0x3F9F] =	sst s1;
	(tag) =	ssettag s2;
	_ =	strace s9  }
0x27: {  	s1 =	sld [smem:$0x3FAF]  }
0x28: {  	s2 =	sld [smem:$0x3FB0]  }
0x29: {  	s4 =	sld [smem:$0x3FB2]  }
0x2a: {  	p0 =	seq.s32 s5, $0x0;
	s5 =	sld [smem:$0x3FB3]  }
0x2b: {  	s6 =	sld [smem:$0x3FB4]  }
0x2c: {  	s7 =	sld [smem:$0x3FB5]  }
0x2d: {  	s3 =	simm.s32 $0x108;
	s8 =	sld [smem:$0x3FB6]  }
0x2e: {  	s3 =	simm.s32 @!p0 $0x1082;
	s9 =	sld [smem:$0x3FB7]  }
0x2f: {  	lr =	sadd.s32 s0, s3;
	s0 =	sld [smem:$0x3FAE]  }
0x30: {  	s3 =	sld [smem:$0x3FB1]  }
0x31: {  	[smem:$0x3FBA] =	sst s10  }
0x32: {  	s10 =	sld [smem:$0x3FB8];
	_ =	sdelay $0x3  }
0x33: {  	p0 =	seq.s32 s10, $0x1;
	s10 =	sld [smem:$0x3FBA];
	_ =	sdelay $0x3  }
0x34: {  	[smem:$0x3FBA] =	sst s10  }
0x35: {  	s10 =	sld [smem:$0x3FB9];
	_ =	sdelay $0x3  }
0x36: {  	p1 =	seq.s32 s10, $0x1;
	s10 =	sld [smem:$0x3FBA];
	_ =	sdelay $0x3  }
0x37: {  	[smem:$0x3FBA] =	sst s10  }
0x38: {  	s10 =	sld [smem:$0x3FBB]  }
0x39: {  	_ = 	snop;
	(pc) =	sbr.ind lr, $3  }
0x3a: {  	_ = 	snop  }
0x3b: {  	_ = 	snop  }
0x3c: {  	p2 =	seq.s32 s10, $0x1;
	s10 =	sld [smem:$0x3FBA]  }
0x3d: {  	_ =	shalt  }
0x3e: {  	_ =	shalt  }
0x3f: {  	_ =	shalt  }
0x40: {  	_ =	shalt  }
0x41: {  	_ =	shalt  }
0x42: {  	_ =	shalt  }
0x43: {  	_ =	shalt  }
0x44: {  	_ =	shalt  }
0x45: {  	_ =	shalt  }
0x46: {  	_ =	shalt  }
0x47: {  	_ =	shalt  }
0x48: {  	_ =	shalt  }
0x49: {  	_ =	shalt  }
0x4a: {  	_ =	shalt  }
0x4b: {  	_ =	shalt  }
0x4c: {  	_ =	shalt  }
0x4d: {  	_ =	shalt  }
0x4e: {  	_ =	shalt  }
0x4f: {  	_ =	shalt  }
0x50: {  	_ =	shalt  }
0x51: {  	_ =	shalt  }
0x52: {  	_ =	shalt  }
0x53: {  	_ =	shalt  }
0x54: {  	_ =	shalt  }
0x55: {  	_ =	shalt  }
0x56: {  	_ =	shalt  }
0x57: {  	_ =	shalt  }
0x58: {  	_ =	shalt  }
0x59: {  	_ =	shalt  }
0x5a: {  	_ =	shalt  }
0x5b: {  	_ =	shalt  }
0x5c: {  	_ =	shalt  }
0x5d: {  	_ =	shalt  }
0x5e: {  	_ =	shalt  }
0x5f: {  	_ =	shalt  }
0x60: {  	_ =	shalt  }
0x61: {  	_ =	shalt  }
0x62: {  	_ =	shalt  }
0x63: {  	_ =	shalt  }
0x64: {  	_ =	shalt  }
0x65: {  	_ =	shalt  }
0x66: {  	_ =	shalt  }
0x67: {  	_ =	shalt  }
0x68: {  	_ =	shalt  }
0x69: {  	_ =	shalt  }
0x6a: {  	_ =	shalt  }
0x6b: {  	_ =	shalt  }
0x6c: {  	_ =	shalt  }
0x6d: {  	_ =	shalt  }
0x6e: {  	_ =	shalt  }
0x6f: {  	_ =	shalt  }
0x70: {  	_ =	shalt  }
0x71: {  	_ =	shalt  }
0x72: {  	_ =	shalt  }
0x73: {  	_ =	shalt  }
0x74: {  	_ =	shalt  }
0x75: {  	_ =	shalt  }
0x76: {  	_ =	shalt  }
0x77: {  	_ =	shalt  }
0x78: {  	_ =	shalt  }
0x79: {  	_ =	shalt  }
0x7a: {  	_ =	shalt  }
0x7b: {  	_ =	shalt  }
0x7c: {  	_ =	shalt  }
0x7d: {  	_ =	shalt  }
0x7e: {  	_ =	shalt  }
0x7f: {  	_ =	shalt  }
0x80: {  	_ =	shalt  }
0x81: {  	_ =	shalt  }
0x82: {  	_ =	shalt  }
0x83: {  	_ =	shalt  }
0x84: {  	_ =	shalt  }
0x85: {  	_ =	shalt  }
0x86: {  	_ =	shalt  }
0x87: {  	_ =	shalt  }
.Lfunc_end0:
.L_simem_size_0:
called_computation_lowered:
.L_overlay_start_0:
0x88: {  	s2 =	sld [smem:$0x3FD9]  }
0x89: {  	s3 =	sld [smem:$0x3FFE];
	_ =	sdelay $0x1  }
0x8a: {  	s1 =	srdreg.scid  }
0x8b: {  	s0 =	sand.u32 $0x1, s1  }
0x8c: {  	s17 =	sshll.u32 s0, $0xA;
	s2 =	sadd.s32 s3, s2  }
0x8d: {  	s2 =	sadd.s32 s2, s17  }
0x8e: {  	[smem:$0x3FC6] =	sst s2  }
0x8f: {  	_ = 	snop  }
0x90: {  	s2 =	sld [smem:$0x3FC9]  }
0x91: {  	s18 =	sld [smem:$0x3FC8];
	(tm) =	ssettm $0x1  }
0x92: {  	s4 =	sld [smem:$0x3FFB];
	_ =	sdelay $0x3  }
0x93: {  	_ =	strace s4  }
0x94: {  	s4 =	sld [smem:$0x3FFC];
	_ =	sdelay $0x3  }
0x95: {  	_ =	strace s4  }
0x96: {  	s4 =	sld [smem:$0x3FFD];
	_ =	sdelay $0x3  }
0x97: {  	_ =	strace s4  }
0x98: {  	_ =	strace $0x8FFFFFFF  }
0x99: {  	s19 =	sld [smem:$0x3FDB];
	_ =	sdelay $0x1  }
0x9a: {  	s5 =	simm.s32 $_scs_section_size  }
0x9b: {  	s6 =	simm.s32 $_size__tile_overlayer_lowered;
	s7 =	simm.s32 $_tile_overlayer_lowered  }
0x9c: {  	s22 =	simm.s32 $0x1BFF;
	s21 =	sshll.u32 s7, $0x1;
	s4 =	sadd.s32 s5, s19  }
0x9d: {  	s8 =	simm.s32 $0x0;
	s20 =	sshll.u32 s6, $0x1;
	s6 =	sadd.s32 s21, s4  }
0x9e: {  	[timem:s8], [sflag:s22] =	dma.local [hbm:s6], s20  }
0x9f: {  	_ =	swait.ge [sflag:s22], s20  }
0xa0: {  	s5 =	ssub.s32 $0x0, s20;
	[sflag:s22] =	ssyncset.done $0x0  }
0xa1: {  	[sflag:s22] =	ssyncadd.s32 s5;
	_ =	sdelay $0x1  }
0xa2: {  	s23 =	simm.s32 $0x1B8B  }
0xa3: {  	_ =	swait.ge [sflag:s23], $0x1  }
0xa4: {  	[sflag:s23] =	ssyncset.done $0x0  }
0xa5: {  	s25 =	simm.s32 $0x1B8E;
	s24 =	sld [smem:$0x3FFE];
	[sflag:s23] =	ssyncadd.s32 $0xFFFFFFFF  }
0xa6: {  	s26 =	simm.s32 $execute0_lowered;
	[smem:$0x3FD2] =	sst s25  }
0xa7: {  	s6 =	sshll.u32 s26, $0x1;
	_ =	strace $0x80000046;
	[dreg:$0x1] =	wrdreg $0xFFFFFFFF  }
0xa8: {  	s28 =	simm.s32 $_size_execute0_lowered;
	s4 =	sadd.s32 s4, s6;
	[dreg:$0x0] =	wrdreg $0x0  }
0xa9: {  	s6 =	sshll.u32 s28, $0x1;
	[dreg:$0x2] =	wrdreg s4  }
0xaa: {  	[dreg:$0x3] =	wrdreg s6  }
0xab: {  	[dreg:$0x4] =	wrdreg $0xC0  }
0xac: {  	_ =	task [dreg:s8], $0x5FFFF  }
0xad: {  	[dreg:$0x1] =	wrdreg $0xFFFFFFFF  }
0xae: {  	[dreg:$0x0] =	wrdreg $0x60  }
0xaf: {  	[dreg:$0x2] =	wrdreg s2  }
0xb0: {  	[dreg:$0x3] =	wrdreg s18  }
0xb1: {  	[dreg:$0x4] =	wrdreg s24  }
0xb2: {  	[dreg:$0x5] =	wrdreg $0x9  }
0xb3: {  	_ =	task.clear_ibuf [dreg:s8], $0x6FFFF;
	_ =	strace $0x90000046  }
0xb4: {  	s29 =	simm.s32 $0x9;
	_ =	strace $0x80000048  }
0xb5: {  	_ =	swait.ge [sflag:s29], $0x1  }
0xb6: {  	[sflag:s29] =	ssyncadd.s32 $0xFFFFFFFF  }
0xb7: {  	_ =	strace $0x90000048  }
0xb8: {  	_ =	sfence  }
0xb9: {  	s30 =	sld [smem:$0x0];
	_ =	sdelay $0x2  }
0xba: {  	s31 =	sshll.u32 s1, $0xD;
	s1 =	sshrl.u32 s1, $0x2  }
0xbb: {  	s3 =	sand.u32 $0x4000, s31;
	s1 =	sadd.s32 s1, s30  }
0xbc: {  	s0 =	sor.u32 s3, s0;
	s1 =	sshll.u32 s1, $0x11  }
0xbd: {  	s0 =	sor.u32 s1, s0  }
0xbe: {  	s0 =	sadd.s32 $0x8F2B, s0  }
0xbf: {  	[sflag:s0] =	ssyncadd.remote.s32 $0x1  }
0xc0: {  	_ =	sfence.sel $0xFFFF  }
0xc1: {  	[dreg:$0x0] =	wrdreg $0xFFFFFFFF;
	(pc) =	sbr.abs _section_cstart, $3  }
0xc2: {  	[dreg:$0x1] =	wrdreg $0xFFFFFFFF  }
0xc3: {  	_ =	task.clear_ibuf [dreg:s8], $0x2FFFF;
	_ =	strace $0x9FFFFFFF  }
0xc4: {  	(tm) =	ssettm $0x7FFFFFFF  }
0xc5: {  	_ =	shalt  }
tec
execute0_lowered:
.L_overlay_start_1:
0x0: {  	(tag) =	ssettag $0x1  }
0x1: {  	s1 =	rddreg [dreg:$0x0]  }
0x2: {  	s10 =	rddreg [dreg:$0x1]  }
0x3: {  	s0 =	rddreg [dreg:$0x2]  }
0x4: {  	s2 =	srdreg.scid;
	s3 =	stileid.u32  }
0x5: {  	s4 =	simm.s32 $0x0;
	s13 =	simm.s32 $0x6400;
	s15 =	simm.s32 $0x1  }
0x6: {  	s16 =	simm.s32 $0xE100;
	s2 =	sand.u32 $0x1, s2;
	s5 =	sshll.u32 s3, $0x1  }
0x7: {  	s17 =	simm.s32 $0xE180;
	[smem:$0x7FF] =	sst s4;
	s5 =	sor.u32 s2, s5  }
0x8: {  	v0 =	vlaneseq.u32;
	v1 =	vimm.f32 $0.0e+00;
	v3 =	vimm.f32 $1.000000000e+00;
	_ =	strace $0x80000047;
	s2 =	ssub.s32 $0x2, s2;
	s6 =	smul.u32 $0xC80, s5  }
0x9: {  	vm0 =	vmmov $0x1;
	vm1 =	vcmask $0x2320;
	vm2 =	vcmask $0x320;
	s7 =	sshll.u32 s5, $0x4;
	s8 =	sshrl.u32 s2, $0x1;
	s9 =	smul.u32 $0x190, s5  }
0xa: {  	vm3 =	vmmov $0x1ff;
	vm4 =	vcmask $0x720;
	vm5 =	vmmov $0x3ff;
	[dreg:$0x4] =	wrdreg s5;
	s0 =	sadd.s32 s7, s0;
	s26 =	sadd.s32 s1, s6  }
0xb: {  	vm6 =	vcmask $0xB20;
	vm7 =	vmmov $0x7ff;
	vm8 =	vcmask $0xF20;
	s2 =	ssub.s32 s2, s8;
	s28 =	sadd.s32 s10, s9;
	[dreg:$0x5] =	wrdreg s26  }
.Ltmp0:
0xc: {  	vm9 =	vmmov $0xfff;
	vm10 =	vcmask $0x1320;
	v2 =	vmul.u32 $0x8, v0;
	s0 =	sadd.s32 $0x600, s0;
	[dreg:$0x6] =	wrdreg s28;
	(pc) =	sbr.rel .LBB2_1-.Ltmp0, $4  }
0xd: {  	vm11 =	vmmov $0x1fff;
	vm12 =	vcmask $0x1720;
	vm13 =	vmmov $0x3fff;
	s25 =	sadd.s32 $0x60E000, s6;
	s31 =	smax.u32 s2, $0x1;
	[dreg:$0x9] =	wrdreg s0  }
0xe: {  	vm14 =	vcmask $0x1B20;
	vm15 =	vmmov $0x7fff;
	v4 =	vor.u32 $0x1, v2;
	s29 =	sshrl.u32 s25, $0x3;
	s1 =	sadd.s32 s1, s25;
	[dreg:$0xa] =	wrdreg s31  }
0xf: {  	s18 =	simm.s32 $0x2;
	v5 =	vor.u32 $0x2, v2;
	v6 =	vor.u32 $0x3, v2;
	v7 =	vor.u32 $0x4, v2;
	[dreg:$0x7] =	wrdreg s1;
	s30 =	sadd.s32 s10, s29  }
0x10: {  	p0 =	sgt.u32 s3, $0x7;
	v8 =	vor.u32 $0x5, v2;
	v9 =	vor.u32 $0x6, v2;
	v10 =	vor.u32 $0x7, v2;
	s2 =	simm.s32 $0x0;
	[dreg:$0x8] =	wrdreg s30  }
.LBB2_11:
0x11: {  	_ =	sdelay $0x3  }
0x12: {  	v11 =	vld.idx.msk [tilespmem:v2+s16+$0x0], $0xffff  }
0x13: {  	v12 =	vld.idx.msk [tilespmem:v2+s17+$0x0], $0xffff  }
0x14: {  	v13 =	vld.idx.msk [tilespmem:v4+s16+$0x0], $0xffff  }
0x15: {  	v14 =	vld.idx.msk [tilespmem:v4+s17+$0x0], $0xffff  }
0x16: {  	v15 =	vld.idx.msk [tilespmem:v5+s16+$0x0], $0xffff  }
0x17: {  	(xrf2) =	vadd.scan.msk.f32 $0xffff, v11;
	v11 =	vld.idx.msk [tilespmem:v5+s17+$0x0], $0xffff  }
0x18: {  	v38 =	vld.idx.msk [tilespmem:v6+s16+$0x0], $0xffff;
	(xrf2) =	vadd.scan.msk.f32 $0xffff, v12  }
0x19: {  	v39 =	vld.idx.msk [tilespmem:v6+s17+$0x0], $0xffff;
	(xrf2) =	vadd.scan.msk.f32 $0xffff, v13  }
0x1a: {  	v40 =	vld.idx.msk [tilespmem:v7+s16+$0x0], $0xffff;
	(xrf2) =	vadd.scan.msk.f32 $0xffff, v14  }
0x1b: {  	v41 =	vld.idx.msk [tilespmem:v7+s17+$0x0], $0xffff;
	(xrf2) =	vadd.scan.msk.f32 $0xffff, v15  }
0x1c: {  	(xrf2) =	vadd.scan.msk.f32 $0xffff, v11;
	v11 =	vld.idx.msk [tilespmem:v8+s16+$0x0], $0xffff  }
0x1d: {  	v42 =	vld.idx.msk [tilespmem:v8+s17+$0x0], $0xffff;
	(xrf2) =	vadd.scan.msk.f32 $0xffff, v38  }
0x1e: {  	v43 =	vld.idx.msk [tilespmem:v9+s16+$0x0], $0xffff;
	(xrf2) =	vadd.scan.msk.f32 $0xffff, v39  }
0x1f: {  	v44 =	vld.idx.msk [tilespmem:v9+s17+$0x0], $0xffff;
	(xrf2) =	vadd.scan.msk.f32 $0xffff, v40  }
0x20: {  	v45 =	vld.idx.msk [tilespmem:v10+s16+$0x0], $0xffff;
	(xrf2) =	vadd.scan.msk.f32 $0xffff, v41  }
0x21: {  	v16, _, _ =	vpop (xrf2);
	(xrf2) =	vadd.scan.msk.f32 $0xffff, v11  }
0x22: {  	v46 =	vld.idx.msk [tilespmem:v10+s17+$0x0], $0xffff;
	v11, _, _ =	vpop (xrf2);
	(xrf2) =	vadd.scan.msk.f32 $0xffff, v42  }
0x23: {  	v17, _, _ =	vpop (xrf2);
	(xrf2) =	vadd.scan.msk.f32 $0xffff, v43  }
0x24: {  	v47, _, _ =	vpop (xrf2);
	(xrf2) =	vadd.scan.msk.f32 $0xffff, v44  }
0x25: {  	v48, _, _ =	vpop (xrf2);
	(xrf2) =	vadd.scan.msk.f32 $0xffff, v45  }
0x26: {  	v49, _, _ =	vpop (xrf2)  }
0x27: {  	v16 =	vbroadcast v16, $0xF;
	v11 =	vbroadcast v11, $0xF;
	(xrf2) =	vadd.scan.msk.f32 $0xffff, v46;
	v18, _, _ =	vpop (xrf2)  }
0x28: {  	v17 =	vbroadcast v17, $0xF;
	v50, _, _ =	vpop (xrf2)  }
0x29: {  	v16 =	vnsel vm0, $0x0, v16;
	v11 =	vnsel vm1, $0x0, v11;
	v13 =	vbroadcast v47, $0xF;
	v19, _, _ =	vpop (xrf2)  }
0x2a: {  	v16 =	vsel vm2, v16, v17;
	v14 =	vbroadcast v48, $0xF;
	v15 =	vbroadcast v49, $0xF;
	v20, _, _ =	vpop (xrf2)  }
0x2b: {  	v11 =	vsel vm3, v11, v13;
	v52 =	vbroadcast v18, $0xF;
	v12 =	vbroadcast v50, $0xF;
	v51, _, _ =	vpop (xrf2)  }
0x2c: {  	v14 =	vsel vm4, v16, v14;
	v11 =	vsel vm5, v11, v15;
	v54 =	vbroadcast v19, $0xF;
	v53, _, _ =	vpop (xrf2)  }
0x2d: {  	v13 =	vsel vm6, v14, v52;
	v11 =	vsel vm7, v11, v12;
	v56 =	vbroadcast v20, $0xF;
	v55, _, _ =	vpop (xrf2)  }
0x2e: {  	v13 =	vsel vm8, v13, v54;
	v58 =	vbroadcast v51, $0xF;
	v59 =	vbroadcast v53, $0xF;
	v57, _, _ =	vpop (xrf2)  }
0x2f: {  	v11 =	vsel vm9, v11, v56;
	v61 =	vbroadcast v55, $0xF;
	v60, _, _ =	vpop (xrf2);
	v14 =	vbroadcast v57, $0xF  }
0x30: {  	v13 =	vsel vm10, v13, v58;
	v11 =	vsel vm11, v11, v59;
	v62 =	vbroadcast v60, $0xF  }
0x31: {  	v12 =	vsel vm12, v13, v61;
	v63, _, _ =	vpop (xrf2);
	v11 =	vsel vm13, v11, v14  }
0x32: {  	v12 =	vsel vm14, v12, v62;
	v11 =	vsel vm15, v11, v63  }
0x33: {  	v11 =	vadd.f32 v11, v12;
	_ =	sdelay $0x1  }
0x34: {  	s0 =	rddreg [dreg:$0x9];
	s1 =	simm.s32 $0xE200;
	s30 =	simm.s32 $0x3;
	[tilespmem:$0xE200] =	vst v11  }
0x35: {  	[hbm4b:s0+s4] =	stream.linear.scatter [tilespmem:s1], [sflag:$0x3], $0x80, $0x38;
	[tilespmem:$0xE280] =	vst v63  }
0x36: {  	_ =	swait.ge [sflag:s30], $0x80  }
0x37: {  	s2 =	sadd.s32 $0x1, s2;
	s31 =	rddreg [dreg:$0xa]  }
0x38: {  	p1 =	sne.s32 s2, s31  }
.Ltmp1:
0x39: {  	_ = 	snop;
	(pc) =	sbr.rel @!p1 .LBB2_12-.Ltmp1, $3  }
0x3a: {  	_ =	sdelay $0x1  }
0x3b: {  	[sflag:s30] =	ssyncset.done $0x0  }
0x3c: {  	[sflag:s30] =	ssyncadd.s32 $0xFFFFFF80  }
.LBB2_1:
0x3d: {  	[tilespmem:$0xE100] =	vst v1  }
0x3e: {  	[tilespmem:$0xE180] =	vst v1  }
0x3f: {  	[tilespmem:$0xE110] =	vst v1  }
0x40: {  	[tilespmem:$0xE190] =	vst v1  }
0x41: {  	[tilespmem:$0xE120] =	vst v1  }
0x42: {  	[tilespmem:$0xE1A0] =	vst v1  }
0x43: {  	[tilespmem:$0xE130] =	vst v1  }
0x44: {  	[tilespmem:$0xE1B0] =	vst v1  }
0x45: {  	[tilespmem:$0xE140] =	vst v1  }
0x46: {  	[tilespmem:$0xE1C0] =	vst v1  }
0x47: {  	[tilespmem:$0xE150] =	vst v1  }
0x48: {  	[tilespmem:$0xE1D0] =	vst v1  }
0x49: {  	[tilespmem:$0xE160] =	vst v1  }
0x4a: {  	[tilespmem:$0xE1E0] =	vst v1  }
0x4b: {  	[dreg:$0xb] =	wrdreg s2;
	[tilespmem:$0xE170] =	vst v1  }
0x4c: {  	[tilespmem:$0xE1F0] =	vst v1;
	s0 =	rddreg [dreg:$0x5]  }
0x4d: {  	[tilespmem:s4], [sflag:$0x1] =	stream.linear.gather [hbm4b:s0+s4], $0x6400, $0x38;
	[tilespmem:$0xE280] =	vst v63  }
0x4e: {  	s31 =	rddreg [dreg:$0x6];
	s1 =	simm.s32 $0xC800;
	s22 =	simm.s32 $0x0  }
0x4f: {  	[tilespmem:s1], [sflag:$0x1] =	stream.linear.gather [hbm4b:s31+s4], $0xC80, $0x38;
	[tilespmem:$0xE280] =	vst v63  }
.LBB2_2:
0x50: {  	s0 =	sshll.u32 s22, $0x6;
	s1 =	rddreg [dreg:$0x4]  }
0x51: {  	s0 =	sor.u32 s1, s0  }
0x52: {  	s23 =	smul.u32 $0xC80, s0;
	_ =	sdelay $0x1  }
0x53: {  	s5 =	rddreg [dreg:$0x0];
	s25 =	simm.s32 $0x0;
	s0 =	sadd.s32 $0x19000, s23  }
0x54: {  	s6 =	rddreg [dreg:$0x1];
	s2 =	sadd.s32 s5, s0;
	s0 =	sshrl.u32 s0, $0x3  }
0x55: {  	[tilespmem:s13], [sflag:$0x2] =	stream.linear.gather [hbm4b:s2+s25], $0x6400, $0x38;
	[tilespmem:$0xE280] =	vst v63  }
0x56: {  	s7 =	simm.s32 $0xD480;
	s0 =	sadd.s32 s6, s0  }
0x57: {  	[tilespmem:s7], [sflag:$0x2] =	stream.linear.gather [hbm4b:s0+s25], $0xC80, $0x38;
	[tilespmem:$0xE280] =	vst v63  }
0x58: {  	_ =	swait.ge [sflag:s15], $0x6400  }
0x59: {  	[sflag:s15] =	ssyncset.done $0x0  }
0x5a: {  	[sflag:s15] =	ssyncadd.s32 $0xFFFF9C00  }
0x5b: {  	s8 =	simm.s32 $0x30;
	_ =	swait.ge [sflag:s15], $0xC80  }
0x5c: {  	s24 =	simm.s32 $0xC820;
	s26 =	sand.u32 $0x7C00, s25;
	[sflag:s15] =	ssyncset.done $0x0  }
0x5d: {  	s9 =	sand.u32 $0x70, s8;
	s19 =	sand.u32 $0x7, s25;
	[sflag:s15] =	ssyncadd.s32 $0xFFFFF380  }
0x5e: {  	s19 =	sshll.u32 s19, $0x4;
	s2 =	sor.u32 s9, s26;
	v11 =	vld [tilespmem:s24+$0x10]  }
0x5f: {  	s19 =	sadd.s32 $0x0, s19;
	v12 =	vld [tilespmem:s2+$0x0]  }
0x60: {  	s28 =	sadd.s32 $0x30, s19;
	v13 =	vld [tilespmem:s2+$0x80]  }
0x61: {  	s12 =	sor.u32 $0x300, s28;
	v14 =	vld [tilespmem:s2+$0x100]  }
0x62: {  	v18 =	vld [tilespmem:s12+$0x0]  }
0x63: {  	s10 =	sor.u32 $0x200, s28;
	v15 =	vld [tilespmem:s2+$0x180]  }
0x64: {  	s11 =	sor.u32 $0x280, s28;
	v16 =	vld [tilespmem:s10+$0x0]  }
0x65: {  	v17 =	vld [tilespmem:s11+$0x0];
	v12 =	vmul.f32 $1.442695020e+00, v12  }
0x66: {  	s14 =	sor.u32 $0x380, s28;
	v13 =	vmul.f32 $1.442695020e+00, v13;
	v14 =	vmul.f32 $1.442695020e+00, v14  }
0x67: {  	v19 =	vld [tilespmem:s14+$0x0];
	v18 =	vmul.f32 $1.442695020e+00, v18;
	(erf) = vpow2.f32 v12  }
0x68: {  	s19 =	sadd.s32 $0x10, s19;
	v12 =	vmul.f32 $1.442695020e+00, v15;
	(erf) = vpow2.f32 v13  }
0x69: {  	s20 =	sand.u32 $0x3, s25;
	s28 =	sor.u32 $0x200, s19;
	v20 =	vshrl.u32 v11, $0x3;
	v15 =	vmul.f32 $1.442695020e+00, v16;
	(erf) = vpow2.f32 v14  }
0x6a: {  	s29 =	sor.u32 $0x280, s19;
	s2 =	sshll.u32 s20, $0x5;
	v16 =	vmul.f32 $1.442695020e+00, v17;
	v13 =	vld [tilespmem:s28+$0x0];
	(erf) = vpow2.f32 v12;
	v12 =	vmov s8  }
0x6b: {  	s2 =	sadd.s32 $0x0, s2;
	v20 =	vmul.u32 $0x6400, v20;
	s28 =	sor.u32 $0x300, s19;
	v14 =	vld [tilespmem:s29+$0x0];
	(erf) = vpow2.f32 v15;
	v12 =	vshll.u32 v12, $0x3  }
0x6c: {  	s2 =	sadd.s32 $0x20, s2;
	v19 =	vmul.f32 $1.442695020e+00, v19;
	s19 =	sor.u32 $0x380, s19;
	v17 =	vld [tilespmem:s28+$0x0];
	(erf) = vpow2.f32 v16;
	v12 =	vand.u32 $0x7C00, v12  }
0x6d: {  	p1 =	por $0x0, $0x0;
	v21 =	vshll.u32 v11, $0x7;
	s28 =	simm.s32 $0x1;
	s29 =	sor.u32 $0x200, s2;
	v15 =	vld [tilespmem:s19+$0x0];
	(erf) = vpow2.f32 v18;
	v12 =	vadd.s32 v12, v20  }
0x6e: {  	s21 =	sor.u32 $0x280, s2;
	s28 =	simm.s32 @!p1 $0x0;
	v16 =	vld [tilespmem:s29+$0x0];
	v20 =	vand.u32 $0x380, v21;
	(erf) = vpow2.f32 v19;
	v19 =	vor.u32 s8, v0  }
0x6f: {  	s28 =	sshll.u32 s28, $0x6;
	s29 =	sor.u32 $0x300, s2;
	v18 =	vld [tilespmem:s21+$0x0];
	v19 =	vand.u32 $0x7F, v19  }
0x70: {  	s31 =	sadd.s32 $0x0, s28;
	s2 =	sor.u32 $0x380, s2;
	v22 =	vld [tilespmem:s29+$0x0];
	v13 =	vmul.f32 $1.442695020e+00, v13  }
0x71: {  	s1 =	sor.u32 $0x200, s31;
	v21 =	vld [tilespmem:s2+$0x0];
	v12 =	vor.u32 v20, v12;
	v14 =	vmul.f32 $1.442695020e+00, v14;
	v20 =	vpop (erf)  }
0x72: {  	s3 =	sor.u32 $0x280, s31;
	v23 =	vld [tilespmem:s1+$0x0];
	v17 =	vmul.f32 $1.442695020e+00, v17;
	v12 =	vor.u32 v19, v12;
	v19 =	vpop (erf)  }
0x73: {  	s5 =	simm.s32 $0x10;
	s19 =	sor.u32 $0x380, s31;
	v24 =	vld [tilespmem:s3+$0x0];
	(erf) = vpow2.f32 v13;
	v15 =	vmul.f32 $1.442695020e+00, v15;
	v25 =	vpop (erf)  }
0x74: {  	s6 =	sand.u32 $0x50, s5;
	s28 =	sor.u32 $0x300, s31;
	v29 =	vld [tilespmem:s19+$0x0];
	(erf) = vpow2.f32 v14;
	v16 =	vmul.f32 $1.442695020e+00, v16;
	v13 =	vpop (erf)  }
0x75: {  	s2 =	sor.u32 s6, s26;
	v27 =	vld [tilespmem:s28+$0x0];
	v18 =	vmul.f32 $1.442695020e+00, v18;
	v22 =	vmul.f32 $1.442695020e+00, v22;
	v14 =	vpop (erf)  }
0x76: {  	v26 =	vmov s25;
	s7 =	simm.s32 $0x20;
	v30 =	vld [tilespmem:s2+$0x0];
	v21 =	vmul.f32 $1.442695020e+00, v21;
	(erf) = vpow2.f32 v17;
	v17 =	vpop (erf)  }
0x77: {  	v26 =	vshll.u32 v26, $0x3;
	s28 =	sand.u32 $0x60, s7;
	v23 =	vmul.f32 $1.442695020e+00, v23;
	v12 =	vld.idx.msk [tilespmem:v12+s4+$0x0], $0xffff;
	(erf) = vpow2.f32 v15;
	v15 =	vpop (erf)  }
0x78: {  	s28 =	sor.u32 s28, s26;
	v24 =	vmul.f32 $1.442695020e+00, v24;
	v19 =	vadd.f32 v19, v20;
	v13 =	vadd.f32 v13, v25;
	v20 =	vpop (erf)  }
0x79: {  	v25 =	vmul.f32 $1.442695020e+00, v29;
	v29 =	vld [tilespmem:s28+$0x180];
	v14 =	vadd.f32 v17, v14;
	v15 =	vadd.f32 v20, v15  }
0x7a: {  	v31 =	vld [tilespmem:s2+$0x80];
	s8 =	sand.u32 $0x40, s25;
	v17 =	vand.u32 $0x7C00, v26;
	v13 =	vadd.f32 v13, v19;
	(erf) = vpow2.f32 v16  }
0x7b: {  	s9 =	sor.u32 s8, s26;
	v26 =	vld [tilespmem:s2+$0x180];
	v19 =	vmul.f32 $1.442695020e+00, v30;
	(erf) = vpow2.f32 v18;
	v14 =	vadd.f32 v15, v14  }
0x7c: {  	v28 =	vor.u32 s25, v0;
	v30 =	vld [tilespmem:s9+$0x0];
	(erf) = vpow2.f32 v22;
	v12 =	vmul.f32 $1.442695020e+00, v12  }
0x7d: {  	v20 =	vmul.f32 $1.442695020e+00, v27;
	(erf) = vpow2.f32 v21;
	v13 =	vadd.f32 v14, v13  }
0x7e: {  	v28 =	vand.u32 $0x4F, v28;
	v16 =	vld [tilespmem:s2+$0x100];
	v29 =	vmul.f32 $1.442695020e+00, v29;
	(erf) = vpow2.f32 v12  }
0x7f: {  	v27 =	vld [tilespmem:s28+$0x0];
	v15 =	vmov s5;
	v21 =	vmul.f32 $1.442695020e+00, v31;
	(erf) = vrcp.f32 v13  }
0x80: {  	v18 =	vld [tilespmem:s28+$0x80];
	v12 =	vmov s7;
	v26 =	vmul.f32 $1.442695020e+00, v26;
	(erf) = vpow2.f32 v23  }
0x81: {  	v32 =	vpop (erf);
	v22 =	vld [tilespmem:s28+$0x100];
	v15 =	vshll.u32 v15, $0x3;
	v30 =	vmul.f32 $1.442695020e+00, v30;
	(erf) = vpow2.f32 v24  }
0x82: {  	v34 =	vpop (erf);
	v14 =	vor.u32 s5, v0;
	v13 =	vld [tilespmem:s24+$0xFFFFFFF0];
	v24 =	vshll.u32 v12, $0x3;
	(erf) = vpow2.f32 v20  }
0x83: {  	v31 =	vld [tilespmem:s9+$0x80];
	v16 =	vmul.f32 $1.442695020e+00, v16;
	v35 =	vpop (erf);
	v23 =	vor.u32 s7, v0;
	(erf) = vpow2.f32 v25  }
0x84: {  	v15 =	vand.u32 $0x7C00, v15;
	v27 =	vmul.f32 $1.442695020e+00, v27;
	v12 =	vld [tilespmem:s24+$0xFFFFFFE0];
	v25 =	vpop (erf);
	(erf) = vpow2.f32 v19  }
0x85: {  	v18 =	vmul.f32 $1.442695020e+00, v18;
	v19 =	vand.u32 $0x7C00, v24;
	v24 =	vpop (erf);
	(erf) = vpow2.f32 v21  }
0x86: {  	v20 =	vand.u32 $0x5F, v14;
	v14 =	vld [tilespmem:s24+$0x0];
	v21 =	vand.u32 $0x6F, v23;
	v23 =	vpop (erf);
	(erf) = vpow2.f32 v16  }
0x87: {  	v22 =	vmul.f32 $1.442695020e+00, v22;
	v37 =	vshrl.u32 v13, $0x3;
	v63 =	vpop (erf);
	(erf) = vpow2.f32 v26  }
0x88: {  	v31 =	vmul.f32 $1.442695020e+00, v31;
	v37 =	vmul.u32 $0x6400, v37;
	v26 =	vpop (erf);
	(erf) = vpow2.f32 v27  }
0x89: {  	v16 =	vadd.f32 v34, v32;
	v41 =	vshrl.u32 v12, $0x3;
	v27 =	vpop (erf);
	(erf) = vpow2.f32 v18  }
0x8a: {  	v36 =	vshll.u32 v12, $0x7;
	v34 =	vmul.u32 $0x6400, v41;
	v18 =	vpop (erf);
	(erf) = vpow2.f32 v22  }
0x8b: {  	v38 =	vshrl.u32 v14, $0x3;
	v41 =	vshll.u32 v14, $0x7;
	v22 =	vld [tilespmem:s9+$0x180];
	v39 =	vpop (erf);
	(erf) = vpow2.f32 v29  }
0x8c: {  	v33 =	vld [tilespmem:s9+$0x100];
	v15 =	vadd.s32 v15, v37;
	v17 =	vadd.s32 v17, v34;
	v40 =	vpop (erf);
	(erf) = vpow2.f32 v30  }
0x8d: {  	v29 =	vshll.u32 v13, $0x7;
	v30 =	vpop (erf);
	(erf) = vpow2.f32 v31;
	v31 =	vand.u32 $0x380, v36  }
0x8e: {  	v38 =	vmul.u32 $0x6400, v38;
	v29 =	vand.u32 $0x380, v29;
	v17 =	vor.u32 v31, v17  }
0x8f: {  	v43 =	vand.u32 $0x380, v41;
	v15 =	vor.u32 v29, v15;
	v17 =	vor.u32 v28, v17  }
0x90: {  	s10 =	simm.s32 $0x70;
	s21 =	simm.s32 $0x200;
	v19 =	vadd.s32 v19, v38;
	v42 =	vpop (erf);
	v15 =	vor.u32 v20, v15;
	v22 =	vmul.f32 $1.442695020e+00, v22  }
0x91: {  	s20 =	simm.s32 $0x4;
	s11 =	sand.u32 $0x70, s10;
	v33 =	vmul.f32 $1.442695020e+00, v33;
	s24 =	sand.u32 $0x7C00, s21;
	v19 =	vor.u32 v43, v19;
	v20 =	vadd.f32 v25, v35;
	v31 =	vpop (erf)  }
0x92: {  	s0 =	sand.u32 $0x7, s20;
	s19 =	sor.u32 s11, s24;
	v18 =	vmul.f32 v18, v27;
	v21 =	vor.u32 v21, v19;
	v28 =	vpop (erf)  }
0x93: {  	s0 =	sshll.u32 s0, $0x4;
	s31 =	simm.s32 $0x50;
	v44 =	vld [tilespmem:s19+$0x100];
	v16 =	vadd.f32 v20, v16;
	v20 =	vadd.f32 v23, v24;
	(erf) = vpow2.f32 v33;
	v25 =	vpop (erf)  }
0x94: {  	s28 =	sadd.s32 $0x200, s0;
	s0 =	sand.u32 $0x50, s31;
	(erf) = vpow2.f32 v22;
	v22 =	vpop (erf);
	v27 =	vld.idx.msk [tilespmem:v17+s4+$0x0], $0xffff;
	v17 =	vadd.f32 v26, v63;
	v26 =	vadd.f32 v42, v30  }
0x95: {  	s0 =	sor.u32 s0, s24;
	v23 =	vpop (erf);
	v30 =	vld.idx.msk [tilespmem:v15+s4+$0x0], $0xffff;
	v15 =	vadd.f32 v28, v31;
	v22 =	vadd.f32 v22, v25  }
0x96: {  	v61 =	vld [tilespmem:s0+$0x0];
	v19 =	vsub.f32 $1.000000000e+00, v18;
	v18 =	vpop (erf)  }
0x97: {  	v31 =	vld [tilespmem:s19+$0x0];
	v29 =	vpop (erf);
	v15 =	vadd.f32 v22, v15  }
0x98: {  	v24 =	vadd.f32 v40, v39;
	v28 =	vld.idx.msk [tilespmem:v21+s4+$0x0], $0xffff;
	v25 =	vpop (erf)  }
0x99: {  	s12 =	simm.s32 $0xC860;
	v63 =	vld [tilespmem:s0+$0x80];
	v25 =	vadd.f32 v25, v29;
	v29 =	vpop (erf);
	v15 =	vadd.f32 v16, v15  }
0x9a: {  	s29 =	sadd.s32 $0x30, s28;
	v21 =	vadd.s32 v2, v11;
	v23 =	vadd.f32 v18, v23;
	v18 =	vld [tilespmem:s12+$0x10];
	v17 =	vadd.f32 v17, v20;
	v20 =	vpop (erf)  }
0x9b: {  	s14 =	simm.s32 $0x40;
	s20 =	sor.u32 $0x280, s29;
	v24 =	vadd.f32 v26, v24;
	v26 =	vld [tilespmem:s19+$0x80];
	v11 =	vadd.f32 v20, v29;
	(erf) = vrcp.f32 v15  }
0x9c: {  	v29 =	vmov s14;
	v15 =	vmul.f32 $1.442695020e+00, v27;
	v27 =	vmul.f32 $1.442695020e+00, v31;
	v31 =	vld [tilespmem:s20+$0x0]  }
0x9d: {  	v22 =	vpop (erf);
	v16 =	vadd.f32 v25, v23;
	v25 =	vshll.u32 v29, $0x3;
	v29 =	vld [tilespmem:s19+$0x180];
	s19 =	sor.u32 $0x200, s29  }
0x9e: {  	s30 =	sor.u32 $0x300, s29;
	v23 =	vpop (erf);
	s29 =	sor.u32 $0x380, s29;
	v45 =	vld [tilespmem:s19+$0x0]  }
0x9f: {  	s28 =	sadd.s32 $0x10, s28;
	s21 =	simm.s32 $0x2;
	v51 =	vshll.u32 v18, $0x7;
	v23 =	vadd.f32 v23, v22;
	v46 =	vld [tilespmem:s29+$0x0]  }
0xa0: {  	v22 =	vand.u32 $0x7C00, v25;
	v17 =	vadd.f32 v17, v16;
	s19 =	sand.u32 $0x3, s21;
	s29 =	sor.u32 $0x280, s28;
	v37 =	vand.u32 $0x380, v51;
	v51 =	vld [tilespmem:s0+$0x180]  }
0xa1: {  	v16 =	vmul.f32 $1.442695020e+00, v30;
	s19 =	sshll.u32 s19, $0x5;
	v48 =	vld [tilespmem:s29+$0x0];
	v25 =	vadd.f32 v23, v11;
	v11 =	vmul.f32 $1.442695020e+00, v26  }
0xa2: {  	v30 =	vmul.f32 $1.442695020e+00, v44;
	(erf) = vpow2.f32 v27;
	v23 =	vld [tilespmem:s30+$0x0];
	s30 =	sor.u32 $0x200, s28;
	s19 =	sadd.s32 $0x200, s19  }
0xa3: {  	v47 =	vor.u32 s10, v0;
	v27 =	vld [tilespmem:s30+$0x0];
	s30 =	sor.u32 $0x300, s28;
	s1 =	sadd.s32 $0x20, s19;
	(erf) = vpow2.f32 v11  }
0xa4: {  	v49 =	vshrl.u32 v18, $0x3;
	v29 =	vmul.f32 $1.442695020e+00, v29;
	s29 =	sor.u32 $0x200, s1;
	(erf) = vpow2.f32 v30;
	v30 =	vld [tilespmem:s30+$0x0]  }
0xa5: {  	p1 =	por !p1, !p1;
	s3 =	sor.u32 $0x380, s28;
	v36 =	vmul.u32 $0x6400, v49;
	v31 =	vmul.f32 $1.442695020e+00, v31;
	s28 =	simm.s32 $0x1;
	v33 =	vmul.f32 $1.442695020e+00, v45;
	v50 =	vld [tilespmem:s29+$0x0]  }
0xa6: {  	v11 =	vmov s10;
	s28 =	simm.s32 @!p1 $0x0;
	v32 =	vmul.f32 $1.442695020e+00, v46;
	s29 =	sor.u32 $0x300, s1;
	(erf) = vpow2.f32 v29;
	v29 =	vld [tilespmem:s3+$0x0]  }
0xa7: {  	v11 =	vshll.u32 v11, $0x3;
	s28 =	sshll.u32 s28, $0x6;
	v52 =	vld [tilespmem:s29+$0x0];
	v23 =	vmul.f32 $1.442695020e+00, v23;
	(erf) = vpow2.f32 v33  }
0xa8: {  	s5 =	sor.u32 $0x280, s1;
	v11 =	vand.u32 $0x7C00, v11;
	s6 =	sadd.s32 $0x200, s28;
	v35 =	vmul.f32 $1.442695020e+00, v48;
	v48 =	vld [tilespmem:s0+$0x100];
	(erf) = vpow2.f32 v31  }
0xa9: {  	v53 =	vand.u32 $0x7F, v47;
	s28 =	sor.u32 $0x200, s6;
	v31 =	vld [tilespmem:s5+$0x0];
	(erf) = vpow2.f32 v23  }
0xaa: {  	v57 =	vor.u32 s31, v0;
	s10 =	sand.u32 $0x40, s14;
	v36 =	vadd.s32 v11, v36;
	s29 =	sor.u32 $0x300, s6;
	v55 =	vld [tilespmem:s28+$0x0];
	(erf) = vpow2.f32 v32  }
0xab: {  	v39 =	vmul.f32 $1.442695020e+00, v63;
	s0 =	sor.u32 s10, s24;
	v54 =	vor.u32 v37, v36;
	v27 =	vmul.f32 $1.442695020e+00, v27;
	v42 =	vld [tilespmem:s29+$0x0];
	v11 =	vpop (erf)  }
0xac: {  	s2 =	sor.u32 $0x380, s1;
	v37 =	vand.u32 $0x5F, v57;
	v57 =	vld [tilespmem:s0+$0x80];
	v23 =	vmul.f32 $1.442695020e+00, v28;
	v56 =	vpop (erf);
	v30 =	vmul.f32 $1.442695020e+00, v30  }
0xad: {  	v28 =	vld [tilespmem:s2+$0x0];
	v32 =	vor.u32 v53, v54;
	v33 =	vmul.f32 $1.442695020e+00, v50;
	v29 =	vmul.f32 $1.442695020e+00, v29;
	v59 =	vpop (erf)  }
0xae: {  	v12 =	vadd.s32 v2, v12;
	s7 =	sor.u32 $0x280, s6;
	(erf) = vpow2.f32 v27;
	v38 =	vmul.f32 $1.442695020e+00, v52;
	v43 =	vpop (erf)  }
0xaf: {  	v14 =	vadd.s32 v2, v14;
	v58 =	vld [tilespmem:s7+$0x0];
	(erf) = vpow2.f32 v35;
	v35 =	vmul.f32 $1.442695020e+00, v61;
	v44 =	vpop (erf)  }
0xb0: {  	v20 =	vor.u32 s14, v0;
	v31 =	vmul.f32 $1.442695020e+00, v31;
	(erf) = vpow2.f32 v30;
	v46 =	vpop (erf)  }
0xb1: {  	v20 =	vand.u32 $0x4F, v20;
	v30 =	vmul.f32 $1.442695020e+00, v55;
	v42 =	vmul.f32 $1.442695020e+00, v42;
	v62 =	vpop (erf)  }
0xb2: {  	v26 =	vmov s31;
	s28 =	simm.s32 $0x60;
	v63 =	vmul.f32 $1.442695020e+00, v57;
	v28 =	vmul.f32 $1.442695020e+00, v28;
	v32 =	vld.idx.msk [tilespmem:v32+s4+$0x0], $0xffff;
	v47 =	vpop (erf)  }
0xb3: {  	s8 =	sor.u32 $0x380, s6;
	s9 =	sand.u32 $0x60, s28;
	(erf) = vpow2.f32 v29;
	v34 =	vadd.f32 v59, v56;
	v49 =	vadd.f32 v44, v43;
	v50 =	vpop (erf)  }
0xb4: {  	s2 =	sor.u32 s9, s24;
	v27 =	vld [tilespmem:s8+$0x0];
	v29 =	vmul.f32 $1.442695020e+00, v58;
	v36 =	vadd.f32 v62, v46;
	v43 =	vadd.f32 v50, v47  }
0xb5: {  	v60 =	vmov s28;
	v52 =	vld [tilespmem:s2+$0x0];
	v56 =	vmul.f32 $1.442695020e+00, v51;
	(erf) = vpow2.f32 v33  }
0xb6: {  	v54 =	vld [tilespmem:s2+$0x180];
	(erf) = vpow2.f32 v31;
	v34 =	vadd.f32 v49, v34;
	v36 =	vadd.f32 v43, v36  }
0xb7: {  	v41 =	vshll.u32 v60, $0x3;
	v53 =	vld [tilespmem:s2+$0x100];
	(erf) = vpow2.f32 v38;
	v32 =	vmul.f32 $1.442695020e+00, v32  }
0xb8: {  	v60 =	vld [tilespmem:s0+$0x180];
	v33 =	vmul.f32 $1.442695020e+00, v48;
	(erf) = vpow2.f32 v28;
	v34 =	vadd.f32 v36, v34  }
0xb9: {  	v45 =	vor.u32 s28, v0;
	v27 =	vmul.f32 $1.442695020e+00, v27;
	v31 =	vld [tilespmem:s2+$0x80];
	(erf) = vpow2.f32 v32  }
0xba: {  	v55 =	vld [tilespmem:s0+$0x0];
	v58 =	vmul.f32 $1.442695020e+00, v52;
	v43 =	vadd.f32 v24, v25;
	v24 =	vpop (erf);
	(erf) = vrcp.f32 v34  }
0xbb: {  	v40 =	vand.u32 $0x7C00, v41;
	v59 =	vld [tilespmem:s0+$0x100];
	v41 =	vmul.f32 $1.442695020e+00, v54;
	v25 =	vpop (erf);
	(erf) = vpow2.f32 v30  }
0xbc: {  	v38 =	vmul.f32 $1.442695020e+00, v53;
	v28 =	vand.u32 $0x6F, v45;
	v30 =	vpop (erf);
	(erf) = vpow2.f32 v29  }
0xbd: {  	v45 =	vmul.f32 $1.442695020e+00, v60;
	v29 =	vadd.f32 v25, v24;
	v25 =	vpop (erf);
	v24 =	vld [tilespmem:s12+$0xFFFFFFE0];
	(erf) = vpow2.f32 v42  }
0xbe: {  	v31 =	vmul.f32 $1.442695020e+00, v31;
	v30 =	vadd.f32 v25, v30;
	v61 =	vpop (erf);
	v25 =	vld [tilespmem:s12+$0xFFFFFFF0];
	(erf) = vpow2.f32 v27  }
0xbf: {  	v26 =	vshll.u32 v26, $0x3;
	v36 =	vmul.f32 $1.442695020e+00, v55;
	v62 =	vpop (erf);
	v27 =	vld [tilespmem:s12+$0x0];
	(erf) = vpow2.f32 v35  }
0xc0: {  	v26 =	vand.u32 $0x7C00, v26;
	v42 =	vmul.f32 $1.442695020e+00, v59;
	v44 =	vpop (erf);
	(erf) = vpow2.f32 v39  }
0xc1: {  	v29 =	vadd.f32 v30, v29;
	v30 =	vadd.s32 v2, v18;
	(erf) = vpow2.f32 v33;
	v33 =	vpop (erf)  }
0xc2: {  	v39 =	vadd.f32 v62, v61;
	v52 =	vshrl.u32 v24, $0x3;
	(erf) = vpow2.f32 v56;
	v53 =	vpop (erf)  }
0xc3: {  	v54 =	vshll.u32 v24, $0x7;
	v48 =	vshrl.u32 v25, $0x3;
	(erf) = vpow2.f32 v58;
	v55 =	vpop (erf)  }
0xc4: {  	v33 =	vadd.f32 v33, v44;
	v56 =	vshrl.u32 v27, $0x3;
	v18 =	vpop (erf);
	(erf) = vpow2.f32 v31  }
0xc5: {  	v59 =	vmul.u32 $0x6400, v48;
	v31 =	vmul.u32 $0x6400, v52;
	v57 =	vpop (erf);
	(erf) = vpow2.f32 v38  }
0xc6: {  	v62 =	vshll.u32 v27, $0x7;
	v46 =	vmul.u32 $0x6400, v56;
	v58 =	vpop (erf);
	(erf) = vpow2.f32 v41  }
0xc7: {  	s24 =	simm.s32 $0x8;
	v22 =	vadd.s32 v22, v31;
	v31 =	vand.u32 $0x380, v54;
	(erf) = vpow2.f32 v36;
	v60 =	vpop (erf)  }
0xc8: {  	s14 =	sand.u32 $0x7, s24;
	v26 =	vadd.s32 v26, v59;
	v22 =	vor.u32 v31, v22;
	(erf) = vpow2.f32 v63;
	v61 =	vpop (erf)  }
0xc9: {  	s25 =	simm.s32 $0x400;
	s11 =	simm.s32 $0xB0;
	s19 =	sshll.u32 s14, $0x4;
	v32 =	vmul.f32 v55, v53;
	v20 =	vor.u32 v20, v22;
	v22 =	vshll.u32 v25, $0x7;
	v63 =	vpop (erf)  }
0xca: {  	s29 =	sand.u32 $0x7C00, s25;
	s19 =	sadd.s32 $0x400, s19;
	s12 =	sand.u32 $0x70, s11;
	v39 =	vadd.f32 v33, v39;
	v40 =	vadd.s32 v40, v46;
	v22 =	vand.u32 $0x380, v22;
	v46 =	vpop (erf)  }
0xcb: {  	s30 =	sadd.s32 $0x30, s19;
	s2 =	sor.u32 s12, s29;
	v18 =	vadd.f32 v57, v18;
	(erf) = vpow2.f32 v42;
	v22 =	vor.u32 v22, v26;
	v26 =	vpop (erf)  }
0xcc: {  	s20 =	sor.u32 $0x200, s30;
	v52 =	vld [tilespmem:s2+$0x0];
	v31 =	vsub.f32 $1.000000000e+00, v32;
	v32 =	vand.u32 $0x380, v62;
	(erf) = vpow2.f32 v45;
	v48 =	vpop (erf)  }
0xcd: {  	s1 =	sor.u32 $0x380, s30;
	v55 =	vld [tilespmem:s20+$0x0];
	v62 =	vor.u32 s11, v0;
	v32 =	vor.u32 v32, v40;
	(erf) = vrcp.f32 v17;
	v49 =	vpop (erf)  }
0xce: {  	v59 =	vld [tilespmem:s1+$0x0];
	v17 =	vadd.f32 v63, v61;
	v26 =	vadd.f32 v26, v46;
	(erf) = vrcp.f32 v43;
	v50 =	vpop (erf)  }
0xcf: {  	v36 =	vadd.f32 v60, v58;
	v28 =	vor.u32 v28, v32;
	v20 =	vld.idx.msk [tilespmem:v20+s4+$0x0], $0xffff;
	(erf) = vpow2.f32 v15;
	v51 =	vpop (erf)  }
0xd0: {  	v54 =	vld [tilespmem:s2+$0x80];
	v34 =	vadd.f32 v49, v48;
	v17 =	vadd.f32 v26, v17;
	(erf) = vpow2.f32 v16;
	v53 =	vpop (erf)  }
0xd1: {  	s28 =	simm.s32 $0x80;
	v26 =	vadd.f32 v36, v18;
	v18 =	vld [tilespmem:s2+$0x100];
	v15 =	vadd.f32 v51, v50;
	(erf) = vpow2.f32 v23;
	v16 =	vpop (erf)  }
0xd2: {  	s31 =	sor.u32 $0x300, s30;
	v23 =	vmov s28;
	v40 =	vadd.f32 v16, v53;
	v16 =	vadd.f32 v29, v17;
	v17 =	vld [tilespmem:s2+$0x180]  }
0xd3: {  	s26 =	simm.s32 $0xC8A0;
	v58 =	vld [tilespmem:s31+$0x0];
	v42 =	vmul.f32 $1.442695020e+00, v59;
	v22 =	vor.u32 v37, v22;
	v23 =	vshll.u32 v23, $0x3  }
0xd4: {  	s19 =	sadd.s32 $0x10, s19;
	s21 =	sor.u32 $0x280, s30;
	v32 =	vld [tilespmem:s26+$0x10];
	v15 =	vadd.f32 v15, v34;
	v29 =	vor.u32 s28, v0;
	v33 =	vmul.f32 $1.442695020e+00, v20  }
0xd5: {  	s30 =	sor.u32 $0x200, s19;
	v34 =	vand.u32 $0x4F, v29;
	v29 =	vld [tilespmem:s21+$0x0];
	(erf) = vrcp.f32 v16;
	v16 =	vmul.f32 $1.442695020e+00, v52  }
0xd6: {  	p1 =	por !p1, !p1;
	s3 =	simm.s32 $0x4;
	v60 =	vld [tilespmem:s30+$0x0];
	v20 =	vmul.f32 $1.442695020e+00, v54;
	v37 =	vand.u32 $0x7C00, v23;
	v18 =	vmul.f32 $1.442695020e+00, v18  }
0xd7: {  	s0 =	simm.s32 $0x1;
	s30 =	sor.u32 $0x280, s19;
	v56 =	vpop (erf);
	s2 =	sand.u32 $0x3, s3;
	v23 =	vld.idx.msk [tilespmem:v28+s4+$0x0], $0xffff;
	v28 =	vmov s11;
	(erf) = vpow2.f32 v16;
	v16 =	vmul.f32 $1.442695020e+00, v17  }
0xd8: {  	s5 =	sor.u32 $0x300, s19;
	s0 =	simm.s32 @!p1 $0x0;
	v61 =	vld [tilespmem:s30+$0x0];
	v57 =	vpop (erf);
	s2 =	sshll.u32 s2, $0x5;
	v28 =	vshll.u32 v28, $0x3;
	(erf) = vpow2.f32 v20;
	v17 =	vmul.f32 $1.442695020e+00, v55  }
0xd9: {  	s0 =	sshll.u32 s0, $0x6;
	v63 =	vld [tilespmem:s5+$0x0];
	v38 =	vadd.f32 v57, v56;
	v35 =	vadd.f32 v39, v15;
	s2 =	sadd.s32 $0x400, s2;
	(erf) = vpow2.f32 v18  }
0xda: {  	s0 =	sadd.s32 $0x400, s0;
	s19 =	sor.u32 $0x380, s19;
	v22 =	vld.idx.msk [tilespmem:v22+s4+$0x0], $0xffff;
	v52 =	vshrl.u32 v32, $0x3;
	s2 =	sadd.s32 $0x20, s2;
	v15 =	vpop (erf);
	v18 =	vmul.f32 $1.442695020e+00, v29;
	(erf) = vpow2.f32 v16  }
0xdb: {  	s9 =	sor.u32 $0x200, s0;
	v53 =	vld [tilespmem:s19+$0x0];
	v28 =	vand.u32 $0x7C00, v28;
	s6 =	sor.u32 $0x200, s2;
	v29 =	vmul.f32 $1.442695020e+00, v58;
	v16 =	vpop (erf);
	(erf) = vpow2.f32 v17  }
0xdc: {  	v54 =	vmul.u32 $0x6400, v52;
	s7 =	sor.u32 $0x280, s2;
	s8 =	sor.u32 $0x300, s2;
	s2 =	sor.u32 $0x380, s2;
	v38 =	vadd.f32 v38, v40;
	v40 =	vld [tilespmem:s9+$0x0];
	v17 =	vpop (erf);
	(erf) = vpow2.f32 v18  }
0xdd: {  	v39 =	vand.u32 $0x7F, v62;
	v55 =	vshll.u32 v32, $0x7;
	v59 =	vld [tilespmem:s2+$0x0];
	v20 =	vpop (erf);
	(erf) = vpow2.f32 v29  }
0xde: {  	v28 =	vadd.s32 v28, v54;
	v57 =	vand.u32 $0x380, v55;
	v58 =	vld [tilespmem:s8+$0x0];
	v18 =	vpop (erf);
	(erf) = vpow2.f32 v42  }
0xdf: {  	v43 =	vmul.f32 $1.442695020e+00, v60;
	v36 =	vmul.f32 $1.442695020e+00, v22;
	v56 =	vld [tilespmem:s7+$0x0];
	v28 =	vor.u32 v57, v28;
	v22 =	vpop (erf)  }
0xe0: {  	s12 =	sor.u32 $0x300, s0;
	v44 =	vmul.f32 $1.442695020e+00, v61;
	v41 =	vmul.f32 $1.442695020e+00, v63;
	s11 =	sor.u32 $0x280, s0;
	s0 =	sor.u32 $0x380, s0;
	v28 =	vor.u32 v39, v28;
	v29 =	vld [tilespmem:s6+$0x0];
	v46 =	vpop (erf)  }
0xe1: {  	v13 =	vadd.s32 v2, v13;
	v23 =	vmul.f32 $1.442695020e+00, v23;
	v45 =	vmul.f32 $1.442695020e+00, v53;
	v54 =	vld [tilespmem:s0+$0x0];
	v39 =	vpop (erf)  }
0xe2: {  	s10 =	simm.s32 $0x90;
	v27 =	vadd.s32 v2, v27;
	v51 =	vld [tilespmem:s11+$0x0];
	v40 =	vmul.f32 $1.442695020e+00, v40;
	v48 =	vmul.f32 $1.442695020e+00, v59;
	v49 =	vpop (erf)  }
0xe3: {  	v50 =	vmov s10;
	v47 =	vmul.f32 $1.442695020e+00, v58;
	(erf) = vpow2.f32 v43;
	v60 =	vpop (erf)  }
0xe4: {  	s14 =	simm.s32 $0xA0;
	s20 =	sand.u32 $0x50, s10;
	v50 =	vshll.u32 v50, $0x3;
	v52 =	vld [tilespmem:s12+$0x0];
	v42 =	vmul.f32 $1.442695020e+00, v56;
	(erf) = vpow2.f32 v44;
	v61 =	vpop (erf)  }
0xe5: {  	v50 =	vand.u32 $0x7C00, v50;
	s21 =	sand.u32 $0x60, s14;
	s0 =	sor.u32 s20, s29;
	v28 =	vld.idx.msk [tilespmem:v28+s4+$0x0], $0xffff;
	(erf) = vpow2.f32 v41;
	v29 =	vmul.f32 $1.442695020e+00, v29;
	v62 =	vpop (erf)  }
0xe6: {  	s2 =	sor.u32 s21, s29;
	v58 =	vld [tilespmem:s0+$0x100];
	v44 =	vmul.f32 $1.442695020e+00, v54;
	(erf) = vpow2.f32 v45;
	v39 =	vadd.f32 v39, v46;
	v63 =	vpop (erf)  }
0xe7: {  	v54 =	vld [tilespmem:s2+$0x180];
	v43 =	vadd.f32 v60, v49;
	v49 =	vmul.f32 $1.442695020e+00, v51;
	(erf) = vpow2.f32 v29;
	v59 =	vpop (erf)  }
0xe8: {  	v60 =	vld [tilespmem:s0+$0x80];
	(erf) = vpow2.f32 v42;
	v41 =	vadd.f32 v62, v61;
	v63 =	vadd.f32 v59, v63  }
0xe9: {  	v53 =	vor.u32 s10, v0;
	v29 =	vmul.f32 $1.442695020e+00, v52;
	(erf) = vpow2.f32 v47;
	v47 =	vld [tilespmem:s2+$0x80]  }
0xea: {  	v56 =	vld [tilespmem:s0+$0x0];
	v28 =	vmul.f32 $1.442695020e+00, v28;
	v39 =	vadd.f32 v43, v39;
	v41 =	vadd.f32 v63, v41  }
0xeb: {  	v55 =	vmov s14;
	v42 =	vmul.f32 $1.442695020e+00, v58;
	v62 =	vld [tilespmem:s2+$0x0];
	(erf) = vpow2.f32 v48  }
0xec: {  	v48 =	vand.u32 $0x5F, v53;
	v53 =	vmul.f32 $1.442695020e+00, v54;
	v59 =	vld [tilespmem:s0+$0x180];
	v39 =	vadd.f32 v41, v39  }
0xed: {  	s31 =	sand.u32 $0x40, s28;
	v57 =	vor.u32 s14, v0;
	(erf) = vpow2.f32 v28;
	v51 =	vmul.f32 $1.442695020e+00, v60;
	v63 =	vld [tilespmem:s2+$0x100]  }
0xee: {  	s0 =	sor.u32 s31, s29;
	v28 =	vadd.s32 v2, v24;
	v24 =	vld [tilespmem:s26+$0xFFFFFFE0];
	v47 =	vmul.f32 $1.442695020e+00, v47;
	(erf) = vrcp.f32 v39  }
0xef: {  	v61 =	vshll.u32 v55, $0x3;
	v46 =	vld [tilespmem:s0+$0x0];
	v60 =	vpop (erf);
	v41 =	vmul.f32 $1.442695020e+00, v56;
	(erf) = vpow2.f32 v40  }
0xf0: {  	v55 =	vld [tilespmem:s0+$0x80];
	v39 =	vand.u32 $0x7C00, v61;
	(erf) = vpow2.f32 v49;
	v49 =	vadd.f32 v26, v38;
	v26 =	vpop (erf)  }
0xf1: {  	v61 =	vld [tilespmem:s0+$0x100];
	v38 =	vmul.f32 $1.442695020e+00, v62;
	(erf) = vpow2.f32 v29;
	v62 =	vpop (erf);
	v29 =	vadd.s32 v2, v25  }
0xf2: {  	(erf) = vpow2.f32 v44;
	v25 =	vpop (erf);
	v44 =	vmul.f32 $1.442695020e+00, v63;
	v63 =	vadd.f32 v26, v60;
	v26 =	vld [tilespmem:s26+$0xFFFFFFF0]  }
0xf3: {  	v52 =	vmul.f32 $1.442695020e+00, v59;
	v40 =	vand.u32 $0x6F, v57;
	v57 =	vld [tilespmem:s0+$0x180];
	(erf) = vpow2.f32 v41;
	v58 =	vpop (erf)  }
0xf4: {  	v46 =	vmul.f32 $1.442695020e+00, v46;
	v59 =	vadd.f32 v25, v62;
	v25 =	vld [tilespmem:s26+$0x0];
	(erf) = vpow2.f32 v51;
	v60 =	vpop (erf)  }
0xf5: {  	v32 =	vadd.s32 v2, v32;
	(erf) = vpow2.f32 v42;
	v42 =	vmul.f32 $1.442695020e+00, v55;
	v55 =	vpop (erf)  }
0xf6: {  	v43 =	vmul.f32 $1.442695020e+00, v61;
	v61 =	vshrl.u32 v24, $0x3;
	(erf) = vpow2.f32 v52;
	v51 =	vpop (erf)  }
0xf7: {  	v41 =	vadd.f32 v59, v63;
	(erf) = vpow2.f32 v38;
	v52 =	vpop (erf);
	v62 =	vshrl.u32 v26, $0x3  }
0xf8: {  	v45 =	vadd.f32 v60, v58;
	(erf) = vpow2.f32 v47;
	v63 =	vpop (erf);
	v54 =	vmul.u32 $0x6400, v62  }
0xf9: {  	v38 =	vmul.f32 $1.442695020e+00, v57;
	v60 =	vshrl.u32 v25, $0x3;
	(erf) = vpow2.f32 v44;
	v44 =	vpop (erf)  }
0xfa: {  	v47 =	vmul.u32 $0x6400, v61;
	v62 =	vshll.u32 v24, $0x7;
	(erf) = vpow2.f32 v53;
	v61 =	vpop (erf)  }
0xfb: {  	[tilespmem:v21+s16+$0x0] =	vst.idx.add.f32.msk $0xffff, v19;
	v19 =	vshll.u32 v25, $0x7;
	v52 =	vmul.f32 v63, v52;
	(erf) = vpow2.f32 v46;
	v46 =	vpop (erf)  }
0xfc: {  	v63 =	vshll.u32 v26, $0x7;
	v19 =	vand.u32 $0x380, v19;
	v50 =	vadd.s32 v50, v54;
	v54 =	vpop (erf)  }
0xfd: {  	[tilespmem:v21+s17+$0x0] =	vst.idx.add.f32.msk $0xffff, v3;
	v37 =	vadd.s32 v37, v47;
	v53 =	vmul.u32 $0x6400, v60;
	v21 =	vand.u32 $0x380, v63;
	v57 =	vpop (erf)  }
0xfe: {  	v47 =	vand.u32 $0x380, v62;
	v21 =	vor.u32 v21, v50;
	(erf) = vpow2.f32 v42;
	v58 =	vpop (erf)  }
0xff: {  	v52 =	vsub.f32 $1.000000000e+00, v52;
	v37 =	vor.u32 v47, v37;
	(erf) = vpow2.f32 v43;
	v59 =	vpop (erf)  }
0x100: {  	[tilespmem:v30+s16+$0x0] =	vst.idx.add.f32.msk $0xffff, v31;
	v31 =	vadd.f32 v61, v44;
	v61 =	vadd.f32 v51, v55;
	(erf) = vpow2.f32 v38;
	v60 =	vpop (erf)  }
0x101: {  	v39 =	vadd.s32 v39, v53;
	v37 =	vor.u32 v34, v37;
	v34 =	vor.u32 v48, v21;
	v21 =	vpop (erf)  }
0x102: {  	[tilespmem:v30+s17+$0x0] =	vst.idx.add.f32.msk $0xffff, v3;
	v19 =	vor.u32 v19, v39;
	v30 =	vadd.f32 v54, v46;
	(erf) = vrcp.f32 v35;
	v62 =	vpop (erf)  }
0x103: {  	v19 =	vor.u32 v40, v19;
	v38 =	vadd.f32 v58, v57;
	(erf) = vrcp.f32 v49;
	v63 =	vpop (erf)  }
0x104: {  	[tilespmem:v32+s16+$0x0] =	vst.idx.add.f32.msk $0xffff, v52;
	v39 =	vadd.f32 v60, v59;
	(erf) = vpow2.f32 v33;
	v35 =	vadd.f32 v62, v21;
	v21 =	vpop (erf)  }
0x105: {  	p1 =	por !p1, !p1;
	s30 =	simm.s32 $0x6;
	s29 =	simm.s32 $0x8;
	[tilespmem:v32+s17+$0x0] =	vst.idx.add.f32.msk $0xffff, v3;
	v32 =	vadd.f32 v21, v63;
	v21 =	vadd.f32 v61, v45;
	v40 =	vpop (erf);
	(erf) = vpow2.f32 v36  }
.LBB2_3:
0x106: {  	s2 =	simm.s32 $0x1  }
0x107: {  	s0 =	sand.u32 $0x3, s30;
	v33 =	vadd.f32 v30, v31;
	v42 =	vld.idx.msk [tilespmem:v37+s4+$0x0], $0xffff;
	v36 =	vadd.f32 v39, v38;
	v31 =	vpop (erf);
	(erf) = vpow2.f32 v23;
	s2 =	simm.s32 @!p1 $0x0  }
0x108: {  	s28 =	sadd.s32 $0x40, s28;
	v44 =	vmul.f32 v11, v20;
	s19 =	sshll.u32 s0, $0x5;
	v23 =	vadd.f32 v31, v40;
	v32 =	vadd.f32 v32, v35;
	s2 =	sshll.u32 s2, $0x6;
	v43 =	vld.idx.msk [tilespmem:v34+s4+$0x0], $0xffff;
	v31 =	vpop (erf)  }
0x109: {  	s24 =	sadd.s32 $0x4, s24;
	s25 =	sadd.s32 $0x200, s25;
	v37 =	vmov s28;
	v20 =	vor.u32 s28, v0;
	s31 =	sadd.s32 $0x30, s28;
	v34 =	vadd.f32 v41, v36;
	v41 =	vld.idx.msk [tilespmem:v19+s4+$0x0], $0xffff;
	v30 =	vpop (erf)  }
0x10a: {  	s26 =	sadd.s32 $0x40, s26;
	v11 =	vmovc v22;
	s0 =	sand.u32 $0x7C00, s25;
	s8 =	sand.u32 $0x70, s31;
	v19 =	vand.u32 $0x4F, v20;
	v20 =	vshll.u32 v37, $0x3;
	v35 =	vadd.f32 v30, v31;
	v31 =	vmovc v12  }
0x10b: {  	s9 =	sand.u32 $0x7, s24;
	v40 =	vmovc v29;
	s19 =	sadd.s32 s25, s19;
	s8 =	sor.u32 s8, s0;
	v21 =	vadd.f32 v21, v32;
	v30 =	vand.u32 $0x7C00, v20;
	v12 =	vmovc v28;
	v37 =	vld [tilespmem:s26+$0x10];
	(erf) = vrcp.f32 v34  }
0x10c: {  	s12 =	sadd.s32 $0x10, s28;
	s6 =	sadd.s32 $0x20, s28;
	v29 =	vmul.f32 v15, v18;
	s9 =	sshll.u32 s9, $0x4;
	v28 =	vmul.f32 v16, v17;
	v22 =	vld [tilespmem:s8+$0x0];
	v23 =	vadd.f32 v35, v23;
	v15 =	vpop (erf)  }
0x10d: {  	v18 =	vor.u32 s12, v0;
	v45 =	vmov s6;
	s9 =	sadd.s32 s25, s9;
	s2 =	sadd.s32 s2, s25;
	s7 =	sadd.s32 $0x20, s19;
	v34 =	vmov s12;
	v46 =	vld [tilespmem:s8+$0x80];
	v16 =	vpop (erf)  }
0x10e: {  	s19 =	sand.u32 $0x50, s12;
	v36 =	vshll.u32 v45, $0x3;
	s12 =	sadd.s32 $0x10, s9;
	s9 =	sadd.s32 $0x30, s9;
	v32 =	vshll.u32 v34, $0x3;
	v35 =	vor.u32 s6, v0;
	v47 =	vld [tilespmem:s8+$0x100];
	v17 =	vpop (erf)  }
0x10f: {  	s29 =	sadd.s32 $0x4, s29;
	v38 =	vand.u32 $0x7C00, v36;
	v34 =	vand.u32 $0x5F, v18;
	s6 =	sand.u32 $0x60, s6;
	v39 =	vand.u32 $0x7C00, v32;
	v48 =	vld [tilespmem:s8+$0x180];
	s8 =	sor.u32 $0x200, s9;
	v20 =	vpop (erf)  }
0x110: {  	s10 =	sand.u32 $0x40, s28;
	p2 =	slt.u32 s29, $0xC4;
	v36 =	vand.u32 $0x6F, v35;
	v32 =	vmul.f32 $1.442695020e+00, v42;
	v35 =	vadd.f32 v33, v23;
	v49 =	vld [tilespmem:s8+$0x0];
	s8 =	sor.u32 $0x280, s9;
	v18 =	vpop (erf)  }
0x111: {  	v45 =	vsub.f32 $1.000000000e+00, v44;
	s11 =	sor.u32 $0x200, s12;
	s20 =	sor.u32 $0x280, s12;
	v42 =	vmovc v14;
	v14 =	vmovc v27;
	v33 =	vmul.f32 $1.442695020e+00, v43;
	v51 =	vmul.f32 $1.442695020e+00, v22;
	v50 =	vld [tilespmem:s8+$0x0];
	s8 =	sor.u32 $0x300, s9  }
0x112: {  	v44 =	vsub.f32 $1.000000000e+00, v29;
	s21 =	sor.u32 $0x300, s12;
	s12 =	sor.u32 $0x380, s12;
	v23 =	vmul.f32 $1.442695020e+00, v41;
	v27 =	vmul.f32 $1.442695020e+00, v46;
	v46 =	vld [tilespmem:s8+$0x0];
	s8 =	sor.u32 $0x380, s9  }
0x113: {  	s14 =	sor.u32 $0x280, s7;
	s1 =	sor.u32 $0x300, s7;
	v43 =	vsub.f32 $1.000000000e+00, v28;
	s9 =	sor.u32 $0x200, s7;
	v29 =	vmul.f32 $1.442695020e+00, v47;
	v41 =	vld [tilespmem:s8+$0x0];
	(erf) = vpow2.f32 v51  }
0x114: {  	s3 =	sor.u32 $0x280, s2;
	s7 =	sor.u32 $0x380, s7;
	s8 =	sor.u32 $0x200, s2;
	v47 =	vor.u32 s31, v0;
	v28 =	vld [tilespmem:s11+$0x0];
	v48 =	vmul.f32 $1.442695020e+00, v48;
	(erf) = vpow2.f32 v27;
	v22 =	vpop (erf)  }
0x115: {  	s5 =	sor.u32 $0x380, s2;
	v51 =	vmov s31;
	s11 =	sor.u32 $0x300, s2;
	s2 =	sor.u32 s19, s0;
	v27 =	vld [tilespmem:s20+$0x0];
	v49 =	vmul.f32 $1.442695020e+00, v49;
	(erf) = vpow2.f32 v29  }
0x116: {  	s31 =	sor.u32 s10, s0;
	s0 =	sor.u32 s6, s0;
	v51 =	vshll.u32 v51, $0x3;
	v29 =	vld [tilespmem:s21+$0x0];
	v50 =	vmul.f32 $1.442695020e+00, v50;
	(erf) = vpow2.f32 v48  }
0x117: {  	v52 =	vshrl.u32 v37, $0x3;
	v48 =	vld [tilespmem:s12+$0x0];
	v46 =	vmul.f32 $1.442695020e+00, v46;
	(erf) = vpow2.f32 v49  }
0x118: {  	v52 =	vmul.u32 $0x6400, v52;
	v49 =	vld [tilespmem:s9+$0x0];
	v41 =	vmul.f32 $1.442695020e+00, v41;
	(erf) = vpow2.f32 v50  }
0x119: {  	v53 =	vshll.u32 v37, $0x7;
	v51 =	vand.u32 $0x7C00, v51;
	v50 =	vld [tilespmem:s14+$0x0];
	(erf) = vpow2.f32 v46  }
0x11a: {  	v51 =	vadd.s32 v51, v52;
	v52 =	vand.u32 $0x380, v53;
	v46 =	vld [tilespmem:s1+$0x0];
	(erf) = vpow2.f32 v41  }
0x11b: {  	v57 =	vmul.f32 $1.442695020e+00, v28;
	v28 =	vand.u32 $0x7F, v47;
	v47 =	vor.u32 v52, v51;
	v53 =	vld [tilespmem:s7+$0x0]  }
0x11c: {  	v27 =	vmul.f32 $1.442695020e+00, v27;
	v47 =	vor.u32 v28, v47;
	v52 =	vmul.f32 $1.442695020e+00, v29;
	v51 =	vld [tilespmem:s8+$0x0];
	v54 =	vpop (erf)  }
0x11d: {  	v28 =	vadd.s32 v2, v24;
	v48 =	vmul.f32 $1.442695020e+00, v48;
	v55 =	vld [tilespmem:s3+$0x0];
	v49 =	vmul.f32 $1.442695020e+00, v49;
	v56 =	vpop (erf)  }
0x11e: {  	v29 =	vadd.s32 v2, v26;
	v24 =	vld [tilespmem:s11+$0x0];
	v50 =	vmul.f32 $1.442695020e+00, v50;
	(erf) = vpow2.f32 v57;
	v41 =	vpop (erf)  }
0x11f: {  	v26 =	vld [tilespmem:s5+$0x0];
	v46 =	vmul.f32 $1.442695020e+00, v46;
	(erf) = vpow2.f32 v27;
	v57 =	vpop (erf);
	v27 =	vadd.s32 v2, v25  }
0x120: {  	v25 =	vld [tilespmem:s2+$0x0];
	v53 =	vmul.f32 $1.442695020e+00, v53;
	(erf) = vpow2.f32 v52;
	v52 =	vpop (erf)  }
0x121: {  	v51 =	vmul.f32 $1.442695020e+00, v51;
	v47 =	vld.idx.msk [tilespmem:v47+s4+$0x0], $0xffff;
	(erf) = vpow2.f32 v48;
	v48 =	vpop (erf)  }
0x122: {  	v55 =	vmul.f32 $1.442695020e+00, v55;
	v58 =	vld [tilespmem:s2+$0x80];
	(erf) = vpow2.f32 v49;
	v49 =	vpop (erf)  }
0x123: {  	v54 =	vadd.f32 v56, v54;
	v41 =	vadd.f32 v57, v41;
	v59 =	vmul.f32 $1.442695020e+00, v24;
	v24 =	vld [tilespmem:s2+$0x100];
	v56 =	vpop (erf)  }
0x124: {  	v48 =	vadd.f32 v48, v52;
	v57 =	vmul.f32 $1.442695020e+00, v26;
	v26 =	vld [tilespmem:s2+$0x180];
	v49 =	vadd.f32 v56, v49  }
0x125: {  	v52 =	vmul.f32 $1.442695020e+00, v25;
	v25 =	vld [tilespmem:s0+$0x0];
	(erf) = vpow2.f32 v50  }
0x126: {  	v60 =	vadd.f32 v41, v54;
	v50 =	vld [tilespmem:s0+$0x80];
	v48 =	vadd.f32 v49, v48;
	(erf) = vpow2.f32 v46  }
0x127: {  	v47 =	vmul.f32 $1.442695020e+00, v47;
	v46 =	vmul.f32 $1.442695020e+00, v58;
	v49 =	vld [tilespmem:s0+$0x100];
	v54 =	vpop (erf)  }
0x128: {  	v56 =	vmul.f32 $1.442695020e+00, v24;
	v58 =	vld [tilespmem:s0+$0x180];
	v24 =	vadd.f32 v48, v60;
	v41 =	vpop (erf);
	(erf) = vpow2.f32 v53  }
0x129: {  	v48 =	vld [tilespmem:s31+$0x0];
	v53 =	vmul.f32 $1.442695020e+00, v26;
	v26 =	vadd.f32 v41, v54;
	v41 =	vpop (erf);
	(erf) = vpow2.f32 v47  }
0x12a: {  	v47 =	vld [tilespmem:s31+$0x80];
	v54 =	vmul.f32 $1.442695020e+00, v25;
	v25 =	vpop (erf);
	(erf) = vrcp.f32 v24  }
0x12b: {  	v60 =	vld [tilespmem:s31+$0x100];
	v25 =	vadd.f32 v25, v41;
	v50 =	vmul.f32 $1.442695020e+00, v50;
	(erf) = vpow2.f32 v51;
	v51 =	vpop (erf)  }
0x12c: {  	v61 =	vld [tilespmem:s31+$0x180];
	v49 =	vmul.f32 $1.442695020e+00, v49;
	(erf) = vpow2.f32 v55  }
0x12d: {  	v24 =	vld [tilespmem:s26+$0xFFFFFFE0];
	v41 =	vadd.f32 v25, v26;
	v55 =	vmul.f32 $1.442695020e+00, v58;
	(erf) = vpow2.f32 v59  }
0x12e: {  	v48 =	vmul.f32 $1.442695020e+00, v48;
	v26 =	vld [tilespmem:s26+$0xFFFFFFF0];
	(erf) = vpow2.f32 v57;
	v57 =	vpop (erf)  }
0x12f: {  	v47 =	vmul.f32 $1.442695020e+00, v47;
	v25 =	vld [tilespmem:s26+$0x0];
	v51 =	vadd.f32 v57, v51;
	(erf) = vpow2.f32 v52;
	v52 =	vpop (erf)  }
0x130: {  	v57 =	vmul.f32 $1.442695020e+00, v60;
	(erf) = vpow2.f32 v46;
	[tilespmem:v13+s16+$0x0] =	vst.idx.add.f32.msk $0xffff, v45  }
0x131: {  	v45 =	vmul.f32 $1.442695020e+00, v61;
	(erf) = vpow2.f32 v56;
	v46 =	vpop (erf);
	[tilespmem:v13+s17+$0x0] =	vst.idx.add.f32.msk $0xffff, v3;
	v13 =	vmov v40  }
0x132: {  	v40 =	vshrl.u32 v24, $0x3;
	v56 =	vshll.u32 v24, $0x7;
	(erf) = vpow2.f32 v53;
	v53 =	vpop (erf);
	[tilespmem:v42+s16+$0x0] =	vst.idx.add.f32.msk $0xffff, v44  }
0x133: {  	v37 =	vadd.s32 v2, v37;
	v58 =	vshrl.u32 v26, $0x3;
	(erf) = vpow2.f32 v54;
	v54 =	vpop (erf);
	[tilespmem:v42+s17+$0x0] =	vst.idx.add.f32.msk $0xffff, v3  }
0x134: {  	v42 =	vshrl.u32 v25, $0x3;
	v53 =	vmul.f32 v54, v53;
	v54 =	vpop (erf);
	(erf) = vpow2.f32 v50;
	[tilespmem:v31+s16+$0x0] =	vst.idx.add.f32.msk $0xffff, v43  }
0x135: {  	v59 =	vmul.u32 $0x6400, v40;
	v43 =	vmul.u32 $0x6400, v58;
	v44 =	vpop (erf);
	(erf) = vpow2.f32 v49;
	[tilespmem:v31+s17+$0x0] =	vst.idx.add.f32.msk $0xffff, v3  }
0x136: {  	v31 =	vmul.u32 $0x6400, v42;
	v42 =	vsub.f32 $1.000000000e+00, v53;
	v49 =	vpop (erf);
	(erf) = vpow2.f32 v55  }
0x137: {  	v50 =	vshll.u32 v26, $0x7;
	v53 =	vshll.u32 v25, $0x7;
	(erf) = vpow2.f32 v48;
	v48 =	vpop (erf)  }
0x138: {  	v30 =	vadd.s32 v30, v59;
	v39 =	vadd.s32 v39, v43;
	[tilespmem:v37+s16+$0x0] =	vst.idx.add.f32.msk $0xffff, v42;
	(erf) = vpow2.f32 v47;
	v40 =	vpop (erf)  }
0x139: {  	v31 =	vadd.s32 v38, v31;
	v47 =	vand.u32 $0x380, v56;
	[tilespmem:v37+s17+$0x0] =	vst.idx.add.f32.msk $0xffff, v3;
	(erf) = vpow2.f32 v57;
	v38 =	vpop (erf)  }
0x13a: {  	v43 =	vand.u32 $0x380, v53;
	v37 =	vand.u32 $0x380, v50;
	(erf) = vpow2.f32 v45;
	v45 =	vpop (erf)  }
0x13b: {  	v31 =	vor.u32 v43, v31;
	v30 =	vor.u32 v47, v30;
	v39 =	vor.u32 v37, v39;
	v42 =	vpop (erf)  }
.Ltmp2:
0x13c: {  	v37 =	vor.u32 v19, v30;
	v19 =	vor.u32 v36, v31;
	v34 =	vor.u32 v34, v39;
	v36 =	vpop (erf);
	(pc) =	sbr.rel @p2 .LBB2_3-.Ltmp2, $4  }
0x13d: {  	v43 =	vadd.f32 v46, v52;
	v31 =	vadd.f32 v44, v54;
	v44 =	vpop (erf);
	(erf) = vrcp.f32 v21  }
0x13e: {  	v30 =	vadd.f32 v48, v49;
	v38 =	vadd.f32 v38, v40;
	v21 =	vpop (erf);
	(erf) = vrcp.f32 v35  }
0x13f: {  	v39 =	vadd.f32 v42, v45;
	v35 =	vadd.f32 v44, v36;
	v36 =	vpop (erf);
	(erf) = vpow2.f32 v32  }
0x140: {  	s30 =	sadd.s32 $0x2, s30;
	p1 =	por !p1, !p1;
	v32 =	vadd.f32 v36, v21;
	v21 =	vadd.f32 v43, v51;
	v40 =	vpop (erf);
	(erf) = vpow2.f32 v33  }
0x141: {  	_ = 	snop  }
0x142: {  	v33 =	vpop (erf)  }
0x143: {  	v36 =	vpop (erf)  }
0x144: {  	v38 =	vadd.f32 v39, v38;
	v50 =	vpop (erf)  }
0x145: {  	v37 =	vld.idx.msk [tilespmem:v37+s4+$0x0], $0xffff;
	v33 =	vadd.f32 v33, v40;
	v36 =	vadd.f32 v50, v36  }
0x146: {  	v30 =	vadd.f32 v30, v31;
	v31 =	vld.idx.msk [tilespmem:v34+s4+$0x0], $0xffff;
	v32 =	vadd.f32 v32, v35  }
0x147: {  	v51 =	vadd.f32 v41, v38;
	v33 =	vadd.f32 v36, v33  }
0x148: {  	(erf) = vpow2.f32 v23;
	v19 =	vld.idx.msk [tilespmem:v19+s4+$0x0], $0xffff;
	v11 =	vmul.f32 v11, v20;
	v21 =	vadd.f32 v21, v32  }
0x149: {  	v15 =	vmul.f32 v15, v18;
	(erf) = vrcp.f32 v51;
	v20 =	vadd.f32 v30, v33  }
0x14a: {  	v23 =	vmul.f32 $1.442695020e+00, v37;
	(erf) = vrcp.f32 v21  }
0x14b: {  	v21 =	vmul.f32 $1.442695020e+00, v31;
	(erf) = vrcp.f32 v20  }
0x14c: {  	v16 =	vmul.f32 v16, v17;
	v11 =	vsub.f32 $1.000000000e+00, v11;
	(erf) = vpow2.f32 v23  }
0x14d: {  	v18 =	vpop (erf);
	v19 =	vmul.f32 $1.442695020e+00, v19;
	(erf) = vpow2.f32 v21  }
0x14e: {  	v15 =	vsub.f32 $1.000000000e+00, v15;
	v16 =	vsub.f32 $1.000000000e+00, v16;
	v20 =	vpop (erf)  }
0x14f: {  	[tilespmem:v13+s16+$0x0] =	vst.idx.add.f32.msk $0xffff, v11;
	v17 =	vpop (erf);
	(erf) = vpow2.f32 v19  }
0x150: {  	[tilespmem:v12+s16+$0x0] =	vst.idx.add.f32.msk $0xffff, v16;
	v11 =	vpop (erf)  }
0x151: {  	[tilespmem:v13+s17+$0x0] =	vst.idx.add.f32.msk $0xffff, v3;
	v16 =	vmul.f32 v20, v17;
	v13 =	vpop (erf)  }
0x152: {  	[tilespmem:v14+s16+$0x0] =	vst.idx.add.f32.msk $0xffff, v15;
	v11 =	vmul.f32 v22, v11;
	v15 =	vpop (erf)  }
0x153: {  	[tilespmem:v14+s17+$0x0] =	vst.idx.add.f32.msk $0xffff, v3;
	v13 =	vmul.f32 v18, v13;
	v16 =	vsub.f32 $1.000000000e+00, v16;
	v14 =	vpop (erf)  }
0x154: {  	[tilespmem:v12+s17+$0x0] =	vst.idx.add.f32.msk $0xffff, v3;
	v11 =	vsub.f32 $1.000000000e+00, v11;
	v12 =	vpop (erf)  }
0x155: {  	v13 =	vsub.f32 $1.000000000e+00, v13;
	[tilespmem:v28+s16+$0x0] =	vst.idx.add.f32.msk $0xffff, v16;
	v17 =	vpop (erf)  }
0x156: {  	[tilespmem:v29+s16+$0x0] =	vst.idx.add.f32.msk $0xffff, v11;
	v11 =	vadd.s32 v2, v26;
	v18 =	vpop (erf)  }
0x157: {  	[tilespmem:v27+s16+$0x0] =	vst.idx.add.f32.msk $0xffff, v13;
	v13 =	vmul.f32 v15, v18  }
0x158: {  	[tilespmem:v28+s17+$0x0] =	vst.idx.add.f32.msk $0xffff, v3;
	v15 =	vadd.s32 v2, v25;
	v18 =	vpop (erf)  }
0x159: {  	[tilespmem:v29+s17+$0x0] =	vst.idx.add.f32.msk $0xffff, v3;
	v14 =	vmul.f32 v14, v18;
	v13 =	vsub.f32 $1.000000000e+00, v13  }
0x15a: {  	v16 =	vadd.s32 v2, v24;
	[tilespmem:v27+s17+$0x0] =	vst.idx.add.f32.msk $0xffff, v3  }
0x15b: {  	v12 =	vmul.f32 v12, v17;
	v14 =	vsub.f32 $1.000000000e+00, v14;
	[tilespmem:v11+s16+$0x0] =	vst.idx.add.f32.msk $0xffff, v13  }
0x15c: {  	[tilespmem:v11+s17+$0x0] =	vst.idx.add.f32.msk $0xffff, v3  }
0x15d: {  	v11 =	vsub.f32 $1.000000000e+00, v12;
	[tilespmem:v15+s16+$0x0] =	vst.idx.add.f32.msk $0xffff, v14  }
0x15e: {  	p1 =	seq.s32 s22, $0x1E;
	[tilespmem:v15+s17+$0x0] =	vst.idx.add.f32.msk $0xffff, v3  }
0x15f: {  	s1 =	rddreg [dreg:$0x0];
	s0 =	sadd.s32 @!p1 $0x32000, s23;
	[tilespmem:v16+s16+$0x0] =	vst.idx.add.f32.msk $0xffff, v11  }
0x160: {  	s2 =	simm.s32 @!p1 $0x0;
	s1 =	sadd.s32 @!p1 s1, s0;
	[tilespmem:v16+s17+$0x0] =	vst.idx.add.f32.msk $0xffff, v3  }
0x161: {  	[tilespmem:s2], [sflag:$0x1] =	stream.linear.gather @!p1 [hbm4b:s1+s2], $0x6400, $0x38;
	[tilespmem:$0xE280] =	vst v63  }
0x162: {  	s0 =	sshrl.u32 @!p1 s0, $0x3;
	s1 =	rddreg [dreg:$0x1]  }
0x163: {  	s0 =	sadd.s32 @!p1 s1, s0;
	s1 =	simm.s32 @!p1 $0xC800  }
0x164: {  	[tilespmem:s1], [sflag:$0x1] =	stream.linear.gather @!p1 [hbm4b:s0+s2], $0xC80, $0x38;
	[tilespmem:$0xE280] =	vst v63  }
0x165: {  	_ =	swait.ge [sflag:s18], $0x6400  }
0x166: {  	[sflag:s18] =	ssyncset.done $0x0  }
0x167: {  	s10 =	simm.s32 $0x30;
	[sflag:s18] =	ssyncadd.s32 $0xFFFF9C00  }
0x168: {  	s23 =	simm.s32 $0xD4A0;
	s0 =	simm.s32 $0x0;
	_ =	swait.ge [sflag:s18], $0xC80  }
0x169: {  	s11 =	sand.u32 $0x70, s10;
	s9 =	sand.u32 $0x7C00, s0;
	[sflag:s18] =	ssyncset.done $0x0  }
0x16a: {  	s3 =	sand.u32 $0x7, s0;
	s24 =	sadd.s32 $0x6400, s9;
	[sflag:s18] =	ssyncadd.s32 $0xFFFFF380  }
0x16b: {  	s3 =	sshll.u32 s3, $0x4;
	s1 =	sor.u32 s11, s24;
	v11 =	vld [tilespmem:s23+$0x10]  }
0x16c: {  	s3 =	sadd.s32 $0x0, s3;
	v12 =	vld [tilespmem:s1+$0x0]  }
0x16d: {  	s5 =	sadd.s32 $0x30, s3;
	v13 =	vld [tilespmem:s1+$0x80]  }
0x16e: {  	s19 =	sor.u32 $0x300, s5;
	v14 =	vld [tilespmem:s1+$0x100]  }
0x16f: {  	v18 =	vld [tilespmem:s19+$0x6400]  }
0x170: {  	s12 =	sor.u32 $0x200, s5;
	v15 =	vld [tilespmem:s1+$0x180]  }
0x171: {  	s14 =	sor.u32 $0x280, s5;
	v16 =	vld [tilespmem:s12+$0x6400]  }
0x172: {  	v17 =	vld [tilespmem:s14+$0x6400];
	v12 =	vmul.f32 $1.442695020e+00, v12  }
0x173: {  	s20 =	sor.u32 $0x380, s5;
	v13 =	vmul.f32 $1.442695020e+00, v13;
	v14 =	vmul.f32 $1.442695020e+00, v14  }
0x174: {  	v19 =	vld [tilespmem:s20+$0x6400];
	v18 =	vmul.f32 $1.442695020e+00, v18;
	(erf) = vpow2.f32 v12  }
0x175: {  	s3 =	sadd.s32 $0x10, s3;
	v12 =	vmul.f32 $1.442695020e+00, v15;
	(erf) = vpow2.f32 v13  }
0x176: {  	s21 =	sand.u32 $0x3, s0;
	s25 =	sor.u32 $0x200, s3;
	v20 =	vshrl.u32 v11, $0x3;
	v15 =	vmul.f32 $1.442695020e+00, v16;
	(erf) = vpow2.f32 v14  }
0x177: {  	s6 =	sor.u32 $0x280, s3;
	s1 =	sshll.u32 s21, $0x5;
	v16 =	vmul.f32 $1.442695020e+00, v17;
	v13 =	vld [tilespmem:s25+$0x6400];
	(erf) = vpow2.f32 v12;
	v12 =	vmov s10  }
0x178: {  	s26 =	sor.u32 $0x300, s3;
	s1 =	sadd.s32 $0x0, s1;
	v20 =	vmul.u32 $0x6400, v20;
	v14 =	vld [tilespmem:s6+$0x6400];
	(erf) = vpow2.f32 v15;
	v12 =	vshll.u32 v12, $0x3  }
0x179: {  	s3 =	sor.u32 $0x380, s3;
	s1 =	sadd.s32 $0x20, s1;
	v19 =	vmul.f32 $1.442695020e+00, v19;
	v17 =	vld [tilespmem:s26+$0x6400];
	(erf) = vpow2.f32 v16;
	v12 =	vand.u32 $0x7C00, v12  }
0x17a: {  	p1 =	por $0x0, $0x0;
	s5 =	simm.s32 $0x1;
	s30 =	sor.u32 $0x200, s1;
	v21 =	vshll.u32 v11, $0x7;
	v15 =	vld [tilespmem:s3+$0x6400];
	(erf) = vpow2.f32 v18;
	v12 =	vadd.s32 v12, v20  }
0x17b: {  	s5 =	simm.s32 @!p1 $0x0;
	s7 =	sor.u32 $0x300, s1;
	v16 =	vld [tilespmem:s30+$0x6400];
	v20 =	vand.u32 $0x380, v21;
	(erf) = vpow2.f32 v19;
	v19 =	vor.u32 s10, v0  }
0x17c: {  	s5 =	sshll.u32 s5, $0x6;
	s31 =	sor.u32 $0x280, s1;
	v22 =	vld [tilespmem:s7+$0x6400];
	v13 =	vmul.f32 $1.442695020e+00, v13;
	v19 =	vand.u32 $0x7F, v19  }
0x17d: {  	s8 =	sadd.s32 $0x0, s5;
	s1 =	sor.u32 $0x380, s1;
	v18 =	vld [tilespmem:s31+$0x6400];
	v12 =	vor.u32 v20, v12;
	v14 =	vmul.f32 $1.442695020e+00, v14  }
0x17e: {  	s9 =	sor.u32 $0x200, s8;
	v17 =	vmul.f32 $1.442695020e+00, v17;
	v21 =	vld [tilespmem:s1+$0x6400];
	(erf) = vpow2.f32 v13;
	v20 =	vpop (erf);
	v12 =	vor.u32 v19, v12  }
0x17f: {  	v27 =	vmov s0;
	s11 =	sor.u32 $0x300, s8;
	v23 =	vld [tilespmem:s9+$0x6400];
	v15 =	vmul.f32 $1.442695020e+00, v15;
	(erf) = vpow2.f32 v14;
	v19 =	vpop (erf)  }
0x180: {  	v29 =	vor.u32 s0, v0;
	s0 =	sand.u32 $0x40, s0;
	v28 =	vld [tilespmem:s11+$0x6400];
	s10 =	sor.u32 $0x280, s8;
	v16 =	vmul.f32 $1.442695020e+00, v16;
	(erf) = vpow2.f32 v17;
	v24 =	vpop (erf)  }
0x181: {  	s0 =	sor.u32 s0, s24;
	v25 =	vld [tilespmem:s10+$0x6400];
	(erf) = vpow2.f32 v15;
	v26 =	vpop (erf)  }
0x182: {  	v13 =	vmul.f32 $1.442695020e+00, v22;
	(erf) = vpow2.f32 v16;
	v16 =	vld [tilespmem:s0+$0x100];
	v22 =	vpop (erf)  }
0x183: {  	s14 =	simm.s32 $0x10;
	v18 =	vmul.f32 $1.442695020e+00, v18;
	v14 =	vmul.f32 $1.442695020e+00, v21;
	v12 =	vld.idx.msk [tilespmem:v12+s13+$0x0], $0xffff;
	v21 =	vpop (erf)  }
0x184: {  	s19 =	sand.u32 $0x50, s14;
	v17 =	vmul.f32 $1.442695020e+00, v23;
	v15 =	vadd.f32 v19, v20;
	v19 =	vadd.f32 v26, v24;
	v24 =	vld [tilespmem:s0+$0x80];
	v23 =	vpop (erf)  }
0x185: {  	s2 =	sor.u32 s19, s24;
	(erf) = vpow2.f32 v18;
	v26 =	vld [tilespmem:s0+$0x180];
	v20 =	vpop (erf)  }
0x186: {  	s12 =	sor.u32 $0x380, s8;
	(erf) = vpow2.f32 v13;
	v13 =	vld [tilespmem:s2+$0x80];
	v21 =	vadd.f32 v21, v22;
	v20 =	vadd.f32 v20, v23  }
0x187: {  	v30 =	vld [tilespmem:s12+$0x6400];
	v25 =	vmul.f32 $1.442695020e+00, v25;
	(erf) = vpow2.f32 v14;
	v22 =	vshll.u32 v27, $0x3  }
0x188: {  	v31 =	vld [tilespmem:s0+$0x0];
	v15 =	vadd.f32 v19, v15;
	v16 =	vmul.f32 $1.442695020e+00, v16;
	v18 =	vadd.f32 v20, v21  }
0x189: {  	v19 =	vand.u32 $0x7C00, v22;
	v22 =	vld [tilespmem:s2+$0x100];
	v23 =	vmul.f32 $1.442695020e+00, v28;
	v12 =	vmul.f32 $1.442695020e+00, v12  }
0x18a: {  	v28 =	vld [tilespmem:s2+$0x180];
	v24 =	vmul.f32 $1.442695020e+00, v24;
	v26 =	vmul.f32 $1.442695020e+00, v26;
	v15 =	vadd.f32 v18, v15  }
0x18b: {  	s20 =	simm.s32 $0x20;
	v54 =	vmul.f32 $1.442695020e+00, v13;
	v13 =	vld [tilespmem:s23+$0xFFFFFFF0];
	(erf) = vpow2.f32 v12  }
0x18c: {  	s21 =	sand.u32 $0x60, s20;
	v21 =	vmul.f32 $1.442695020e+00, v30;
	(erf) = vrcp.f32 v15  }
0x18d: {  	v29 =	vand.u32 $0x4F, v29;
	s0 =	sor.u32 s21, s24;
	v20 =	vld [tilespmem:s2+$0x0];
	v18 =	vmul.f32 $1.442695020e+00, v31;
	(erf) = vpow2.f32 v17  }
0x18e: {  	v27 =	vor.u32 s14, v0;
	v30 =	vld [tilespmem:s0+$0x0];
	v31 =	vpop (erf);
	v22 =	vmul.f32 $1.442695020e+00, v22;
	(erf) = vpow2.f32 v25  }
0x18f: {  	v14 =	vmov s14;
	v53 =	vpop (erf);
	v28 =	vmul.f32 $1.442695020e+00, v28;
	(erf) = vpow2.f32 v23  }
0x190: {  	v12 =	vld [tilespmem:s23+$0xFFFFFFE0];
	v15 =	vmov s20;
	v61 =	vshll.u32 v13, $0x7;
	v23 =	vpop (erf);
	(erf) = vpow2.f32 v21  }
0x191: {  	v17 =	vshll.u32 v14, $0x3;
	v21 =	vand.u32 $0x5F, v27;
	v27 =	vpop (erf);
	(erf) = vpow2.f32 v18  }
0x192: {  	v20 =	vmul.f32 $1.442695020e+00, v20;
	v15 =	vshll.u32 v15, $0x3;
	v14 =	vld [tilespmem:s23+$0x0];
	v18 =	vpop (erf);
	(erf) = vpow2.f32 v24  }
0x193: {  	v25 =	vor.u32 s20, v0;
	v24 =	vmul.f32 $1.442695020e+00, v30;
	v30 =	vpop (erf);
	(erf) = vpow2.f32 v16  }
0x194: {  	v17 =	vand.u32 $0x7C00, v17;
	v15 =	vand.u32 $0x7C00, v15;
	v55 =	vpop (erf);
	(erf) = vpow2.f32 v26  }
0x195: {  	v56 =	vshrl.u32 v12, $0x3;
	(erf) = vpow2.f32 v20;
	v20 =	vshrl.u32 v13, $0x3  }
0x196: {  	v52 =	vld [tilespmem:s0+$0x80];
	v57 =	vshll.u32 v12, $0x7;
	v26 =	vpop (erf);
	(erf) = vpow2.f32 v54;
	v20 =	vmul.u32 $0x6400, v20  }
0x197: {  	v60 =	vmul.u32 $0x6400, v56;
	v59 =	vshrl.u32 v14, $0x3;
	v58 =	vpop (erf);
	(erf) = vpow2.f32 v22  }
0x198: {  	v22 =	vmul.u32 $0x6400, v59;
	v17 =	vadd.s32 v17, v20;
	v20 =	vand.u32 $0x380, v57  }
0x199: {  	v19 =	vadd.s32 v19, v60;
	v62 =	vshll.u32 v14, $0x7;
	v16 =	vand.u32 $0x6F, v25;
	v63 =	vpop (erf)  }
0x19a: {  	v42 =	vand.u32 $0x380, v62;
	v41 =	vpop (erf);
	v15 =	vadd.s32 v15, v22;
	v19 =	vor.u32 v20, v19  }
0x19b: {  	v25 =	vmul.f32 $1.442695020e+00, v52;
	v19 =	vor.u32 v29, v19;
	v15 =	vor.u32 v42, v15;
	v20 =	vpop (erf)  }
0x19c: {  	(erf) = vpow2.f32 v28;
	v15 =	vor.u32 v16, v15;
	v16 =	vadd.f32 v53, v31;
	v29 =	vpop (erf)  }
0x19d: {  	s26 =	simm.s32 $0x4;
	v22 =	vand.u32 $0x380, v61;
	v28 =	vpop (erf)  }
0x19e: {  	s1 =	sand.u32 $0x7, s26;
	v17 =	vor.u32 v22, v17;
	v22 =	vadd.f32 v27, v23;
	(erf) = vpow2.f32 v24;
	v24 =	vpop (erf)  }
0x19f: {  	s1 =	sshll.u32 s1, $0x4;
	v17 =	vor.u32 v21, v17;
	v21 =	vld [tilespmem:s0+$0x100];
	(erf) = vpow2.f32 v25;
	v25 =	vpop (erf)  }
0x1a0: {  	s1 =	sadd.s32 $0x200, s1;
	s24 =	simm.s32 $0x200;
	v23 =	vld [tilespmem:s0+$0x180];
	v22 =	vadd.f32 v22, v16;
	v16 =	vpop (erf)  }
0x1a1: {  	s25 =	simm.s32 $0x70;
	s31 =	sadd.s32 $0x30, s1;
	s0 =	sand.u32 $0x7C00, s24;
	v31 =	vadd.f32 v20, v41;
	v28 =	vadd.f32 v28, v29;
	v27 =	vpop (erf)  }
0x1a2: {  	s30 =	sand.u32 $0x70, s25;
	s3 =	sor.u32 $0x380, s31;
	s24 =	sadd.s32 $0x6400, s0;
	v24 =	vadd.f32 v25, v24;
	v25 =	vpop (erf);
	v16 =	vadd.f32 v27, v16  }
0x1a3: {  	v44 =	vld [tilespmem:s3+$0x6400];
	v18 =	vadd.f32 v30, v18;
	v20 =	vadd.s32 v2, v11;
	s0 =	sor.u32 s30, s24;
	v29 =	vpop (erf)  }
0x1a4: {  	v21 =	vmul.f32 $1.442695020e+00, v21;
	v11 =	vpop (erf);
	v16 =	vadd.f32 v16, v24;
	v24 =	vadd.f32 v28, v31;
	v28 =	vld [tilespmem:s0+$0x0]  }
0x1a5: {  	v23 =	vmul.f32 $1.442695020e+00, v23;
	v25 =	vadd.f32 v29, v25;
	v31 =	vld [tilespmem:s0+$0x80];
	v29 =	vpop (erf)  }
0x1a6: {  	v26 =	vadd.f32 v26, v55;
	v43 =	vld [tilespmem:s0+$0x100];
	(erf) = vpow2.f32 v21;
	v11 =	vadd.f32 v29, v11  }
0x1a7: {  	s6 =	sor.u32 $0x200, s31;
	(erf) = vpow2.f32 v23;
	v23 =	vld [tilespmem:s0+$0x180];
	v29 =	vpop (erf)  }
0x1a8: {  	s7 =	sor.u32 $0x280, s31;
	v30 =	vmul.f32 v63, v58;
	v21 =	vadd.f32 v26, v18;
	v18 =	vpop (erf);
	v25 =	vadd.f32 v11, v25;
	v11 =	vld [tilespmem:s6+$0x6400]  }
0x1a9: {  	s9 =	simm.s32 $0x2;
	s8 =	sor.u32 $0x300, s31;
	v16 =	vadd.f32 v24, v16;
	v26 =	vadd.f32 v18, v29;
	v18 =	vmul.f32 $1.442695020e+00, v28;
	v28 =	vld [tilespmem:s7+$0x6400]  }
0x1aa: {  	p1 =	por !p1, !p1;
	s10 =	sand.u32 $0x3, s9;
	s1 =	sadd.s32 $0x10, s1;
	v24 =	vsub.f32 $1.000000000e+00, v30;
	v30 =	vmul.f32 $1.442695020e+00, v31;
	v31 =	vld [tilespmem:s8+$0x6400]  }
0x1ab: {  	s12 =	sshll.u32 s10, $0x5;
	s11 =	sor.u32 $0x200, s1;
	s23 =	simm.s32 $0xD4E0;
	v27 =	vld.idx.msk [tilespmem:v15+s13+$0x0], $0xffff;
	v32 =	vmul.f32 $1.442695020e+00, v43;
	(erf) = vrcp.f32 v16  }
0x1ac: {  	s19 =	sor.u32 $0x300, s1;
	s3 =	sadd.s32 $0x200, s12;
	s14 =	sor.u32 $0x280, s1;
	v15 =	vld [tilespmem:s23+$0x10];
	(erf) = vpow2.f32 v18;
	v18 =	vmul.f32 $1.442695020e+00, v23  }
0x1ad: {  	v45 =	vld [tilespmem:s11+$0x6400];
	s1 =	sor.u32 $0x380, s1;
	s20 =	sadd.s32 $0x20, s3;
	s3 =	simm.s32 $0x1;
	(erf) = vpow2.f32 v30;
	v11 =	vmul.f32 $1.442695020e+00, v11  }
0x1ae: {  	v48 =	vld [tilespmem:s1+$0x6400];
	s21 =	sor.u32 $0x200, s20;
	s3 =	simm.s32 @!p1 $0x0;
	(erf) = vpow2.f32 v32;
	v28 =	vmul.f32 $1.442695020e+00, v28  }
0x1af: {  	s26 =	sor.u32 $0x300, s20;
	v49 =	vld [tilespmem:s21+$0x6400];
	s3 =	sshll.u32 s3, $0x6;
	(erf) = vpow2.f32 v18;
	v18 =	vmul.f32 $1.442695020e+00, v31  }
0x1b0: {  	v46 =	vor.u32 s25, v0;
	v53 =	vld [tilespmem:s26+$0x6400];
	s30 =	sadd.s32 $0x200, s3;
	(erf) = vpow2.f32 v11;
	v11 =	vmul.f32 $1.442695020e+00, v44  }
0x1b1: {  	s31 =	sor.u32 $0x280, s30;
	v19 =	vld.idx.msk [tilespmem:v19+s13+$0x0], $0xffff;
	v30 =	vmov s25;
	v31 =	vshrl.u32 v15, $0x3;
	(erf) = vpow2.f32 v28  }
0x1b2: {  	v56 =	vld [tilespmem:s31+$0x6400];
	v30 =	vshll.u32 v30, $0x3;
	v31 =	vmul.u32 $0x6400, v31;
	(erf) = vpow2.f32 v18;
	v28 =	vpop (erf)  }
0x1b3: {  	s2 =	sor.u32 $0x380, s20;
	v51 =	vshll.u32 v15, $0x7;
	v23 =	vld [tilespmem:s14+$0x6400];
	v30 =	vand.u32 $0x7C00, v30;
	(erf) = vpow2.f32 v11;
	v52 =	vpop (erf)  }
0x1b4: {  	v30 =	vadd.s32 v30, v31;
	v31 =	vand.u32 $0x380, v51;
	v18 =	vmul.f32 $1.442695020e+00, v27;
	v27 =	vld [tilespmem:s2+$0x6400];
	v11 =	vpop (erf)  }
0x1b5: {  	v35 =	vand.u32 $0x7F, v46;
	v47 =	vld [tilespmem:s19+$0x6400];
	s25 =	sor.u32 $0x280, s20;
	v30 =	vor.u32 v31, v30;
	v55 =	vpop (erf)  }
0x1b6: {  	v36 =	vmul.f32 $1.442695020e+00, v48;
	v37 =	vmul.f32 $1.442695020e+00, v49;
	v50 =	vld [tilespmem:s25+$0x6400];
	v30 =	vor.u32 v35, v30;
	v57 =	vpop (erf)  }
0x1b7: {  	v40 =	vmul.f32 $1.442695020e+00, v53;
	s0 =	simm.s32 $0x40;
	v38 =	vmul.f32 $1.442695020e+00, v56;
	v42 =	vpop (erf)  }
0x1b8: {  	s5 =	sor.u32 $0x300, s30;
	v29 =	vmov s0;
	v16 =	vmul.f32 $1.442695020e+00, v19;
	v31 =	vmul.f32 $1.442695020e+00, v45;
	v43 =	vpop (erf)  }
0x1b9: {  	s3 =	sor.u32 $0x200, s30;
	v58 =	vld [tilespmem:s5+$0x6400];
	v22 =	vadd.f32 v22, v25;
	v23 =	vmul.f32 $1.442695020e+00, v23;
	v25 =	vmul.f32 $1.442695020e+00, v27;
	v27 =	vpop (erf)  }
0x1ba: {  	v54 =	vld [tilespmem:s3+$0x6400];
	v19 =	vor.u32 s0, v0;
	s0 =	sand.u32 $0x40, s0;
	v32 =	vmul.f32 $1.442695020e+00, v47;
	(erf) = vpow2.f32 v31;
	v59 =	vpop (erf)  }
0x1bb: {  	s0 =	sor.u32 s0, s24;
	v33 =	vmul.f32 $1.442695020e+00, v50;
	(erf) = vpow2.f32 v23;
	v30 =	vld.idx.msk [tilespmem:v30+s13+$0x0], $0xffff;
	v44 =	vpop (erf)  }
0x1bc: {  	v61 =	vld [tilespmem:s0+$0x80];
	(erf) = vpow2.f32 v32;
	v35 =	vadd.f32 v57, v55;
	v63 =	vadd.f32 v43, v42;
	v48 =	vpop (erf)  }
0x1bd: {  	v62 =	vld [tilespmem:s0+$0x100];
	(erf) = vpow2.f32 v36;
	v27 =	vadd.f32 v59, v27;
	v50 =	vadd.f32 v48, v44  }
0x1be: {  	s1 =	sor.u32 $0x380, s30;
	v39 =	vmul.f32 $1.442695020e+00, v58;
	s6 =	simm.s32 $0x50;
	v49 =	vld [tilespmem:s0+$0x180];
	v28 =	vadd.f32 v52, v28;
	(erf) = vpow2.f32 v37  }
0x1bf: {  	s7 =	sand.u32 $0x50, s6;
	v31 =	vld [tilespmem:s1+$0x6400];
	(erf) = vpow2.f32 v33;
	v35 =	vadd.f32 v63, v35;
	v27 =	vadd.f32 v50, v27  }
0x1c0: {  	s2 =	sor.u32 s7, s24;
	v23 =	vld [tilespmem:s0+$0x0];
	v28 =	vadd.f32 v28, v26;
	(erf) = vpow2.f32 v40;
	v30 =	vmul.f32 $1.442695020e+00, v30  }
0x1c1: {  	s8 =	simm.s32 $0x60;
	v56 =	vld [tilespmem:s2+$0x180];
	v26 =	vmul.f32 $1.442695020e+00, v54;
	(erf) = vpow2.f32 v25;
	v27 =	vadd.f32 v27, v35  }
0x1c2: {  	s9 =	sand.u32 $0x60, s8;
	v52 =	vld [tilespmem:s2+$0x0];
	v36 =	vmul.f32 $1.442695020e+00, v61;
	(erf) = vpow2.f32 v30  }
0x1c3: {  	v29 =	vshll.u32 v29, $0x3;
	v53 =	vld [tilespmem:s2+$0x80];
	s1 =	sor.u32 s9, s24;
	v57 =	vmul.f32 $1.442695020e+00, v62;
	(erf) = vrcp.f32 v27  }
0x1c4: {  	v60 =	vmov s6;
	v58 =	vld [tilespmem:s1+$0x0];
	v31 =	vmul.f32 $1.442695020e+00, v31;
	(erf) = vpow2.f32 v26  }
0x1c5: {  	v29 =	vand.u32 $0x7C00, v29;
	v55 =	vld [tilespmem:s2+$0x100];
	v23 =	vmul.f32 $1.442695020e+00, v23;
	v45 =	vpop (erf);
	(erf) = vpow2.f32 v38  }
0x1c6: {  	v41 =	vmul.f32 $1.442695020e+00, v56;
	v25 =	vshll.u32 v60, $0x3;
	v60 =	vld [tilespmem:s1+$0x80];
	v47 =	vpop (erf);
	(erf) = vpow2.f32 v39  }
0x1c7: {  	v61 =	vmul.f32 $1.442695020e+00, v52;
	v63 =	vand.u32 $0x7C00, v25;
	v25 =	vld [tilespmem:s23+$0xFFFFFFE0];
	v48 =	vpop (erf);
	(erf) = vpow2.f32 v31  }
0x1c8: {  	v54 =	vmov s8;
	v33 =	vmul.f32 $1.442695020e+00, v53;
	v31 =	vpop (erf);
	(erf) = vpow2.f32 v23  }
0x1c9: {  	v46 =	vld [tilespmem:s1+$0x180];
	v21 =	vadd.f32 v21, v28;
	v59 =	vmul.f32 $1.442695020e+00, v49;
	v23 =	vpop (erf);
	(erf) = vpow2.f32 v36  }
0x1ca: {  	v40 =	vmul.f32 $1.442695020e+00, v55;
	v27 =	vshll.u32 v54, $0x3;
	v26 =	vld [tilespmem:s23+$0x0];
	v43 =	vpop (erf);
	(erf) = vpow2.f32 v57  }
0x1cb: {  	v35 =	vmul.f32 $1.442695020e+00, v58;
	v39 =	vand.u32 $0x7C00, v27;
	v27 =	vld [tilespmem:s23+$0xFFFFFFF0];
	v34 =	vpop (erf);
	(erf) = vpow2.f32 v59  }
0x1cc: {  	v28 =	vmul.f32 $1.442695020e+00, v60;
	v55 =	vshrl.u32 v25, $0x3;
	v54 =	vpop (erf);
	(erf) = vpow2.f32 v61  }
0x1cd: {  	v62 =	vld [tilespmem:s1+$0x100];
	v56 =	vshll.u32 v25, $0x7;
	v36 =	vadd.f32 v47, v45;
	v57 =	vpop (erf);
	(erf) = vpow2.f32 v33  }
0x1ce: {  	v45 =	vmul.f32 $1.442695020e+00, v46;
	v46 =	vmul.u32 $0x6400, v55;
	v59 =	vpop (erf);
	(erf) = vpow2.f32 v40  }
0x1cf: {  	v17 =	vld.idx.msk [tilespmem:v17+s13+$0x0], $0xffff;
	v31 =	vadd.f32 v31, v48;
	v49 =	vshrl.u32 v26, $0x3;
	v60 =	vpop (erf);
	(erf) = vpow2.f32 v41  }
0x1d0: {  	v58 =	vshrl.u32 v27, $0x3;
	v29 =	vadd.s32 v29, v46;
	(erf) = vpow2.f32 v35  }
0x1d1: {  	v48 =	vmul.u32 $0x6400, v58;
	v50 =	vpop (erf);
	(erf) = vpow2.f32 v28;
	v28 =	vand.u32 $0x380, v56  }
0x1d2: {  	v44 =	vmul.f32 $1.442695020e+00, v62;
	v49 =	vmul.u32 $0x6400, v49;
	v62 =	vpop (erf);
	v28 =	vor.u32 v28, v29  }
0x1d3: {  	v51 =	vor.u32 s6, v0;
	v38 =	vadd.s32 v63, v48;
	v63 =	vpop (erf)  }
0x1d4: {  	v17 =	vmul.f32 $1.442695020e+00, v17;
	v19 =	vand.u32 $0x4F, v19;
	s24 =	simm.s32 $0x8;
	v42 =	vand.u32 $0x5F, v51;
	s23 =	simm.s32 $0x400;
	v29 =	vpop (erf)  }
0x1d5: {  	s11 =	simm.s32 $0xB0;
	s14 =	sand.u32 $0x7, s24;
	s10 =	sand.u32 $0x7C00, s23;
	v51 =	vshll.u32 v26, $0x7;
	v23 =	vadd.f32 v43, v23;
	v19 =	vor.u32 v19, v28;
	v28 =	vpop (erf)  }
0x1d6: {  	s12 =	sand.u32 $0x70, s11;
	s1 =	sshll.u32 s14, $0x4;
	s29 =	sadd.s32 $0x6400, s10;
	v61 =	vshll.u32 v27, $0x7;
	v39 =	vadd.s32 v39, v49;
	v34 =	vadd.f32 v54, v34;
	v49 =	vpop (erf)  }
0x1d7: {  	s1 =	sadd.s32 $0x400, s1;
	s0 =	sor.u32 s12, s29;
	v48 =	vand.u32 $0x380, v51;
	v51 =	vadd.f32 v31, v36;
	(erf) = vpow2.f32 v44;
	v52 =	vpop (erf)  }
0x1d8: {  	s25 =	simm.s32 $0xD520;
	s19 =	sadd.s32 $0x30, s1;
	v58 =	vld [tilespmem:s0+$0x100];
	v31 =	vadd.s32 v2, v15;
	v41 =	vand.u32 $0x380, v61;
	(erf) = vpow2.f32 v45;
	v53 =	vpop (erf)  }
0x1d9: {  	s1 =	sadd.s32 $0x10, s1;
	s3 =	sor.u32 $0x380, s19;
	v36 =	vld [tilespmem:s25+$0x10];
	v38 =	vor.u32 v41, v38;
	v15 =	vadd.f32 v50, v60;
	(erf) = vrcp.f32 v22;
	v54 =	vpop (erf)  }
0x1da: {  	s7 =	sor.u32 $0x280, s1;
	v60 =	vld [tilespmem:s3+$0x6400];
	v22 =	vadd.f32 v28, v29;
	(erf) = vrcp.f32 v21;
	v21 =	vadd.f32 v52, v49;
	v28 =	vpop (erf)  }
0x1db: {  	v30 =	vor.u32 s8, v0;
	v38 =	vor.u32 v42, v38;
	v29 =	vadd.f32 v63, v62;
	v63 =	vld [tilespmem:s7+$0x6400];
	v56 =	vpop (erf)  }
0x1dc: {  	s6 =	sor.u32 $0x200, s1;
	s9 =	sor.u32 $0x300, s1;
	s1 =	sor.u32 $0x380, s1;
	v19 =	vld.idx.msk [tilespmem:v19+s13+$0x0], $0xffff;
	v55 =	vadd.f32 v54, v53;
	(erf) = vpow2.f32 v16;
	v16 =	vadd.f32 v56, v28  }
0x1dd: {  	v53 =	vld [tilespmem:s1+$0x6400];
	v28 =	vadd.f32 v34, v23;
	v23 =	vpop (erf);
	(erf) = vpow2.f32 v17;
	v17 =	vadd.f32 v21, v22  }
0x1de: {  	s26 =	simm.s32 $0x80;
	v30 =	vand.u32 $0x6F, v30;
	v39 =	vor.u32 v48, v39;
	v15 =	vadd.f32 v29, v15;
	v22 =	vld [tilespmem:s0+$0x0];
	v21 =	vpop (erf)  }
0x1df: {  	v29 =	vmov s26;
	(erf) = vpow2.f32 v18;
	v18 =	vadd.f32 v21, v23;
	v23 =	vld [tilespmem:s0+$0x80]  }
0x1e0: {  	s21 =	sor.u32 $0x280, s19;
	v32 =	vmul.f32 v59, v57;
	v30 =	vor.u32 v30, v39;
	v38 =	vld.idx.msk [tilespmem:v38+s13+$0x0], $0xffff;
	v29 =	vshll.u32 v29, $0x3;
	v21 =	vpop (erf)  }
0x1e1: {  	v33 =	vmul.f32 $1.442695020e+00, v19;
	v19 =	vld [tilespmem:s21+$0x6400];
	v16 =	vadd.f32 v16, v55;
	v15 =	vadd.f32 v15, v17;
	v17 =	vpop (erf)  }
0x1e2: {  	s20 =	sor.u32 $0x200, s19;
	v59 =	vld [tilespmem:s0+$0x180];
	v37 =	vand.u32 $0x7C00, v29;
	v41 =	vmul.f32 $1.442695020e+00, v63;
	v17 =	vadd.f32 v17, v21  }
0x1e3: {  	s30 =	sor.u32 $0x300, s19;
	v44 =	vmul.f32 $1.442695020e+00, v53;
	(erf) = vrcp.f32 v15;
	v15 =	vld [tilespmem:s20+$0x6400];
	v35 =	vadd.f32 v51, v16  }
0x1e4: {  	v16 =	vmul.f32 $1.442695020e+00, v22;
	v29 =	vadd.f32 v17, v18;
	v17 =	vmul.f32 $1.442695020e+00, v23;
	v23 =	vld [tilespmem:s30+$0x6400]  }
0x1e5: {  	s28 =	simm.s32 $0x4;
	v12 =	vadd.s32 v2, v12;
	p1 =	por !p1, !p1;
	s2 =	simm.s32 $0x1;
	v21 =	vmul.f32 $1.442695020e+00, v38;
	v38 =	vmul.f32 $1.442695020e+00, v60  }
0x1e6: {  	v14 =	vadd.s32 v2, v14;
	s31 =	sand.u32 $0x3, s28;
	s2 =	simm.s32 @!p1 $0x0;
	v19 =	vmul.f32 $1.442695020e+00, v19;
	v18 =	vmul.f32 $1.442695020e+00, v58  }
0x1e7: {  	s5 =	sshll.u32 s31, $0x5;
	s2 =	sshll.u32 s2, $0x6;
	v57 =	vor.u32 s26, v0;
	v61 =	vld [tilespmem:s6+$0x6400];
	(erf) = vpow2.f32 v16;
	v16 =	vmul.f32 $1.442695020e+00, v59  }
0x1e8: {  	s2 =	sadd.s32 $0x400, s2;
	s8 =	sadd.s32 $0x400, s5;
	v30 =	vld.idx.msk [tilespmem:v30+s13+$0x0], $0xffff;
	(erf) = vpow2.f32 v17;
	v17 =	vmov s11;
	v51 =	vmul.f32 $1.442695020e+00, v15  }
0x1e9: {  	s19 =	sor.u32 $0x280, s2;
	s3 =	sadd.s32 $0x20, s8;
	v52 =	vld [tilespmem:s9+$0x6400];
	(erf) = vpow2.f32 v18;
	v54 =	vmul.f32 $1.442695020e+00, v23;
	v23 =	vshrl.u32 v36, $0x3  }
0x1ea: {  	s10 =	sor.u32 $0x200, s3;
	v63 =	vld [tilespmem:s19+$0x6400];
	v17 =	vshll.u32 v17, $0x3;
	v18 =	vpop (erf);
	(erf) = vpow2.f32 v16;
	v56 =	vmul.u32 $0x6400, v23  }
0x1eb: {  	s21 =	sor.u32 $0x300, s2;
	v55 =	vld [tilespmem:s10+$0x6400];
	v58 =	vshll.u32 v36, $0x7;
	v17 =	vand.u32 $0x7C00, v17;
	v15 =	vpop (erf);
	(erf) = vpow2.f32 v51  }
0x1ec: {  	s12 =	sor.u32 $0x300, s3;
	v53 =	vld [tilespmem:s21+$0x6400];
	v48 =	vand.u32 $0x380, v58;
	v16 =	vpop (erf);
	(erf) = vpow2.f32 v19;
	v46 =	vadd.s32 v17, v56  }
0x1ed: {  	v62 =	vor.u32 s11, v0;
	v59 =	vld [tilespmem:s12+$0x6400];
	s11 =	sor.u32 $0x280, s3;
	v23 =	vpop (erf);
	(erf) = vpow2.f32 v54;
	v46 =	vor.u32 v48, v46  }
0x1ee: {  	v13 =	vadd.s32 v2, v13;
	v34 =	vand.u32 $0x4F, v57;
	s3 =	sor.u32 $0x380, s3;
	v57 =	vld [tilespmem:s11+$0x6400];
	v19 =	vpop (erf);
	(erf) = vpow2.f32 v38  }
0x1ef: {  	s14 =	sor.u32 $0x200, s2;
	v32 =	vsub.f32 $1.000000000e+00, v32;
	v40 =	vand.u32 $0x7F, v62;
	s0 =	simm.s32 $0x90;
	v60 =	vmul.f32 $1.442695020e+00, v61;
	v61 =	vld [tilespmem:s3+$0x6400];
	v17 =	vpop (erf)  }
0x1f0: {  	v62 =	vld [tilespmem:s14+$0x6400];
	v43 =	vmul.f32 $1.442695020e+00, v52;
	s2 =	sor.u32 $0x380, s2;
	v49 =	vor.u32 s0, v0;
	s30 =	sand.u32 $0x40, s26;
	v40 =	vor.u32 v40, v46;
	v46 =	vpop (erf)  }
0x1f1: {  	v49 =	vand.u32 $0x5F, v49;
	v50 =	vmul.f32 $1.442695020e+00, v63;
	v22 =	vmul.f32 $1.442695020e+00, v30;
	s31 =	sor.u32 s30, s29;
	v54 =	vld [tilespmem:s2+$0x6400];
	v51 =	vpop (erf)  }
0x1f2: {  	s20 =	simm.s32 $0xA0;
	v30 =	vmov s0;
	v42 =	vmul.f32 $1.442695020e+00, v55;
	v53 =	vmul.f32 $1.442695020e+00, v53;
	v56 =	vld [tilespmem:s31+$0x0];
	v38 =	vpop (erf)  }
0x1f3: {  	v52 =	vmov s20;
	v45 =	vmul.f32 $1.442695020e+00, v59;
	(erf) = vpow2.f32 v60;
	v60 =	vpop (erf)  }
0x1f4: {  	v30 =	vshll.u32 v30, $0x3;
	v58 =	vld [tilespmem:s31+$0x100];
	v47 =	vmul.f32 $1.442695020e+00, v57;
	v39 =	vmul.f32 $1.442695020e+00, v61;
	v61 =	vpop (erf)  }
0x1f5: {  	v52 =	vshll.u32 v52, $0x3;
	v57 =	vld [tilespmem:s31+$0x80];
	v48 =	vmul.f32 $1.442695020e+00, v62;
	(erf) = vpow2.f32 v41;
	v62 =	vpop (erf)  }
0x1f6: {  	v54 =	vmul.f32 $1.442695020e+00, v54;
	v46 =	vadd.f32 v51, v46;
	(erf) = vpow2.f32 v43;
	v40 =	vld.idx.msk [tilespmem:v40+s13+$0x0], $0xffff;
	v63 =	vpop (erf)  }
0x1f7: {  	s0 =	sand.u32 $0x50, s0;
	(erf) = vpow2.f32 v44;
	v38 =	vadd.f32 v60, v38;
	v44 =	vmul.f32 $1.442695020e+00, v56;
	v59 =	vpop (erf)  }
0x1f8: {  	s1 =	sand.u32 $0x60, s20;
	s0 =	sor.u32 s0, s29;
	v60 =	vld [tilespmem:s31+$0x180];
	(erf) = vpow2.f32 v42;
	v43 =	vadd.f32 v62, v61;
	v41 =	vadd.f32 v59, v63  }
0x1f9: {  	s1 =	sor.u32 s1, s29;
	v56 =	vmul.f32 $1.442695020e+00, v58;
	v42 =	vand.u32 $0x7C00, v30;
	v30 =	vld [tilespmem:s0+$0x0];
	(erf) = vpow2.f32 v47  }
0x1fa: {  	v38 =	vadd.f32 v38, v46;
	v47 =	vld [tilespmem:s1+$0x100];
	(erf) = vpow2.f32 v45;
	v41 =	vadd.f32 v41, v43  }
0x1fb: {  	v55 =	vor.u32 s20, v0;
	v61 =	vld [tilespmem:s0+$0x80];
	v45 =	vmul.f32 $1.442695020e+00, v57;
	v40 =	vmul.f32 $1.442695020e+00, v40  }
0x1fc: {  	v62 =	vld [tilespmem:s0+$0x100];
	(erf) = vpow2.f32 v39;
	v39 =	vand.u32 $0x6F, v55;
	v38 =	vadd.f32 v41, v38  }
0x1fd: {  	v63 =	vld [tilespmem:s0+$0x180];
	v51 =	vmul.f32 $1.442695020e+00, v60;
	(erf) = vpow2.f32 v40;
	v40 =	vadd.f32 v28, v29  }
0x1fe: {  	v60 =	vld [tilespmem:s1+$0x0];
	v28 =	vpop (erf);
	v55 =	vmul.f32 $1.442695020e+00, v30;
	v29 =	vadd.s32 v2, v25;
	(erf) = vrcp.f32 v38  }
0x1ff: {  	v57 =	vld [tilespmem:s1+$0x80];
	v30 =	vadd.s32 v2, v27;
	v25 =	vpop (erf);
	v47 =	vmul.f32 $1.442695020e+00, v47;
	(erf) = vpow2.f32 v48  }
0x200: {  	v27 =	vpop (erf);
	v38 =	vmul.f32 $1.442695020e+00, v61;
	v61 =	vadd.f32 v25, v28;
	v25 =	vld [tilespmem:s25+$0xFFFFFFE0];
	(erf) = vpow2.f32 v50  }
0x201: {  	v58 =	vld [tilespmem:s1+$0x180];
	v43 =	vand.u32 $0x7C00, v52;
	v28 =	vpop (erf);
	v48 =	vmul.f32 $1.442695020e+00, v62;
	(erf) = vpow2.f32 v53  }
0x202: {  	v62 =	vadd.f32 v28, v27;
	v27 =	vld [tilespmem:s25+$0xFFFFFFF0];
	v50 =	vmul.f32 $1.442695020e+00, v63;
	v63 =	vpop (erf);
	(erf) = vpow2.f32 v54  }
0x203: {  	v59 =	vmul.f32 $1.442695020e+00, v60;
	v28 =	vadd.s32 v2, v26;
	v26 =	vld [tilespmem:s25+$0x0];
	v60 =	vpop (erf);
	(erf) = vpow2.f32 v44  }
0x204: {  	v57 =	vmul.f32 $1.442695020e+00, v57;
	v41 =	vadd.f32 v62, v61;
	v44 =	vpop (erf);
	(erf) = vpow2.f32 v45  }
0x205: {  	v46 =	vadd.f32 v60, v63;
	v61 =	vshrl.u32 v25, $0x3;
	v52 =	vpop (erf);
	(erf) = vpow2.f32 v56  }
0x206: {  	v54 =	vshll.u32 v25, $0x7;
	v45 =	vmul.f32 $1.442695020e+00, v58;
	v62 =	vpop (erf);
	(erf) = vpow2.f32 v51  }
0x207: {  	v63 =	vshrl.u32 v27, $0x3;
	v53 =	vmul.u32 $0x6400, v61;
	(erf) = vpow2.f32 v55;
	v55 =	vpop (erf)  }
0x208: {  	v58 =	vadd.s32 v2, v36;
	v60 =	vshrl.u32 v26, $0x3;
	(erf) = vpow2.f32 v38;
	v38 =	vpop (erf)  }
0x209: {  	v61 =	vmul.u32 $0x6400, v63;
	v63 =	vshll.u32 v26, $0x7;
	(erf) = vpow2.f32 v48;
	v48 =	vpop (erf)  }
0x20a: {  	v51 =	vmul.u32 $0x6400, v60;
	v37 =	vadd.s32 v37, v53;
	(erf) = vpow2.f32 v50;
	v50 =	vpop (erf)  }
0x20b: {  	v36 =	vmul.f32 v55, v62;
	v62 =	vshll.u32 v27, $0x7;
	(erf) = vpow2.f32 v59;
	v53 =	vpop (erf)  }
0x20c: {  	[tilespmem:v20+s16+$0x0] =	vst.idx.add.f32.msk $0xffff, v24;
	v24 =	vadd.s32 v42, v61;
	v60 =	vand.u32 $0x380, v62;
	(erf) = vpow2.f32 v57;
	v57 =	vpop (erf)  }
0x20d: {  	[tilespmem:v20+s17+$0x0] =	vst.idx.add.f32.msk $0xffff, v3;
	v20 =	vand.u32 $0x380, v54;
	v42 =	vand.u32 $0x380, v63;
	v24 =	vor.u32 v60, v24;
	v59 =	vpop (erf)  }
0x20e: {  	v20 =	vor.u32 v20, v37;
	v43 =	vadd.s32 v43, v51;
	(erf) = vpow2.f32 v47;
	v61 =	vpop (erf)  }
0x20f: {  	v37 =	vor.u32 v34, v20;
	v34 =	vadd.f32 v52, v44;
	(erf) = vpow2.f32 v45;
	v62 =	vpop (erf)  }
0x210: {  	[tilespmem:v31+s16+$0x0] =	vst.idx.add.f32.msk $0xffff, v32;
	v42 =	vor.u32 v42, v43;
	v36 =	vsub.f32 $1.000000000e+00, v36;
	v32 =	vor.u32 v49, v24;
	v24 =	vpop (erf)  }
0x211: {  	[tilespmem:v31+s17+$0x0] =	vst.idx.add.f32.msk $0xffff, v3;
	v20 =	vor.u32 v39, v42;
	v31 =	vadd.f32 v48, v38;
	(erf) = vrcp.f32 v35;
	v63 =	vpop (erf)  }
0x212: {  	[tilespmem:v58+s16+$0x0] =	vst.idx.add.f32.msk $0xffff, v36;
	v38 =	vadd.f32 v53, v50;
	v36 =	vadd.f32 v59, v57;
	(erf) = vrcp.f32 v40;
	v39 =	vpop (erf)  }
0x213: {  	p1 =	por !p1, !p1;
	s29 =	simm.s32 $0x8;
	[tilespmem:v58+s17+$0x0] =	vst.idx.add.f32.msk $0xffff, v3;
	v35 =	vadd.f32 v62, v61;
	(erf) = vpow2.f32 v33;
	v24 =	vadd.f32 v63, v24;
	v40 =	vpop (erf)  }
.LBB2_5:
0x214: {  	s0 =	simm.s32 $0x1  }
0x215: {  	v33 =	vadd.f32 v40, v39;
	v43 =	vadd.f32 v34, v46;
	s28 =	sadd.s32 $0x2, s28;
	v34 =	vpop (erf);
	(erf) = vpow2.f32 v21;
	s0 =	simm.s32 @!p1 $0x0  }
0x216: {  	v38 =	vadd.f32 v38, v31;
	s23 =	sadd.s32 $0x200, s23;
	s1 =	sand.u32 $0x3, s28;
	v21 =	vadd.f32 v35, v36;
	s2 =	sshll.u32 s0, $0x6;
	v35 =	vld.idx.msk [tilespmem:v37+s13+$0x0], $0xffff;
	v36 =	vpop (erf);
	(erf) = vpow2.f32 v22  }
0x217: {  	s26 =	sadd.s32 $0x40, s26;
	v45 =	vmul.f32 v18, v23;
	s24 =	sadd.s32 $0x4, s24;
	s1 =	sshll.u32 s1, $0x5;
	v22 =	vadd.f32 v33, v24;
	v44 =	vld.idx.msk [tilespmem:v32+s13+$0x0], $0xffff;
	v33 =	vadd.f32 v36, v34;
	v24 =	vpop (erf)  }
0x218: {  	s25 =	sadd.s32 $0x40, s25;
	v18 =	vmov s26;
	v23 =	vor.u32 s26, v0;
	s30 =	sadd.s32 $0x30, s26;
	s0 =	sand.u32 $0x7C00, s23;
	v21 =	vadd.f32 v38, v21;
	v46 =	vld.idx.msk [tilespmem:v20+s13+$0x0], $0xffff;
	v31 =	vpop (erf)  }
0x219: {  	s29 =	sadd.s32 $0x4, s29;
	s3 =	sand.u32 $0x70, s30;
	s0 =	sadd.s32 $0x6400, s0;
	v34 =	vshll.u32 v18, $0x3;
	v32 =	vmovc v12;
	v12 =	vmovc v29;
	v20 =	vand.u32 $0x4F, v23;
	v23 =	vadd.f32 v31, v24  }
0x21a: {  	v42 =	vmovc v30;
	s5 =	sand.u32 $0x7, s24;
	s1 =	sadd.s32 s23, s1;
	s3 =	sor.u32 s3, s0;
	v38 =	vmovc v14;
	v31 =	vand.u32 $0x7C00, v34;
	v24 =	vadd.f32 v41, v22;
	v37 =	vld [tilespmem:s25+$0x10];
	(erf) = vrcp.f32 v21  }
0x21b: {  	v30 =	vmul.f32 v15, v19;
	s6 =	sadd.s32 $0x10, s26;
	s7 =	sadd.s32 $0x20, s26;
	s5 =	sshll.u32 s5, $0x4;
	v29 =	vmul.f32 v11, v16;
	v14 =	vld [tilespmem:s3+$0x0];
	v21 =	vadd.f32 v23, v33;
	v18 =	vpop (erf)  }
0x21c: {  	v19 =	vor.u32 s6, v0;
	s5 =	sadd.s32 s23, s5;
	s31 =	sadd.s32 s2, s23;
	v11 =	vmov s6;
	s1 =	sadd.s32 $0x20, s1;
	v34 =	vmov s7;
	v22 =	vld [tilespmem:s3+$0x80];
	v15 =	vpop (erf)  }
0x21d: {  	s19 =	sand.u32 $0x50, s6;
	s2 =	sadd.s32 $0x10, s5;
	v11 =	vshll.u32 v11, $0x3;
	s5 =	sadd.s32 $0x30, s5;
	v36 =	vshll.u32 v34, $0x3;
	v33 =	vor.u32 s7, v0;
	v41 =	vld [tilespmem:s3+$0x100];
	v16 =	vpop (erf)  }
0x21e: {  	p2 =	slt.u32 s29, $0xC4;
	s6 =	sand.u32 $0x60, s7;
	v40 =	vand.u32 $0x7C00, v11;
	v34 =	vand.u32 $0x5F, v19;
	v39 =	vand.u32 $0x7C00, v36;
	v47 =	vld [tilespmem:s3+$0x180];
	s3 =	sor.u32 $0x200, s5;
	v23 =	vpop (erf)  }
0x21f: {  	s8 =	sor.u32 $0x200, s2;
	s7 =	sand.u32 $0x40, s26;
	v36 =	vand.u32 $0x6F, v33;
	v33 =	vmul.f32 $1.442695020e+00, v35;
	v35 =	vadd.f32 v43, v21;
	v48 =	vld [tilespmem:s3+$0x6400];
	s3 =	sor.u32 $0x280, s5;
	v19 =	vpop (erf)  }
0x220: {  	v45 =	vsub.f32 $1.000000000e+00, v45;
	s9 =	sor.u32 $0x280, s2;
	s10 =	sor.u32 $0x300, s2;
	v11 =	vmovc v17;
	v21 =	vmul.f32 $1.442695020e+00, v44;
	v43 =	vmul.f32 $1.442695020e+00, v14;
	v49 =	vld [tilespmem:s3+$0x6400];
	s3 =	sor.u32 $0x300, s5;
	v14 =	vmovc v28  }
0x221: {  	s11 =	sor.u32 $0x380, s2;
	s2 =	sor.u32 $0x380, s5;
	s12 =	sor.u32 $0x300, s1;
	v44 =	vsub.f32 $1.000000000e+00, v30;
	v50 =	vmul.f32 $1.442695020e+00, v22;
	v28 =	vld [tilespmem:s3+$0x6400];
	v22 =	vmul.f32 $1.442695020e+00, v46  }
0x222: {  	s5 =	sor.u32 $0x280, s1;
	s3 =	sor.u32 $0x200, s1;
	v30 =	vmul.f32 $1.442695020e+00, v41;
	v41 =	vld [tilespmem:s2+$0x6400];
	(erf) = vpow2.f32 v43;
	v43 =	vsub.f32 $1.000000000e+00, v29  }
0x223: {  	s14 =	sor.u32 $0x200, s31;
	s20 =	sor.u32 $0x280, s31;
	s1 =	sor.u32 $0x380, s1;
	v46 =	vor.u32 s30, v0;
	v29 =	vld [tilespmem:s8+$0x6400];
	v47 =	vmul.f32 $1.442695020e+00, v47;
	(erf) = vpow2.f32 v50;
	v17 =	vpop (erf)  }
0x224: {  	v51 =	vmov s30;
	s2 =	sor.u32 s7, s0;
	s7 =	sor.u32 $0x300, s31;
	s8 =	sor.u32 $0x380, s31;
	v50 =	vld [tilespmem:s9+$0x6400];
	v48 =	vmul.f32 $1.442695020e+00, v48;
	(erf) = vpow2.f32 v30  }
0x225: {  	v51 =	vshll.u32 v51, $0x3;
	s30 =	sor.u32 s6, s0;
	s31 =	sor.u32 s19, s0;
	v30 =	vld [tilespmem:s10+$0x6400];
	v49 =	vmul.f32 $1.442695020e+00, v49;
	(erf) = vpow2.f32 v47  }
0x226: {  	v52 =	vshrl.u32 v37, $0x3;
	v47 =	vld [tilespmem:s11+$0x6400];
	v28 =	vmul.f32 $1.442695020e+00, v28;
	(erf) = vpow2.f32 v48  }
0x227: {  	v52 =	vmul.u32 $0x6400, v52;
	v48 =	vld [tilespmem:s3+$0x6400];
	v41 =	vmul.f32 $1.442695020e+00, v41;
	(erf) = vpow2.f32 v49  }
0x228: {  	v51 =	vand.u32 $0x7C00, v51;
	v53 =	vshll.u32 v37, $0x7;
	v49 =	vld [tilespmem:s5+$0x6400];
	(erf) = vpow2.f32 v28  }
0x229: {  	v51 =	vadd.s32 v51, v52;
	v52 =	vand.u32 $0x380, v53;
	v28 =	vld [tilespmem:s12+$0x6400];
	(erf) = vpow2.f32 v41  }
0x22a: {  	v57 =	vmul.f32 $1.442695020e+00, v29;
	v29 =	vand.u32 $0x7F, v46;
	v46 =	vor.u32 v52, v51;
	v53 =	vld [tilespmem:s1+$0x6400]  }
0x22b: {  	v58 =	vmul.f32 $1.442695020e+00, v50;
	v46 =	vor.u32 v29, v46;
	v52 =	vmul.f32 $1.442695020e+00, v30;
	v51 =	vld [tilespmem:s14+$0x6400];
	v54 =	vpop (erf)  }
0x22c: {  	v29 =	vadd.s32 v2, v25;
	v47 =	vmul.f32 $1.442695020e+00, v47;
	v55 =	vld [tilespmem:s20+$0x6400];
	v48 =	vmul.f32 $1.442695020e+00, v48;
	v56 =	vpop (erf)  }
0x22d: {  	v30 =	vadd.s32 v2, v27;
	v25 =	vld [tilespmem:s7+$0x6400];
	v49 =	vmul.f32 $1.442695020e+00, v49;
	(erf) = vpow2.f32 v57;
	v41 =	vpop (erf)  }
0x22e: {  	v27 =	vld [tilespmem:s8+$0x6400];
	v57 =	vmul.f32 $1.442695020e+00, v28;
	(erf) = vpow2.f32 v58;
	v50 =	vpop (erf);
	v28 =	vadd.s32 v2, v26  }
0x22f: {  	v26 =	vld [tilespmem:s2+$0x0];
	v53 =	vmul.f32 $1.442695020e+00, v53;
	(erf) = vpow2.f32 v52;
	v52 =	vpop (erf)  }
0x230: {  	v51 =	vmul.f32 $1.442695020e+00, v51;
	v46 =	vld.idx.msk [tilespmem:v46+s13+$0x0], $0xffff;
	(erf) = vpow2.f32 v47;
	v47 =	vpop (erf)  }
0x231: {  	v58 =	vld [tilespmem:s2+$0x80];
	v55 =	vmul.f32 $1.442695020e+00, v55;
	(erf) = vpow2.f32 v48;
	v48 =	vpop (erf)  }
0x232: {  	v41 =	vadd.f32 v50, v41;
	v59 =	vld [tilespmem:s2+$0x100];
	v60 =	vmul.f32 $1.442695020e+00, v25;
	v25 =	vadd.f32 v56, v54;
	v50 =	vpop (erf)  }
0x233: {  	v54 =	vld [tilespmem:s2+$0x180];
	v56 =	vmul.f32 $1.442695020e+00, v27;
	v27 =	vadd.f32 v47, v52;
	v47 =	vadd.f32 v50, v48  }
0x234: {  	v48 =	vmul.f32 $1.442695020e+00, v26;
	v26 =	vld [tilespmem:s31+$0x0];
	(erf) = vpow2.f32 v49  }
0x235: {  	v25 =	vadd.f32 v41, v25;
	v49 =	vld [tilespmem:s31+$0x80];
	v61 =	vadd.f32 v47, v27;
	(erf) = vpow2.f32 v57  }
0x236: {  	v46 =	vmul.f32 $1.442695020e+00, v46;
	v47 =	vmul.f32 $1.442695020e+00, v58;
	v41 =	vld [tilespmem:s31+$0x100];
	v50 =	vpop (erf)  }
0x237: {  	v52 =	vmul.f32 $1.442695020e+00, v59;
	v57 =	vld [tilespmem:s31+$0x180];
	v25 =	vadd.f32 v61, v25;
	v27 =	vpop (erf);
	(erf) = vpow2.f32 v53  }
0x238: {  	v53 =	vmul.f32 $1.442695020e+00, v54;
	v27 =	vadd.f32 v27, v50;
	v50 =	vld [tilespmem:s30+$0x0];
	v54 =	vpop (erf);
	(erf) = vpow2.f32 v46  }
0x239: {  	v58 =	vmul.f32 $1.442695020e+00, v26;
	v46 =	vld [tilespmem:s30+$0x80];
	v26 =	vpop (erf);
	(erf) = vrcp.f32 v25  }
0x23a: {  	v49 =	vmul.f32 $1.442695020e+00, v49;
	v26 =	vadd.f32 v26, v54;
	v54 =	vld [tilespmem:s30+$0x100];
	(erf) = vpow2.f32 v51;
	v51 =	vpop (erf)  }
0x23b: {  	v59 =	vmul.f32 $1.442695020e+00, v41;
	v61 =	vld [tilespmem:s30+$0x180];
	(erf) = vpow2.f32 v55  }
0x23c: {  	v25 =	vld [tilespmem:s25+$0xFFFFFFE0];
	v55 =	vmul.f32 $1.442695020e+00, v57;
	v41 =	vadd.f32 v26, v27;
	(erf) = vpow2.f32 v60  }
0x23d: {  	v27 =	vld [tilespmem:s25+$0xFFFFFFF0];
	v50 =	vmul.f32 $1.442695020e+00, v50;
	(erf) = vpow2.f32 v56;
	v56 =	vpop (erf)  }
0x23e: {  	v26 =	vld [tilespmem:s25+$0x0];
	v57 =	vmul.f32 $1.442695020e+00, v46;
	v46 =	vadd.f32 v56, v51;
	(erf) = vpow2.f32 v48;
	v48 =	vpop (erf)  }
0x23f: {  	v51 =	vmul.f32 $1.442695020e+00, v54;
	(erf) = vpow2.f32 v47;
	[tilespmem:v13+s16+$0x0] =	vst.idx.add.f32.msk $0xffff, v45  }
0x240: {  	v45 =	vmul.f32 $1.442695020e+00, v61;
	(erf) = vpow2.f32 v52;
	v47 =	vpop (erf);
	[tilespmem:v13+s17+$0x0] =	vst.idx.add.f32.msk $0xffff, v3;
	v13 =	vmov v42  }
0x241: {  	v42 =	vshrl.u32 v25, $0x3;
	v52 =	vshll.u32 v25, $0x7;
	(erf) = vpow2.f32 v53;
	v53 =	vpop (erf);
	[tilespmem:v38+s16+$0x0] =	vst.idx.add.f32.msk $0xffff, v44  }
0x242: {  	v37 =	vadd.s32 v2, v37;
	v56 =	vshrl.u32 v27, $0x3;
	(erf) = vpow2.f32 v58;
	v54 =	vpop (erf);
	[tilespmem:v38+s17+$0x0] =	vst.idx.add.f32.msk $0xffff, v3  }
0x243: {  	v38 =	vshrl.u32 v26, $0x3;
	v53 =	vmul.f32 v54, v53;
	v54 =	vpop (erf);
	(erf) = vpow2.f32 v49;
	[tilespmem:v32+s16+$0x0] =	vst.idx.add.f32.msk $0xffff, v43  }
0x244: {  	v42 =	vmul.u32 $0x6400, v42;
	v43 =	vmul.u32 $0x6400, v56;
	v44 =	vpop (erf);
	(erf) = vpow2.f32 v59;
	[tilespmem:v32+s17+$0x0] =	vst.idx.add.f32.msk $0xffff, v3  }
0x245: {  	v32 =	vmul.u32 $0x6400, v38;
	v58 =	vsub.f32 $1.000000000e+00, v53;
	v49 =	vpop (erf);
	(erf) = vpow2.f32 v55  }
0x246: {  	v53 =	vshll.u32 v27, $0x7;
	v55 =	vshll.u32 v26, $0x7;
	v56 =	vpop (erf);
	(erf) = vpow2.f32 v50  }
0x247: {  	v31 =	vadd.s32 v31, v42;
	v40 =	vadd.s32 v40, v43;
	[tilespmem:v37+s16+$0x0] =	vst.idx.add.f32.msk $0xffff, v58;
	v38 =	vpop (erf);
	(erf) = vpow2.f32 v57  }
0x248: {  	v42 =	vand.u32 $0x380, v52;
	v32 =	vadd.s32 v39, v32;
	[tilespmem:v37+s17+$0x0] =	vst.idx.add.f32.msk $0xffff, v3;
	v39 =	vpop (erf);
	(erf) = vpow2.f32 v51  }
0x249: {  	v37 =	vand.u32 $0x380, v53;
	v51 =	vand.u32 $0x380, v55;
	v50 =	vpop (erf);
	(erf) = vpow2.f32 v45  }
.Ltmp3:
0x24a: {  	v31 =	vor.u32 v42, v31;
	v45 =	vor.u32 v37, v40;
	v51 =	vor.u32 v51, v32;
	v43 =	vpop (erf);
	(pc) =	sbr.rel @p2 .LBB2_5-.Ltmp3, $4  }
0x24b: {  	v37 =	vor.u32 v20, v31;
	v32 =	vor.u32 v34, v45;
	v20 =	vor.u32 v36, v51;
	v40 =	vpop (erf)  }
0x24c: {  	v31 =	vadd.f32 v44, v54;
	v34 =	vadd.f32 v47, v48;
	v42 =	vpop (erf);
	(erf) = vrcp.f32 v24  }
0x24d: {  	v36 =	vadd.f32 v39, v38;
	v38 =	vadd.f32 v56, v49;
	v39 =	vpop (erf);
	(erf) = vrcp.f32 v35  }
0x24e: {  	p1 =	por !p1, !p1;
	v35 =	vadd.f32 v43, v50;
	v24 =	vadd.f32 v42, v40;
	v40 =	vpop (erf);
	(erf) = vpow2.f32 v33  }
0x24f: {  	v33 =	vpop (erf)  }
0x250: {  	v42 =	vpop (erf)  }
0x251: {  	v39 =	vadd.f32 v40, v39;
	v62 =	vpop (erf)  }
0x252: {  	v31 =	vadd.f32 v38, v31;
	v35 =	vadd.f32 v35, v36;
	v63 =	vpop (erf)  }
0x253: {  	v37 =	vld.idx.msk [tilespmem:v37+s13+$0x0], $0xffff;
	v33 =	vadd.f32 v42, v33;
	v36 =	vadd.f32 v63, v62  }
0x254: {  	v34 =	vadd.f32 v34, v46;
	v32 =	vld.idx.msk [tilespmem:v32+s13+$0x0], $0xffff;
	v24 =	vadd.f32 v39, v24  }
0x255: {  	(erf) = vpow2.f32 v21;
	v42 =	vadd.f32 v31, v35;
	v43 =	vadd.f32 v36, v33  }
0x256: {  	v20 =	vld.idx.msk [tilespmem:v20+s13+$0x0], $0xffff;
	v18 =	vmul.f32 v18, v23;
	(erf) = vpow2.f32 v22;
	v44 =	vadd.f32 v41, v24  }
0x257: {  	v15 =	vmul.f32 v15, v19;
	(erf) = vrcp.f32 v42;
	v45 =	vadd.f32 v34, v43  }
0x258: {  	v46 =	vmul.f32 $1.442695020e+00, v37;
	(erf) = vrcp.f32 v44  }
0x259: {  	v47 =	vmul.f32 $1.442695020e+00, v32;
	(erf) = vrcp.f32 v45  }
0x25a: {  	v11 =	vmul.f32 v11, v16;
	(erf) = vpow2.f32 v46  }
0x25b: {  	v18 =	vsub.f32 $1.000000000e+00, v18;
	v20 =	vmul.f32 $1.442695020e+00, v20;
	v48 =	vpop (erf);
	(erf) = vpow2.f32 v47  }
0x25c: {  	v15 =	vsub.f32 $1.000000000e+00, v15;
	v49 =	vpop (erf)  }
0x25d: {  	v11 =	vsub.f32 $1.000000000e+00, v11;
	[tilespmem:v13+s16+$0x0] =	vst.idx.add.f32.msk $0xffff, v18;
	v50 =	vpop (erf);
	(erf) = vpow2.f32 v20  }
0x25e: {  	[tilespmem:v14+s16+$0x0] =	vst.idx.add.f32.msk $0xffff, v15;
	v51 =	vpop (erf)  }
0x25f: {  	[tilespmem:v12+s16+$0x0] =	vst.idx.add.f32.msk $0xffff, v11;
	v57 =	vmul.f32 v17, v50;
	v52 =	vpop (erf)  }
0x260: {  	[tilespmem:v13+s17+$0x0] =	vst.idx.add.f32.msk $0xffff, v3;
	v53 =	vmul.f32 v48, v51;
	v54 =	vpop (erf)  }
0x261: {  	[tilespmem:v14+s17+$0x0] =	vst.idx.add.f32.msk $0xffff, v3;
	v15 =	vsub.f32 $1.000000000e+00, v57;
	v11 =	vpop (erf)  }
0x262: {  	[tilespmem:v12+s17+$0x0] =	vst.idx.add.f32.msk $0xffff, v3;
	v55 =	vsub.f32 $1.000000000e+00, v53;
	v56 =	vpop (erf)  }
0x263: {  	v13 =	vmul.f32 v49, v52;
	[tilespmem:v29+s16+$0x0] =	vst.idx.add.f32.msk $0xffff, v15;
	v58 =	vpop (erf)  }
0x264: {  	v59 =	vadd.s32 v2, v27;
	[tilespmem:v30+s16+$0x0] =	vst.idx.add.f32.msk $0xffff, v55;
	v60 =	vpop (erf)  }
0x265: {  	[tilespmem:v29+s17+$0x0] =	vst.idx.add.f32.msk $0xffff, v3;
	v13 =	vsub.f32 $1.000000000e+00, v13;
	v11 =	vmul.f32 v11, v60  }
0x266: {  	v61 =	vadd.s32 v2, v26;
	[tilespmem:v30+s17+$0x0] =	vst.idx.add.f32.msk $0xffff, v3;
	v62 =	vpop (erf)  }
0x267: {  	[tilespmem:v28+s16+$0x0] =	vst.idx.add.f32.msk $0xffff, v13;
	v12 =	vmul.f32 v56, v62;
	v11 =	vsub.f32 $1.000000000e+00, v11  }
0x268: {  	s22 =	sadd.s32 $0x1, s22;
	v63 =	vadd.s32 v2, v25;
	[tilespmem:v28+s17+$0x0] =	vst.idx.add.f32.msk $0xffff, v3  }
0x269: {  	p1 =	sne.s32 s22, $0x1F;
	v16 =	vmul.f32 v54, v58;
	v12 =	vsub.f32 $1.000000000e+00, v12;
	[tilespmem:v59+s16+$0x0] =	vst.idx.add.f32.msk $0xffff, v11  }
.Ltmp4:
0x26a: {  	[tilespmem:v59+s17+$0x0] =	vst.idx.add.f32.msk $0xffff, v3;
	(pc) =	sbr.rel @p1 .LBB2_2-.Ltmp4, $4  }
0x26b: {  	v11 =	vsub.f32 $1.000000000e+00, v16;
	[tilespmem:v61+s16+$0x0] =	vst.idx.add.f32.msk $0xffff, v12  }
0x26c: {  	[tilespmem:v61+s17+$0x0] =	vst.idx.add.f32.msk $0xffff, v3  }
0x26d: {  	[tilespmem:v63+s16+$0x0] =	vst.idx.add.f32.msk $0xffff, v11  }
0x26e: {  	[tilespmem:v63+s17+$0x0] =	vst.idx.add.f32.msk $0xffff, v3  }
.Ltmp5:
0x26f: {  	(pc) =	sbr.rel @p0 .LBB2_11-.Ltmp5, $2  }
0x270: {  	_ =	sdelay $0x2  }
0x271: {  	s2 =	rddreg [dreg:$0xb]  }
0x272: {  	s23 =	simm.s32 $0x0;
	s0 =	rddreg [dreg:$0x7]  }
0x273: {  	[tilespmem:s23], [sflag:$0x1] =	stream.linear.gather [hbm4b:s0+s23], $0x6400, $0x38;
	[tilespmem:$0xE280] =	vst v63  }
0x274: {  	s24 =	rddreg [dreg:$0x8];
	s1 =	simm.s32 $0xC800  }
0x275: {  	[tilespmem:s1], [sflag:$0x1] =	stream.linear.gather [hbm4b:s24+s23], $0xC80, $0x38;
	[tilespmem:$0xE280] =	vst v63  }
0x276: {  	_ =	swait.ge [sflag:s15], $0x6400  }
0x277: {  	[sflag:s15] =	ssyncset.done $0x0  }
0x278: {  	[sflag:s15] =	ssyncadd.s32 $0xFFFF9C00  }
0x279: {  	s25 =	simm.s32 $0x30;
	_ =	swait.ge [sflag:s15], $0xC80  }
0x27a: {  	s22 =	simm.s32 $0xC820;
	s26 =	sand.u32 $0x70, s25;
	[sflag:s15] =	ssyncset.done $0x0  }
0x27b: {  	s2 =	sand.u32 $0x7, s23;
	s24 =	sand.u32 $0x7C00, s23;
	[sflag:s15] =	ssyncadd.s32 $0xFFFFF380  }
0x27c: {  	s2 =	sshll.u32 s2, $0x4;
	s1 =	sor.u32 s26, s24;
	v11 =	vld [tilespmem:s22+$0x10]  }
0x27d: {  	s2 =	sadd.s32 $0x0, s2;
	v12 =	vld [tilespmem:s1+$0x0]  }
0x27e: {  	s3 =	sadd.s32 $0x30, s2;
	v13 =	vld [tilespmem:s1+$0x80]  }
0x27f: {  	s31 =	sor.u32 $0x300, s3;
	v14 =	vld [tilespmem:s1+$0x100]  }
0x280: {  	v18 =	vld [tilespmem:s31+$0x0]  }
0x281: {  	p1 =	por $0x0, $0x0;
	s29 =	sor.u32 $0x200, s3;
	v15 =	vld [tilespmem:s1+$0x180]  }
0x282: {  	s30 =	sor.u32 $0x280, s3;
	s5 =	sor.u32 $0x380, s3;
	s3 =	simm.s32 $0x1;
	v16 =	vld [tilespmem:s29+$0x0]  }
0x283: {  	s3 =	simm.s32 @!p1 $0x0;
	v17 =	vld [tilespmem:s30+$0x0];
	v12 =	vmul.f32 $1.442695020e+00, v12  }
0x284: {  	s3 =	sshll.u32 s3, $0x6;
	v13 =	vmul.f32 $1.442695020e+00, v13;
	v14 =	vmul.f32 $1.442695020e+00, v14  }
0x285: {  	s12 =	sadd.s32 $0x0, s3;
	v19 =	vld [tilespmem:s5+$0x0];
	v18 =	vmul.f32 $1.442695020e+00, v18;
	(erf) = vpow2.f32 v12  }
0x286: {  	s14 =	sor.u32 $0x200, s12;
	v12 =	vmul.f32 $1.442695020e+00, v15;
	(erf) = vpow2.f32 v13  }
0x287: {  	s2 =	sadd.s32 $0x10, s2;
	s19 =	sor.u32 $0x280, s12;
	v23 =	vld [tilespmem:s14+$0x0];
	v20 =	vshrl.u32 v11, $0x3;
	v15 =	vmul.f32 $1.442695020e+00, v16;
	(erf) = vpow2.f32 v14  }
0x288: {  	s7 =	sor.u32 $0x200, s2;
	v24 =	vld [tilespmem:s19+$0x0];
	v16 =	vmul.f32 $1.442695020e+00, v17;
	(erf) = vpow2.f32 v12;
	v12 =	vmov s25  }
0x289: {  	s6 =	sand.u32 $0x3, s23;
	s5 =	sor.u32 $0x280, s2;
	v20 =	vmul.u32 $0x6400, v20;
	v13 =	vld [tilespmem:s7+$0x0];
	(erf) = vpow2.f32 v15;
	v12 =	vshll.u32 v12, $0x3  }
0x28a: {  	s8 =	sor.u32 $0x300, s2;
	s1 =	sshll.u32 s6, $0x5;
	v19 =	vmul.f32 $1.442695020e+00, v19;
	v14 =	vld [tilespmem:s5+$0x0];
	(erf) = vpow2.f32 v16;
	v12 =	vand.u32 $0x7C00, v12  }
0x28b: {  	s2 =	sor.u32 $0x380, s2;
	s29 =	sand.u32 $0x40, s23;
	s1 =	sadd.s32 $0x0, s1;
	v21 =	vshll.u32 v11, $0x7;
	v17 =	vld [tilespmem:s8+$0x0];
	(erf) = vpow2.f32 v18;
	v12 =	vadd.s32 v12, v20  }
0x28c: {  	s30 =	sor.u32 s29, s24;
	s1 =	sadd.s32 $0x20, s1;
	v15 =	vld [tilespmem:s2+$0x0];
	v20 =	vand.u32 $0x380, v21;
	(erf) = vpow2.f32 v19;
	v19 =	vor.u32 s25, v0  }
0x28d: {  	v33 =	vld [tilespmem:s30+$0x100];
	s11 =	sor.u32 $0x300, s1;
	v19 =	vand.u32 $0x7F, v19  }
0x28e: {  	s9 =	sor.u32 $0x200, s1;
	v22 =	vld [tilespmem:s11+$0x0];
	v13 =	vmul.f32 $1.442695020e+00, v13  }
0x28f: {  	s10 =	sor.u32 $0x280, s1;
	v16 =	vld [tilespmem:s9+$0x0];
	v12 =	vor.u32 v20, v12;
	v14 =	vmul.f32 $1.442695020e+00, v14;
	v20 =	vpop (erf)  }
0x290: {  	s1 =	sor.u32 $0x380, s1;
	v23 =	vmul.f32 $1.442695020e+00, v23;
	v17 =	vmul.f32 $1.442695020e+00, v17;
	v18 =	vld [tilespmem:s10+$0x0];
	v12 =	vor.u32 v19, v12;
	v19 =	vpop (erf)  }
0x291: {  	s20 =	simm.s32 $0x10;
	v24 =	vmul.f32 $1.442695020e+00, v24;
	s2 =	sor.u32 $0x380, s12;
	v21 =	vld [tilespmem:s1+$0x0];
	v15 =	vmul.f32 $1.442695020e+00, v15;
	v25 =	vpop (erf)  }
0x292: {  	s21 =	sand.u32 $0x50, s20;
	v33 =	vmul.f32 $1.442695020e+00, v33;
	v29 =	vld [tilespmem:s2+$0x0];
	(erf) = vpow2.f32 v13;
	v13 =	vpop (erf)  }
0x293: {  	v22 =	vmul.f32 $1.442695020e+00, v22;
	s1 =	sor.u32 s21, s24;
	(erf) = vpow2.f32 v14;
	v14 =	vpop (erf)  }
0x294: {  	v26 =	vmov s23;
	v30 =	vld [tilespmem:s1+$0x0];
	s25 =	simm.s32 $0x20;
	v16 =	vmul.f32 $1.442695020e+00, v16;
	(erf) = vpow2.f32 v17;
	v17 =	vpop (erf)  }
0x295: {  	v26 =	vshll.u32 v26, $0x3;
	s3 =	sor.u32 $0x300, s12;
	s26 =	sand.u32 $0x60, s25;
	v18 =	vmul.f32 $1.442695020e+00, v18;
	v12 =	vld.idx.msk [tilespmem:v12+s4+$0x0], $0xffff;
	(erf) = vpow2.f32 v15;
	v15 =	vpop (erf)  }
0x296: {  	v27 =	vld [tilespmem:s3+$0x0];
	s3 =	sor.u32 s26, s24;
	v21 =	vmul.f32 $1.442695020e+00, v21;
	v19 =	vadd.f32 v19, v20;
	v13 =	vadd.f32 v13, v25;
	v20 =	vpop (erf)  }
0x297: {  	v25 =	vmul.f32 $1.442695020e+00, v29;
	v29 =	vld [tilespmem:s3+$0x180];
	v14 =	vadd.f32 v17, v14;
	v15 =	vadd.f32 v20, v15  }
0x298: {  	v31 =	vld [tilespmem:s1+$0x80];
	v17 =	vand.u32 $0x7C00, v26;
	v13 =	vadd.f32 v13, v19;
	(erf) = vpow2.f32 v16  }
0x299: {  	v26 =	vld [tilespmem:s1+$0x180];
	v19 =	vmul.f32 $1.442695020e+00, v30;
	(erf) = vpow2.f32 v18;
	v14 =	vadd.f32 v15, v14  }
0x29a: {  	v28 =	vor.u32 s23, v0;
	v30 =	vld [tilespmem:s30+$0x0];
	(erf) = vpow2.f32 v22;
	v12 =	vmul.f32 $1.442695020e+00, v12  }
0x29b: {  	v20 =	vmul.f32 $1.442695020e+00, v27;
	(erf) = vpow2.f32 v21;
	v13 =	vadd.f32 v14, v13  }
0x29c: {  	v28 =	vand.u32 $0x4F, v28;
	v16 =	vld [tilespmem:s1+$0x100];
	v29 =	vmul.f32 $1.442695020e+00, v29;
	(erf) = vpow2.f32 v12  }
0x29d: {  	v27 =	vld [tilespmem:s3+$0x0];
	v15 =	vmov s20;
	v21 =	vmul.f32 $1.442695020e+00, v31;
	(erf) = vrcp.f32 v13  }
0x29e: {  	v18 =	vld [tilespmem:s3+$0x80];
	v12 =	vmov s25;
	v26 =	vmul.f32 $1.442695020e+00, v26;
	(erf) = vpow2.f32 v23  }
0x29f: {  	v32 =	vpop (erf);
	v22 =	vld [tilespmem:s3+$0x100];
	v15 =	vshll.u32 v15, $0x3;
	v30 =	vmul.f32 $1.442695020e+00, v30;
	(erf) = vpow2.f32 v24  }
0x2a0: {  	v34 =	vpop (erf);
	v14 =	vor.u32 s20, v0;
	v13 =	vld [tilespmem:s22+$0xFFFFFFF0];
	v24 =	vshll.u32 v12, $0x3;
	(erf) = vpow2.f32 v20  }
0x2a1: {  	v31 =	vld [tilespmem:s30+$0x80];
	v16 =	vmul.f32 $1.442695020e+00, v16;
	v35 =	vpop (erf);
	v23 =	vor.u32 s25, v0;
	(erf) = vpow2.f32 v25  }
0x2a2: {  	v15 =	vand.u32 $0x7C00, v15;
	v27 =	vmul.f32 $1.442695020e+00, v27;
	v12 =	vld [tilespmem:s22+$0xFFFFFFE0];
	v25 =	vpop (erf);
	(erf) = vpow2.f32 v19  }
0x2a3: {  	v20 =	vand.u32 $0x5F, v14;
	v14 =	vld [tilespmem:s22+$0x0];
	v19 =	vand.u32 $0x7C00, v24;
	v24 =	vpop (erf);
	(erf) = vpow2.f32 v21  }
0x2a4: {  	v18 =	vmul.f32 $1.442695020e+00, v18;
	v21 =	vand.u32 $0x6F, v23;
	v23 =	vpop (erf);
	(erf) = vpow2.f32 v16  }
0x2a5: {  	v22 =	vmul.f32 $1.442695020e+00, v22;
	v37 =	vshrl.u32 v13, $0x3;
	v63 =	vpop (erf);
	(erf) = vpow2.f32 v26  }
0x2a6: {  	v31 =	vmul.f32 $1.442695020e+00, v31;
	v37 =	vmul.u32 $0x6400, v37;
	v26 =	vpop (erf);
	(erf) = vpow2.f32 v27  }
0x2a7: {  	s6 =	simm.s32 $0x4;
	v16 =	vadd.f32 v34, v32;
	v41 =	vshrl.u32 v12, $0x3;
	v27 =	vpop (erf);
	(erf) = vpow2.f32 v18  }
0x2a8: {  	s0 =	sand.u32 $0x7, s6;
	v36 =	vshll.u32 v12, $0x7;
	v38 =	vshrl.u32 v14, $0x3;
	v18 =	vpop (erf);
	(erf) = vpow2.f32 v22;
	v22 =	vld [tilespmem:s30+$0x180]  }
0x2a9: {  	s0 =	sshll.u32 s0, $0x4;
	v34 =	vmul.u32 $0x6400, v41;
	v41 =	vshll.u32 v14, $0x7;
	v39 =	vpop (erf);
	(erf) = vpow2.f32 v29  }
0x2aa: {  	s9 =	sadd.s32 $0x200, s0;
	v15 =	vadd.s32 v15, v37;
	v38 =	vmul.u32 $0x6400, v38;
	v40 =	vpop (erf);
	(erf) = vpow2.f32 v30  }
0x2ab: {  	s19 =	simm.s32 $0x50;
	s7 =	simm.s32 $0x200;
	s3 =	sadd.s32 $0x10, s9;
	v43 =	vand.u32 $0x380, v41;
	v30 =	vpop (erf);
	(erf) = vpow2.f32 v31;
	v31 =	vand.u32 $0x380, v36  }
0x2ac: {  	s23 =	sand.u32 $0x7C00, s7;
	s0 =	sand.u32 $0x50, s19;
	s21 =	sor.u32 $0x280, s3;
	v17 =	vadd.s32 v17, v34;
	v19 =	vadd.s32 v19, v38;
	v29 =	vshll.u32 v13, $0x7  }
0x2ad: {  	s10 =	sadd.s32 $0x30, s9;
	s0 =	sor.u32 s0, s23;
	v48 =	vld [tilespmem:s21+$0x0];
	v29 =	vand.u32 $0x380, v29;
	v42 =	vpop (erf);
	v17 =	vor.u32 v31, v17;
	v22 =	vmul.f32 $1.442695020e+00, v22  }
0x2ae: {  	s31 =	simm.s32 $0x70;
	s11 =	sor.u32 $0x200, s10;
	v61 =	vld [tilespmem:s0+$0x0];
	v18 =	vmul.f32 v18, v27;
	v15 =	vor.u32 v29, v15;
	v17 =	vor.u32 v28, v17;
	v31 =	vpop (erf)  }
0x2af: {  	s8 =	sand.u32 $0x70, s31;
	s5 =	sor.u32 $0x380, s10;
	v45 =	vld [tilespmem:s11+$0x0];
	v19 =	vor.u32 v43, v19;
	v15 =	vor.u32 v20, v15;
	v28 =	vpop (erf);
	(erf) = vpow2.f32 v33  }
0x2b0: {  	v46 =	vld [tilespmem:s5+$0x0];
	s1 =	sor.u32 s8, s23;
	v21 =	vor.u32 v21, v19;
	v20 =	vadd.f32 v25, v35;
	v25 =	vpop (erf);
	(erf) = vpow2.f32 v22  }
0x2b1: {  	v44 =	vld [tilespmem:s1+$0x100];
	v19 =	vsub.f32 $1.000000000e+00, v18;
	v22 =	vpop (erf)  }
0x2b2: {  	v35 =	vmul.f32 $1.442695020e+00, v48;
	v48 =	vld [tilespmem:s0+$0x100];
	v16 =	vadd.f32 v20, v16;
	v20 =	vadd.f32 v23, v24;
	v23 =	vpop (erf)  }
0x2b3: {  	v27 =	vld.idx.msk [tilespmem:v17+s4+$0x0], $0xffff;
	v17 =	vadd.f32 v26, v63;
	v26 =	vadd.f32 v42, v30;
	v18 =	vpop (erf)  }
0x2b4: {  	v30 =	vld.idx.msk [tilespmem:v15+s4+$0x0], $0xffff;
	v15 =	vadd.f32 v28, v31;
	v22 =	vadd.f32 v22, v25;
	v29 =	vpop (erf)  }
0x2b5: {  	v24 =	vadd.f32 v40, v39;
	v28 =	vld.idx.msk [tilespmem:v21+s4+$0x0], $0xffff;
	v23 =	vadd.f32 v18, v23;
	v25 =	vpop (erf)  }
0x2b6: {  	v47 =	vor.u32 s31, v0;
	v31 =	vld [tilespmem:s1+$0x0];
	v15 =	vadd.f32 v22, v15;
	v25 =	vadd.f32 v25, v29;
	v29 =	vpop (erf)  }
0x2b7: {  	s24 =	simm.s32 $0x40;
	s22 =	simm.s32 $0xC860;
	v21 =	vadd.s32 v2, v11;
	v17 =	vadd.f32 v17, v20;
	v24 =	vadd.f32 v26, v24;
	v26 =	vld [tilespmem:s1+$0x80];
	v20 =	vpop (erf)  }
0x2b8: {  	p1 =	por !p1, !p1;
	v18 =	vld [tilespmem:s22+$0x10];
	v15 =	vadd.f32 v16, v15;
	v11 =	vadd.f32 v20, v29;
	v22 =	vpop (erf);
	v29 =	vmov s24  }
0x2b9: {  	s14 =	simm.s32 $0x2;
	s12 =	sor.u32 $0x280, s10;
	s6 =	sor.u32 $0x300, s10;
	v32 =	vmul.f32 $1.442695020e+00, v46;
	v16 =	vadd.f32 v25, v23;
	v23 =	vpop (erf);
	v25 =	vshll.u32 v29, $0x3;
	v29 =	vld [tilespmem:s1+$0x180]  }
0x2ba: {  	s26 =	sor.u32 $0x380, s3;
	s20 =	sor.u32 $0x200, s3;
	v63 =	vld [tilespmem:s0+$0x80];
	(erf) = vrcp.f32 v15;
	v15 =	vmul.f32 $1.442695020e+00, v27;
	s1 =	sand.u32 $0x3, s14;
	v23 =	vadd.f32 v23, v22  }
0x2bb: {  	s25 =	sor.u32 $0x300, s3;
	s3 =	simm.s32 $0x1;
	v27 =	vmul.f32 $1.442695020e+00, v31;
	v31 =	vld [tilespmem:s12+$0x0];
	v22 =	vand.u32 $0x7C00, v25;
	v17 =	vadd.f32 v17, v16;
	s1 =	sshll.u32 s1, $0x5  }
0x2bc: {  	s3 =	simm.s32 @!p1 $0x0;
	v16 =	vmul.f32 $1.442695020e+00, v30;
	s1 =	sadd.s32 $0x200, s1;
	v25 =	vadd.f32 v23, v11;
	v11 =	vmul.f32 $1.442695020e+00, v26;
	v23 =	vld [tilespmem:s6+$0x0]  }
0x2bd: {  	s3 =	sshll.u32 s3, $0x6;
	v51 =	vshll.u32 v18, $0x7;
	v30 =	vmul.f32 $1.442695020e+00, v44;
	(erf) = vpow2.f32 v27;
	v27 =	vld [tilespmem:s20+$0x0];
	s1 =	sadd.s32 $0x20, s1  }
0x2be: {  	v37 =	vand.u32 $0x380, v51;
	v51 =	vld [tilespmem:s0+$0x180];
	s6 =	sadd.s32 $0x200, s3;
	s29 =	sor.u32 $0x200, s1;
	v29 =	vmul.f32 $1.442695020e+00, v29;
	(erf) = vpow2.f32 v11  }
0x2bf: {  	v33 =	vmul.f32 $1.442695020e+00, v45;
	v49 =	vshrl.u32 v18, $0x3;
	s3 =	sor.u32 $0x200, s6;
	v50 =	vld [tilespmem:s29+$0x0];
	(erf) = vpow2.f32 v30  }
0x2c0: {  	v31 =	vmul.f32 $1.442695020e+00, v31;
	s9 =	sor.u32 $0x300, s6;
	v11 =	vmov s31;
	v55 =	vld [tilespmem:s3+$0x0];
	(erf) = vpow2.f32 v29  }
0x2c1: {  	v42 =	vld [tilespmem:s9+$0x0];
	v11 =	vshll.u32 v11, $0x3;
	v23 =	vmul.f32 $1.442695020e+00, v23;
	(erf) = vpow2.f32 v33  }
0x2c2: {  	v36 =	vmul.u32 $0x6400, v49;
	s31 =	sor.u32 $0x300, s1;
	v30 =	vld [tilespmem:s25+$0x0];
	v11 =	vand.u32 $0x7C00, v11;
	(erf) = vpow2.f32 v31  }
0x2c3: {  	v57 =	vor.u32 s19, v0;
	v52 =	vld [tilespmem:s31+$0x0];
	(erf) = vpow2.f32 v23  }
0x2c4: {  	v53 =	vand.u32 $0x7F, v47;
	s12 =	sand.u32 $0x40, s24;
	s30 =	sor.u32 $0x280, s1;
	v29 =	vld [tilespmem:s26+$0x0];
	v36 =	vadd.s32 v11, v36;
	(erf) = vpow2.f32 v32  }
0x2c5: {  	v39 =	vmul.f32 $1.442695020e+00, v63;
	s0 =	sor.u32 s12, s23;
	v27 =	vmul.f32 $1.442695020e+00, v27;
	v31 =	vld [tilespmem:s30+$0x0];
	v54 =	vor.u32 v37, v36;
	v11 =	vpop (erf)  }
0x2c6: {  	s1 =	sor.u32 $0x380, s1;
	v37 =	vand.u32 $0x5F, v57;
	v57 =	vld [tilespmem:s0+$0x80];
	v23 =	vmul.f32 $1.442695020e+00, v28;
	v33 =	vmul.f32 $1.442695020e+00, v50;
	v56 =	vpop (erf)  }
0x2c7: {  	s8 =	simm.s32 $0x60;
	v28 =	vld [tilespmem:s1+$0x0];
	v42 =	vmul.f32 $1.442695020e+00, v42;
	v32 =	vor.u32 v53, v54;
	v30 =	vmul.f32 $1.442695020e+00, v30;
	v59 =	vpop (erf)  }
0x2c8: {  	v60 =	vmov s8;
	s7 =	sor.u32 $0x280, s6;
	v38 =	vmul.f32 $1.442695020e+00, v52;
	(erf) = vpow2.f32 v27;
	v43 =	vpop (erf)  }
0x2c9: {  	v12 =	vadd.s32 v2, v12;
	v58 =	vld [tilespmem:s7+$0x0];
	v29 =	vmul.f32 $1.442695020e+00, v29;
	(erf) = vpow2.f32 v35;
	v44 =	vpop (erf)  }
0x2ca: {  	v14 =	vadd.s32 v2, v14;
	v35 =	vmul.f32 $1.442695020e+00, v61;
	v31 =	vmul.f32 $1.442695020e+00, v31;
	v46 =	vpop (erf)  }
0x2cb: {  	v41 =	vshll.u32 v60, $0x3;
	(erf) = vpow2.f32 v30;
	v30 =	vmul.f32 $1.442695020e+00, v55;
	v62 =	vpop (erf)  }
0x2cc: {  	s11 =	sand.u32 $0x60, s8;
	v40 =	vand.u32 $0x7C00, v41;
	v63 =	vmul.f32 $1.442695020e+00, v57;
	v28 =	vmul.f32 $1.442695020e+00, v28;
	v32 =	vld.idx.msk [tilespmem:v32+s4+$0x0], $0xffff;
	v47 =	vpop (erf)  }
0x2cd: {  	s1 =	sor.u32 s11, s23;
	(erf) = vpow2.f32 v29;
	v34 =	vadd.f32 v59, v56;
	v49 =	vadd.f32 v44, v43;
	v50 =	vpop (erf)  }
0x2ce: {  	v52 =	vld [tilespmem:s1+$0x0];
	v29 =	vmul.f32 $1.442695020e+00, v58;
	v36 =	vadd.f32 v62, v46;
	v43 =	vadd.f32 v50, v47  }
0x2cf: {  	v45 =	vor.u32 s8, v0;
	s10 =	sor.u32 $0x380, s6;
	v54 =	vld [tilespmem:s1+$0x180];
	v56 =	vmul.f32 $1.442695020e+00, v51;
	(erf) = vpow2.f32 v33  }
0x2d0: {  	v27 =	vld [tilespmem:s10+$0x0];
	(erf) = vpow2.f32 v31;
	v34 =	vadd.f32 v49, v34;
	v36 =	vadd.f32 v43, v36  }
0x2d1: {  	v20 =	vor.u32 s24, v0;
	v53 =	vld [tilespmem:s1+$0x100];
	(erf) = vpow2.f32 v38;
	v32 =	vmul.f32 $1.442695020e+00, v32  }
0x2d2: {  	v60 =	vld [tilespmem:s0+$0x180];
	v33 =	vmul.f32 $1.442695020e+00, v48;
	(erf) = vpow2.f32 v28;
	v34 =	vadd.f32 v36, v34  }
0x2d3: {  	v20 =	vand.u32 $0x4F, v20;
	v58 =	vmul.f32 $1.442695020e+00, v52;
	v31 =	vld [tilespmem:s1+$0x80];
	(erf) = vpow2.f32 v32  }
0x2d4: {  	v55 =	vld [tilespmem:s0+$0x0];
	v41 =	vmul.f32 $1.442695020e+00, v54;
	v43 =	vadd.f32 v24, v25;
	v24 =	vpop (erf);
	(erf) = vrcp.f32 v34  }
0x2d5: {  	v26 =	vmov s19;
	v59 =	vld [tilespmem:s0+$0x100];
	v27 =	vmul.f32 $1.442695020e+00, v27;
	v25 =	vpop (erf);
	(erf) = vpow2.f32 v30  }
0x2d6: {  	v38 =	vmul.f32 $1.442695020e+00, v53;
	v28 =	vand.u32 $0x6F, v45;
	v30 =	vpop (erf);
	(erf) = vpow2.f32 v29  }
0x2d7: {  	v45 =	vmul.f32 $1.442695020e+00, v60;
	v29 =	vadd.f32 v25, v24;
	v25 =	vpop (erf);
	v24 =	vld [tilespmem:s22+$0xFFFFFFE0];
	(erf) = vpow2.f32 v42  }
0x2d8: {  	v31 =	vmul.f32 $1.442695020e+00, v31;
	v30 =	vadd.f32 v25, v30;
	v61 =	vpop (erf);
	v25 =	vld [tilespmem:s22+$0xFFFFFFF0];
	(erf) = vpow2.f32 v27  }
0x2d9: {  	v26 =	vshll.u32 v26, $0x3;
	v36 =	vmul.f32 $1.442695020e+00, v55;
	v62 =	vpop (erf);
	v27 =	vld [tilespmem:s22+$0x0];
	(erf) = vpow2.f32 v35  }
0x2da: {  	v26 =	vand.u32 $0x7C00, v26;
	v42 =	vmul.f32 $1.442695020e+00, v59;
	v44 =	vpop (erf);
	(erf) = vpow2.f32 v39  }
0x2db: {  	v29 =	vadd.f32 v30, v29;
	v30 =	vadd.s32 v2, v18;
	(erf) = vpow2.f32 v33;
	v33 =	vpop (erf)  }
0x2dc: {  	v39 =	vadd.f32 v62, v61;
	v52 =	vshrl.u32 v24, $0x3;
	(erf) = vpow2.f32 v56;
	v53 =	vpop (erf)  }
0x2dd: {  	v54 =	vshll.u32 v24, $0x7;
	v48 =	vshrl.u32 v25, $0x3;
	(erf) = vpow2.f32 v58;
	v55 =	vpop (erf)  }
0x2de: {  	v33 =	vadd.f32 v33, v44;
	v56 =	vshrl.u32 v27, $0x3;
	v18 =	vpop (erf);
	(erf) = vpow2.f32 v31  }
0x2df: {  	v59 =	vmul.u32 $0x6400, v48;
	v31 =	vmul.u32 $0x6400, v52;
	v57 =	vpop (erf);
	(erf) = vpow2.f32 v38  }
0x2e0: {  	v62 =	vshll.u32 v27, $0x7;
	v46 =	vmul.u32 $0x6400, v56;
	v58 =	vpop (erf);
	(erf) = vpow2.f32 v41  }
0x2e1: {  	s22 =	simm.s32 $0x8;
	v22 =	vadd.s32 v22, v31;
	v31 =	vand.u32 $0x380, v54;
	(erf) = vpow2.f32 v36;
	v60 =	vpop (erf)  }
0x2e2: {  	s20 =	sand.u32 $0x7, s22;
	v26 =	vadd.s32 v26, v59;
	v22 =	vor.u32 v31, v22;
	(erf) = vpow2.f32 v63;
	v61 =	vpop (erf)  }
0x2e3: {  	s14 =	simm.s32 $0xB0;
	s23 =	simm.s32 $0x400;
	s2 =	sshll.u32 s20, $0x4;
	v32 =	vmul.f32 v55, v53;
	v20 =	vor.u32 v20, v22;
	v22 =	vshll.u32 v25, $0x7;
	v63 =	vpop (erf)  }
0x2e4: {  	s19 =	sand.u32 $0x70, s14;
	s26 =	sand.u32 $0x7C00, s23;
	s2 =	sadd.s32 $0x400, s2;
	v39 =	vadd.f32 v33, v39;
	v40 =	vadd.s32 v40, v46;
	v22 =	vand.u32 $0x380, v22;
	v46 =	vpop (erf)  }
0x2e5: {  	s1 =	sor.u32 s19, s26;
	s21 =	sadd.s32 $0x30, s2;
	v18 =	vadd.f32 v57, v18;
	(erf) = vpow2.f32 v42;
	v22 =	vor.u32 v22, v26;
	v26 =	vpop (erf)  }
0x2e6: {  	s29 =	sor.u32 $0x200, s21;
	v52 =	vld [tilespmem:s1+$0x0];
	v31 =	vsub.f32 $1.000000000e+00, v32;
	v32 =	vand.u32 $0x380, v62;
	(erf) = vpow2.f32 v45;
	v48 =	vpop (erf)  }
0x2e7: {  	s3 =	sor.u32 $0x380, s21;
	v55 =	vld [tilespmem:s29+$0x0];
	v62 =	vor.u32 s14, v0;
	v32 =	vor.u32 v32, v40;
	(erf) = vrcp.f32 v17;
	v49 =	vpop (erf)  }
0x2e8: {  	v59 =	vld [tilespmem:s3+$0x0];
	v17 =	vadd.f32 v63, v61;
	v26 =	vadd.f32 v26, v46;
	(erf) = vrcp.f32 v43;
	v50 =	vpop (erf)  }
0x2e9: {  	v36 =	vadd.f32 v60, v58;
	v28 =	vor.u32 v28, v32;
	v20 =	vld.idx.msk [tilespmem:v20+s4+$0x0], $0xffff;
	(erf) = vpow2.f32 v15;
	v51 =	vpop (erf)  }
0x2ea: {  	v54 =	vld [tilespmem:s1+$0x80];
	v34 =	vadd.f32 v49, v48;
	v17 =	vadd.f32 v26, v17;
	(erf) = vpow2.f32 v16;
	v53 =	vpop (erf)  }
0x2eb: {  	s25 =	simm.s32 $0x80;
	v26 =	vadd.f32 v36, v18;
	v18 =	vld [tilespmem:s1+$0x100];
	v15 =	vadd.f32 v51, v50;
	(erf) = vpow2.f32 v23;
	v16 =	vpop (erf)  }
0x2ec: {  	s31 =	sor.u32 $0x300, s21;
	v23 =	vmov s25;
	v40 =	vadd.f32 v16, v53;
	v16 =	vadd.f32 v29, v17;
	v17 =	vld [tilespmem:s1+$0x180]  }
0x2ed: {  	s24 =	simm.s32 $0xC8A0;
	v58 =	vld [tilespmem:s31+$0x0];
	v42 =	vmul.f32 $1.442695020e+00, v59;
	v22 =	vor.u32 v37, v22;
	v23 =	vshll.u32 v23, $0x3  }
0x2ee: {  	s2 =	sadd.s32 $0x10, s2;
	s30 =	sor.u32 $0x280, s21;
	v32 =	vld [tilespmem:s24+$0x10];
	v15 =	vadd.f32 v15, v34;
	v29 =	vor.u32 s25, v0;
	v33 =	vmul.f32 $1.442695020e+00, v20  }
0x2ef: {  	s5 =	sor.u32 $0x200, s2;
	v34 =	vand.u32 $0x4F, v29;
	v29 =	vld [tilespmem:s30+$0x0];
	(erf) = vrcp.f32 v16;
	v16 =	vmul.f32 $1.442695020e+00, v52  }
0x2f0: {  	p1 =	por !p1, !p1;
	s6 =	simm.s32 $0x4;
	v60 =	vld [tilespmem:s5+$0x0];
	v20 =	vmul.f32 $1.442695020e+00, v54;
	v37 =	vand.u32 $0x7C00, v23;
	v18 =	vmul.f32 $1.442695020e+00, v18  }
0x2f1: {  	s0 =	simm.s32 $0x1;
	s7 =	sor.u32 $0x280, s2;
	v56 =	vpop (erf);
	s1 =	sand.u32 $0x3, s6;
	v23 =	vld.idx.msk [tilespmem:v28+s4+$0x0], $0xffff;
	v28 =	vmov s14;
	(erf) = vpow2.f32 v16;
	v16 =	vmul.f32 $1.442695020e+00, v17  }
0x2f2: {  	s0 =	simm.s32 @!p1 $0x0;
	s8 =	sor.u32 $0x300, s2;
	v61 =	vld [tilespmem:s7+$0x0];
	v57 =	vpop (erf);
	s1 =	sshll.u32 s1, $0x5;
	v28 =	vshll.u32 v28, $0x3;
	(erf) = vpow2.f32 v20;
	v17 =	vmul.f32 $1.442695020e+00, v55  }
0x2f3: {  	s0 =	sshll.u32 s0, $0x6;
	v63 =	vld [tilespmem:s8+$0x0];
	v38 =	vadd.f32 v57, v56;
	v35 =	vadd.f32 v39, v15;
	s1 =	sadd.s32 $0x400, s1;
	(erf) = vpow2.f32 v18  }
0x2f4: {  	s0 =	sadd.s32 $0x400, s0;
	s2 =	sor.u32 $0x380, s2;
	v22 =	vld.idx.msk [tilespmem:v22+s4+$0x0], $0xffff;
	v52 =	vshrl.u32 v32, $0x3;
	s1 =	sadd.s32 $0x20, s1;
	v15 =	vpop (erf);
	v18 =	vmul.f32 $1.442695020e+00, v29;
	(erf) = vpow2.f32 v16  }
0x2f5: {  	s12 =	sor.u32 $0x200, s0;
	v53 =	vld [tilespmem:s2+$0x0];
	v28 =	vand.u32 $0x7C00, v28;
	s9 =	sor.u32 $0x200, s1;
	v29 =	vmul.f32 $1.442695020e+00, v58;
	v16 =	vpop (erf);
	(erf) = vpow2.f32 v17  }
0x2f6: {  	v54 =	vmul.u32 $0x6400, v52;
	s10 =	sor.u32 $0x280, s1;
	s11 =	sor.u32 $0x300, s1;
	s1 =	sor.u32 $0x380, s1;
	v38 =	vadd.f32 v38, v40;
	v40 =	vld [tilespmem:s12+$0x0];
	v17 =	vpop (erf);
	(erf) = vpow2.f32 v18  }
0x2f7: {  	v39 =	vand.u32 $0x7F, v62;
	v55 =	vshll.u32 v32, $0x7;
	v59 =	vld [tilespmem:s1+$0x0];
	v20 =	vpop (erf);
	(erf) = vpow2.f32 v29  }
0x2f8: {  	v28 =	vadd.s32 v28, v54;
	v57 =	vand.u32 $0x380, v55;
	v58 =	vld [tilespmem:s11+$0x0];
	v18 =	vpop (erf);
	(erf) = vpow2.f32 v42  }
0x2f9: {  	v43 =	vmul.f32 $1.442695020e+00, v60;
	v36 =	vmul.f32 $1.442695020e+00, v22;
	v56 =	vld [tilespmem:s10+$0x0];
	v28 =	vor.u32 v57, v28;
	v22 =	vpop (erf)  }
0x2fa: {  	s19 =	sor.u32 $0x280, s0;
	s20 =	sor.u32 $0x300, s0;
	s0 =	sor.u32 $0x380, s0;
	v44 =	vmul.f32 $1.442695020e+00, v61;
	v41 =	vmul.f32 $1.442695020e+00, v63;
	v28 =	vor.u32 v39, v28;
	v29 =	vld [tilespmem:s9+$0x0];
	v46 =	vpop (erf)  }
0x2fb: {  	v13 =	vadd.s32 v2, v13;
	v23 =	vmul.f32 $1.442695020e+00, v23;
	v45 =	vmul.f32 $1.442695020e+00, v53;
	v54 =	vld [tilespmem:s0+$0x0];
	v39 =	vpop (erf)  }
0x2fc: {  	v27 =	vadd.s32 v2, v27;
	v51 =	vld [tilespmem:s19+$0x0];
	s14 =	simm.s32 $0x90;
	v40 =	vmul.f32 $1.442695020e+00, v40;
	v48 =	vmul.f32 $1.442695020e+00, v59;
	v49 =	vpop (erf)  }
0x2fd: {  	v50 =	vmov s14;
	v47 =	vmul.f32 $1.442695020e+00, v58;
	(erf) = vpow2.f32 v43;
	v60 =	vpop (erf)  }
0x2fe: {  	s21 =	simm.s32 $0xA0;
	s29 =	sand.u32 $0x50, s14;
	v50 =	vshll.u32 v50, $0x3;
	v52 =	vld [tilespmem:s20+$0x0];
	v42 =	vmul.f32 $1.442695020e+00, v56;
	(erf) = vpow2.f32 v44;
	v61 =	vpop (erf)  }
0x2ff: {  	s30 =	sand.u32 $0x60, s21;
	v50 =	vand.u32 $0x7C00, v50;
	s0 =	sor.u32 s29, s26;
	v28 =	vld.idx.msk [tilespmem:v28+s4+$0x0], $0xffff;
	(erf) = vpow2.f32 v41;
	v29 =	vmul.f32 $1.442695020e+00, v29;
	v62 =	vpop (erf)  }
0x300: {  	s1 =	sor.u32 s30, s26;
	v58 =	vld [tilespmem:s0+$0x100];
	v44 =	vmul.f32 $1.442695020e+00, v54;
	(erf) = vpow2.f32 v45;
	v39 =	vadd.f32 v39, v46;
	v63 =	vpop (erf)  }
0x301: {  	v54 =	vld [tilespmem:s1+$0x180];
	v43 =	vadd.f32 v60, v49;
	v49 =	vmul.f32 $1.442695020e+00, v51;
	(erf) = vpow2.f32 v29;
	v59 =	vpop (erf)  }
0x302: {  	v60 =	vld [tilespmem:s0+$0x80];
	(erf) = vpow2.f32 v42;
	v41 =	vadd.f32 v62, v61;
	v63 =	vadd.f32 v59, v63  }
0x303: {  	v53 =	vor.u32 s14, v0;
	v29 =	vmul.f32 $1.442695020e+00, v52;
	(erf) = vpow2.f32 v47;
	v47 =	vld [tilespmem:s1+$0x80]  }
0x304: {  	v56 =	vld [tilespmem:s0+$0x0];
	v28 =	vmul.f32 $1.442695020e+00, v28;
	v39 =	vadd.f32 v43, v39;
	v41 =	vadd.f32 v63, v41  }
0x305: {  	v55 =	vmov s21;
	v42 =	vmul.f32 $1.442695020e+00, v58;
	v62 =	vld [tilespmem:s1+$0x0];
	(erf) = vpow2.f32 v48  }
0x306: {  	v48 =	vand.u32 $0x5F, v53;
	v53 =	vmul.f32 $1.442695020e+00, v54;
	v59 =	vld [tilespmem:s0+$0x180];
	v39 =	vadd.f32 v41, v39  }
0x307: {  	s31 =	sand.u32 $0x40, s25;
	v57 =	vor.u32 s21, v0;
	(erf) = vpow2.f32 v28;
	v51 =	vmul.f32 $1.442695020e+00, v60;
	v63 =	vld [tilespmem:s1+$0x100]  }
0x308: {  	s0 =	sor.u32 s31, s26;
	v28 =	vadd.s32 v2, v24;
	v24 =	vld [tilespmem:s24+$0xFFFFFFE0];
	v47 =	vmul.f32 $1.442695020e+00, v47;
	(erf) = vrcp.f32 v39  }
0x309: {  	v61 =	vshll.u32 v55, $0x3;
	v46 =	vld [tilespmem:s0+$0x0];
	v60 =	vpop (erf);
	v41 =	vmul.f32 $1.442695020e+00, v56;
	(erf) = vpow2.f32 v40  }
0x30a: {  	v55 =	vld [tilespmem:s0+$0x80];
	v39 =	vand.u32 $0x7C00, v61;
	(erf) = vpow2.f32 v49;
	v49 =	vadd.f32 v26, v38;
	v26 =	vpop (erf)  }
0x30b: {  	v61 =	vld [tilespmem:s0+$0x100];
	v38 =	vmul.f32 $1.442695020e+00, v62;
	(erf) = vpow2.f32 v29;
	v62 =	vpop (erf);
	v29 =	vadd.s32 v2, v25  }
0x30c: {  	(erf) = vpow2.f32 v44;
	v25 =	vpop (erf);
	v44 =	vmul.f32 $1.442695020e+00, v63;
	v63 =	vadd.f32 v26, v60;
	v26 =	vld [tilespmem:s24+$0xFFFFFFF0]  }
0x30d: {  	v52 =	vmul.f32 $1.442695020e+00, v59;
	v40 =	vand.u32 $0x6F, v57;
	v57 =	vld [tilespmem:s0+$0x180];
	(erf) = vpow2.f32 v41;
	v58 =	vpop (erf)  }
0x30e: {  	v46 =	vmul.f32 $1.442695020e+00, v46;
	v59 =	vadd.f32 v25, v62;
	v25 =	vld [tilespmem:s24+$0x0];
	(erf) = vpow2.f32 v51;
	v60 =	vpop (erf)  }
0x30f: {  	v32 =	vadd.s32 v2, v32;
	(erf) = vpow2.f32 v42;
	v42 =	vmul.f32 $1.442695020e+00, v55;
	v55 =	vpop (erf)  }
0x310: {  	v43 =	vmul.f32 $1.442695020e+00, v61;
	v61 =	vshrl.u32 v24, $0x3;
	(erf) = vpow2.f32 v52;
	v51 =	vpop (erf)  }
0x311: {  	v41 =	vadd.f32 v59, v63;
	(erf) = vpow2.f32 v38;
	v52 =	vpop (erf);
	v62 =	vshrl.u32 v26, $0x3  }
0x312: {  	v45 =	vadd.f32 v60, v58;
	(erf) = vpow2.f32 v47;
	v63 =	vpop (erf);
	v54 =	vmul.u32 $0x6400, v62  }
0x313: {  	v38 =	vmul.f32 $1.442695020e+00, v57;
	v60 =	vshrl.u32 v25, $0x3;
	(erf) = vpow2.f32 v44;
	v44 =	vpop (erf)  }
0x314: {  	v47 =	vmul.u32 $0x6400, v61;
	v62 =	vshll.u32 v24, $0x7;
	(erf) = vpow2.f32 v53;
	v61 =	vpop (erf)  }
0x315: {  	[tilespmem:v21+s16+$0x0] =	vst.idx.add.f32.msk $0xffff, v19;
	v19 =	vshll.u32 v25, $0x7;
	v52 =	vmul.f32 v63, v52;
	(erf) = vpow2.f32 v46;
	v46 =	vpop (erf)  }
0x316: {  	v63 =	vshll.u32 v26, $0x7;
	v19 =	vand.u32 $0x380, v19;
	v50 =	vadd.s32 v50, v54;
	v54 =	vpop (erf)  }
0x317: {  	[tilespmem:v21+s17+$0x0] =	vst.idx.add.f32.msk $0xffff, v3;
	v37 =	vadd.s32 v37, v47;
	v53 =	vmul.u32 $0x6400, v60;
	v21 =	vand.u32 $0x380, v63;
	v57 =	vpop (erf)  }
0x318: {  	v47 =	vand.u32 $0x380, v62;
	v21 =	vor.u32 v21, v50;
	(erf) = vpow2.f32 v42;
	v58 =	vpop (erf)  }
0x319: {  	v52 =	vsub.f32 $1.000000000e+00, v52;
	v37 =	vor.u32 v47, v37;
	(erf) = vpow2.f32 v43;
	v59 =	vpop (erf)  }
0x31a: {  	[tilespmem:v30+s16+$0x0] =	vst.idx.add.f32.msk $0xffff, v31;
	v31 =	vadd.f32 v61, v44;
	v61 =	vadd.f32 v51, v55;
	(erf) = vpow2.f32 v38;
	v60 =	vpop (erf)  }
0x31b: {  	v39 =	vadd.s32 v39, v53;
	v37 =	vor.u32 v34, v37;
	v34 =	vor.u32 v48, v21;
	v21 =	vpop (erf)  }
0x31c: {  	[tilespmem:v30+s17+$0x0] =	vst.idx.add.f32.msk $0xffff, v3;
	v19 =	vor.u32 v19, v39;
	v30 =	vadd.f32 v54, v46;
	(erf) = vrcp.f32 v35;
	v62 =	vpop (erf)  }
0x31d: {  	v19 =	vor.u32 v40, v19;
	v38 =	vadd.f32 v58, v57;
	(erf) = vrcp.f32 v49;
	v63 =	vpop (erf)  }
0x31e: {  	[tilespmem:v32+s16+$0x0] =	vst.idx.add.f32.msk $0xffff, v52;
	v39 =	vadd.f32 v60, v59;
	(erf) = vpow2.f32 v33;
	v35 =	vadd.f32 v62, v21;
	v21 =	vpop (erf)  }
0x31f: {  	s28 =	simm.s32 $0x6;
	p1 =	por !p1, !p1;
	s26 =	simm.s32 $0x8;
	[tilespmem:v32+s17+$0x0] =	vst.idx.add.f32.msk $0xffff, v3;
	v32 =	vadd.f32 v21, v63;
	v21 =	vadd.f32 v61, v45;
	v40 =	vpop (erf);
	(erf) = vpow2.f32 v36  }
.LBB2_9:
0x320: {  	s1 =	simm.s32 $0x1  }
0x321: {  	s0 =	sand.u32 $0x3, s28;
	v33 =	vadd.f32 v30, v31;
	v42 =	vld.idx.msk [tilespmem:v37+s4+$0x0], $0xffff;
	v36 =	vadd.f32 v39, v38;
	v31 =	vpop (erf);
	(erf) = vpow2.f32 v23;
	s1 =	simm.s32 @!p1 $0x0  }
0x322: {  	s25 =	sadd.s32 $0x40, s25;
	v44 =	vmul.f32 v11, v20;
	s2 =	sshll.u32 s0, $0x5;
	v23 =	vadd.f32 v31, v40;
	v32 =	vadd.f32 v32, v35;
	s1 =	sshll.u32 s1, $0x6;
	v43 =	vld.idx.msk [tilespmem:v34+s4+$0x0], $0xffff;
	v31 =	vpop (erf)  }
0x323: {  	s22 =	sadd.s32 $0x4, s22;
	s23 =	sadd.s32 $0x200, s23;
	v37 =	vmov s25;
	v20 =	vor.u32 s25, v0;
	s29 =	sadd.s32 $0x30, s25;
	v34 =	vadd.f32 v41, v36;
	v41 =	vld.idx.msk [tilespmem:v19+s4+$0x0], $0xffff;
	v30 =	vpop (erf)  }
0x324: {  	s24 =	sadd.s32 $0x40, s24;
	v11 =	vmovc v22;
	s0 =	sand.u32 $0x7C00, s23;
	s3 =	sand.u32 $0x70, s29;
	v19 =	vand.u32 $0x4F, v20;
	v20 =	vshll.u32 v37, $0x3;
	v35 =	vadd.f32 v30, v31;
	v31 =	vmovc v12  }
0x325: {  	s5 =	sand.u32 $0x7, s22;
	v40 =	vmovc v29;
	s6 =	sadd.s32 s23, s2;
	s3 =	sor.u32 s3, s0;
	v21 =	vadd.f32 v21, v32;
	v30 =	vand.u32 $0x7C00, v20;
	v12 =	vmovc v28;
	v37 =	vld [tilespmem:s24+$0x10];
	(erf) = vrcp.f32 v34  }
0x326: {  	s7 =	sadd.s32 $0x20, s25;
	v29 =	vmul.f32 v15, v18;
	s2 =	sshll.u32 s5, $0x4;
	s5 =	sadd.s32 $0x10, s25;
	v28 =	vmul.f32 v16, v17;
	v22 =	vld [tilespmem:s3+$0x0];
	v23 =	vadd.f32 v35, v23;
	v15 =	vpop (erf)  }
0x327: {  	v45 =	vmov s7;
	s8 =	sadd.s32 s23, s2;
	s2 =	sadd.s32 s1, s23;
	v18 =	vor.u32 s5, v0;
	s1 =	sadd.s32 $0x20, s6;
	v34 =	vmov s5;
	v46 =	vld [tilespmem:s3+$0x80];
	v16 =	vpop (erf)  }
0x328: {  	s19 =	sand.u32 $0x50, s5;
	v36 =	vshll.u32 v45, $0x3;
	s6 =	sadd.s32 $0x30, s8;
	s5 =	sadd.s32 $0x10, s8;
	v32 =	vshll.u32 v34, $0x3;
	v35 =	vor.u32 s7, v0;
	v47 =	vld [tilespmem:s3+$0x100];
	v17 =	vpop (erf)  }
0x329: {  	s26 =	sadd.s32 $0x4, s26;
	v38 =	vand.u32 $0x7C00, v36;
	v34 =	vand.u32 $0x5F, v18;
	s7 =	sand.u32 $0x60, s7;
	v39 =	vand.u32 $0x7C00, v32;
	v48 =	vld [tilespmem:s3+$0x180];
	s3 =	sor.u32 $0x200, s6;
	v20 =	vpop (erf)  }
0x32a: {  	p2 =	slt.u32 s26, $0xC4;
	s8 =	sand.u32 $0x40, s25;
	v36 =	vand.u32 $0x6F, v35;
	v32 =	vmul.f32 $1.442695020e+00, v42;
	v35 =	vadd.f32 v33, v23;
	v49 =	vld [tilespmem:s3+$0x0];
	s3 =	sor.u32 $0x280, s6;
	v18 =	vpop (erf)  }
0x32b: {  	v45 =	vsub.f32 $1.000000000e+00, v44;
	s9 =	sor.u32 $0x200, s5;
	s10 =	sor.u32 $0x280, s5;
	v42 =	vmovc v14;
	v14 =	vmovc v27;
	v33 =	vmul.f32 $1.442695020e+00, v43;
	v51 =	vmul.f32 $1.442695020e+00, v22;
	v50 =	vld [tilespmem:s3+$0x0];
	s3 =	sor.u32 $0x300, s6  }
0x32c: {  	v44 =	vsub.f32 $1.000000000e+00, v29;
	s11 =	sor.u32 $0x300, s5;
	s5 =	sor.u32 $0x380, s5;
	v23 =	vmul.f32 $1.442695020e+00, v41;
	v27 =	vmul.f32 $1.442695020e+00, v46;
	v46 =	vld [tilespmem:s3+$0x0];
	s3 =	sor.u32 $0x380, s6  }
0x32d: {  	s12 =	sor.u32 $0x280, s1;
	s14 =	sor.u32 $0x300, s1;
	v43 =	vsub.f32 $1.000000000e+00, v28;
	s6 =	sor.u32 $0x200, s1;
	v29 =	vmul.f32 $1.442695020e+00, v47;
	v41 =	vld [tilespmem:s3+$0x0];
	(erf) = vpow2.f32 v51  }
0x32e: {  	s20 =	sor.u32 $0x280, s2;
	s1 =	sor.u32 $0x380, s1;
	s3 =	sor.u32 $0x200, s2;
	v47 =	vor.u32 s29, v0;
	v28 =	vld [tilespmem:s9+$0x0];
	v48 =	vmul.f32 $1.442695020e+00, v48;
	(erf) = vpow2.f32 v27;
	v22 =	vpop (erf)  }
0x32f: {  	s21 =	sor.u32 $0x380, s2;
	v51 =	vmov s29;
	s9 =	sor.u32 $0x300, s2;
	s2 =	sor.u32 s19, s0;
	v27 =	vld [tilespmem:s10+$0x0];
	v49 =	vmul.f32 $1.442695020e+00, v49;
	(erf) = vpow2.f32 v29  }
0x330: {  	s29 =	sor.u32 s8, s0;
	s0 =	sor.u32 s7, s0;
	v51 =	vshll.u32 v51, $0x3;
	v29 =	vld [tilespmem:s11+$0x0];
	v50 =	vmul.f32 $1.442695020e+00, v50;
	(erf) = vpow2.f32 v48  }
0x331: {  	v52 =	vshrl.u32 v37, $0x3;
	v48 =	vld [tilespmem:s5+$0x0];
	v46 =	vmul.f32 $1.442695020e+00, v46;
	(erf) = vpow2.f32 v49  }
0x332: {  	v52 =	vmul.u32 $0x6400, v52;
	v49 =	vld [tilespmem:s6+$0x0];
	v41 =	vmul.f32 $1.442695020e+00, v41;
	(erf) = vpow2.f32 v50  }
0x333: {  	v53 =	vshll.u32 v37, $0x7;
	v51 =	vand.u32 $0x7C00, v51;
	v50 =	vld [tilespmem:s12+$0x0];
	(erf) = vpow2.f32 v46  }
0x334: {  	v51 =	vadd.s32 v51, v52;
	v52 =	vand.u32 $0x380, v53;
	v46 =	vld [tilespmem:s14+$0x0];
	(erf) = vpow2.f32 v41  }
0x335: {  	v57 =	vmul.f32 $1.442695020e+00, v28;
	v28 =	vand.u32 $0x7F, v47;
	v47 =	vor.u32 v52, v51;
	v53 =	vld [tilespmem:s1+$0x0]  }
0x336: {  	v27 =	vmul.f32 $1.442695020e+00, v27;
	v47 =	vor.u32 v28, v47;
	v52 =	vmul.f32 $1.442695020e+00, v29;
	v51 =	vld [tilespmem:s3+$0x0];
	v54 =	vpop (erf)  }
0x337: {  	v28 =	vadd.s32 v2, v24;
	v48 =	vmul.f32 $1.442695020e+00, v48;
	v55 =	vld [tilespmem:s20+$0x0];
	v49 =	vmul.f32 $1.442695020e+00, v49;
	v56 =	vpop (erf)  }
0x338: {  	v29 =	vadd.s32 v2, v26;
	v24 =	vld [tilespmem:s9+$0x0];
	v50 =	vmul.f32 $1.442695020e+00, v50;
	(erf) = vpow2.f32 v57;
	v41 =	vpop (erf)  }
0x339: {  	v26 =	vld [tilespmem:s21+$0x0];
	v46 =	vmul.f32 $1.442695020e+00, v46;
	(erf) = vpow2.f32 v27;
	v57 =	vpop (erf);
	v27 =	vadd.s32 v2, v25  }
0x33a: {  	v25 =	vld [tilespmem:s2+$0x0];
	v53 =	vmul.f32 $1.442695020e+00, v53;
	(erf) = vpow2.f32 v52;
	v52 =	vpop (erf)  }
0x33b: {  	v51 =	vmul.f32 $1.442695020e+00, v51;
	v47 =	vld.idx.msk [tilespmem:v47+s4+$0x0], $0xffff;
	(erf) = vpow2.f32 v48;
	v48 =	vpop (erf)  }
0x33c: {  	v55 =	vmul.f32 $1.442695020e+00, v55;
	v58 =	vld [tilespmem:s2+$0x80];
	(erf) = vpow2.f32 v49;
	v49 =	vpop (erf)  }
0x33d: {  	v54 =	vadd.f32 v56, v54;
	v41 =	vadd.f32 v57, v41;
	v59 =	vmul.f32 $1.442695020e+00, v24;
	v24 =	vld [tilespmem:s2+$0x100];
	v56 =	vpop (erf)  }
0x33e: {  	v48 =	vadd.f32 v48, v52;
	v57 =	vmul.f32 $1.442695020e+00, v26;
	v26 =	vld [tilespmem:s2+$0x180];
	v49 =	vadd.f32 v56, v49  }
0x33f: {  	v52 =	vmul.f32 $1.442695020e+00, v25;
	v25 =	vld [tilespmem:s0+$0x0];
	(erf) = vpow2.f32 v50  }
0x340: {  	v60 =	vadd.f32 v41, v54;
	v50 =	vld [tilespmem:s0+$0x80];
	v48 =	vadd.f32 v49, v48;
	(erf) = vpow2.f32 v46  }
0x341: {  	v47 =	vmul.f32 $1.442695020e+00, v47;
	v46 =	vmul.f32 $1.442695020e+00, v58;
	v49 =	vld [tilespmem:s0+$0x100];
	v54 =	vpop (erf)  }
0x342: {  	v56 =	vmul.f32 $1.442695020e+00, v24;
	v58 =	vld [tilespmem:s0+$0x180];
	v24 =	vadd.f32 v48, v60;
	v41 =	vpop (erf);
	(erf) = vpow2.f32 v53  }
0x343: {  	v48 =	vld [tilespmem:s29+$0x0];
	v53 =	vmul.f32 $1.442695020e+00, v26;
	v26 =	vadd.f32 v41, v54;
	v41 =	vpop (erf);
	(erf) = vpow2.f32 v47  }
0x344: {  	v47 =	vld [tilespmem:s29+$0x80];
	v54 =	vmul.f32 $1.442695020e+00, v25;
	v25 =	vpop (erf);
	(erf) = vrcp.f32 v24  }
0x345: {  	v60 =	vld [tilespmem:s29+$0x100];
	v25 =	vadd.f32 v25, v41;
	v50 =	vmul.f32 $1.442695020e+00, v50;
	(erf) = vpow2.f32 v51;
	v51 =	vpop (erf)  }
0x346: {  	v61 =	vld [tilespmem:s29+$0x180];
	v49 =	vmul.f32 $1.442695020e+00, v49;
	(erf) = vpow2.f32 v55  }
0x347: {  	v24 =	vld [tilespmem:s24+$0xFFFFFFE0];
	v41 =	vadd.f32 v25, v26;
	v55 =	vmul.f32 $1.442695020e+00, v58;
	(erf) = vpow2.f32 v59  }
0x348: {  	v48 =	vmul.f32 $1.442695020e+00, v48;
	v26 =	vld [tilespmem:s24+$0xFFFFFFF0];
	(erf) = vpow2.f32 v57;
	v57 =	vpop (erf)  }
0x349: {  	v47 =	vmul.f32 $1.442695020e+00, v47;
	v25 =	vld [tilespmem:s24+$0x0];
	v51 =	vadd.f32 v57, v51;
	(erf) = vpow2.f32 v52;
	v52 =	vpop (erf)  }
0x34a: {  	v57 =	vmul.f32 $1.442695020e+00, v60;
	(erf) = vpow2.f32 v46;
	[tilespmem:v13+s16+$0x0] =	vst.idx.add.f32.msk $0xffff, v45  }
0x34b: {  	v45 =	vmul.f32 $1.442695020e+00, v61;
	(erf) = vpow2.f32 v56;
	v46 =	vpop (erf);
	[tilespmem:v13+s17+$0x0] =	vst.idx.add.f32.msk $0xffff, v3;
	v13 =	vmov v40  }
0x34c: {  	v40 =	vshrl.u32 v24, $0x3;
	v56 =	vshll.u32 v24, $0x7;
	(erf) = vpow2.f32 v53;
	v53 =	vpop (erf);
	[tilespmem:v42+s16+$0x0] =	vst.idx.add.f32.msk $0xffff, v44  }
0x34d: {  	v37 =	vadd.s32 v2, v37;
	v58 =	vshrl.u32 v26, $0x3;
	(erf) = vpow2.f32 v54;
	v54 =	vpop (erf);
	[tilespmem:v42+s17+$0x0] =	vst.idx.add.f32.msk $0xffff, v3  }
0x34e: {  	v42 =	vshrl.u32 v25, $0x3;
	v53 =	vmul.f32 v54, v53;
	v54 =	vpop (erf);
	(erf) = vpow2.f32 v50;
	[tilespmem:v31+s16+$0x0] =	vst.idx.add.f32.msk $0xffff, v43  }
0x34f: {  	v59 =	vmul.u32 $0x6400, v40;
	v43 =	vmul.u32 $0x6400, v58;
	v44 =	vpop (erf);
	(erf) = vpow2.f32 v49;
	[tilespmem:v31+s17+$0x0] =	vst.idx.add.f32.msk $0xffff, v3  }
0x350: {  	v31 =	vmul.u32 $0x6400, v42;
	v42 =	vsub.f32 $1.000000000e+00, v53;
	v49 =	vpop (erf);
	(erf) = vpow2.f32 v55  }
0x351: {  	v50 =	vshll.u32 v26, $0x7;
	v53 =	vshll.u32 v25, $0x7;
	(erf) = vpow2.f32 v48;
	v48 =	vpop (erf)  }
0x352: {  	v30 =	vadd.s32 v30, v59;
	v39 =	vadd.s32 v39, v43;
	[tilespmem:v37+s16+$0x0] =	vst.idx.add.f32.msk $0xffff, v42;
	(erf) = vpow2.f32 v47;
	v40 =	vpop (erf)  }
0x353: {  	v31 =	vadd.s32 v38, v31;
	v47 =	vand.u32 $0x380, v56;
	[tilespmem:v37+s17+$0x0] =	vst.idx.add.f32.msk $0xffff, v3;
	(erf) = vpow2.f32 v57;
	v38 =	vpop (erf)  }
0x354: {  	v43 =	vand.u32 $0x380, v53;
	v37 =	vand.u32 $0x380, v50;
	(erf) = vpow2.f32 v45;
	v45 =	vpop (erf)  }
0x355: {  	v31 =	vor.u32 v43, v31;
	v30 =	vor.u32 v47, v30;
	v39 =	vor.u32 v37, v39;
	v42 =	vpop (erf)  }
.Ltmp6:
0x356: {  	v37 =	vor.u32 v19, v30;
	v19 =	vor.u32 v36, v31;
	v34 =	vor.u32 v34, v39;
	v36 =	vpop (erf);
	(pc) =	sbr.rel @p2 .LBB2_9-.Ltmp6, $4  }
0x357: {  	v43 =	vadd.f32 v46, v52;
	v31 =	vadd.f32 v44, v54;
	v44 =	vpop (erf);
	(erf) = vrcp.f32 v21  }
0x358: {  	v30 =	vadd.f32 v48, v49;
	v38 =	vadd.f32 v38, v40;
	v21 =	vpop (erf);
	(erf) = vrcp.f32 v35  }
0x359: {  	v39 =	vadd.f32 v42, v45;
	v35 =	vadd.f32 v44, v36;
	v36 =	vpop (erf);
	(erf) = vpow2.f32 v32  }
0x35a: {  	s28 =	sadd.s32 $0x2, s28;
	p1 =	por !p1, !p1;
	v32 =	vadd.f32 v36, v21;
	v21 =	vadd.f32 v43, v51;
	v40 =	vpop (erf);
	(erf) = vpow2.f32 v33  }
0x35b: {  	_ = 	snop  }
0x35c: {  	v33 =	vpop (erf)  }
0x35d: {  	v36 =	vpop (erf)  }
0x35e: {  	v38 =	vadd.f32 v39, v38;
	v44 =	vpop (erf)  }
0x35f: {  	v37 =	vld.idx.msk [tilespmem:v37+s4+$0x0], $0xffff;
	v33 =	vadd.f32 v33, v40;
	v36 =	vadd.f32 v44, v36  }
0x360: {  	v30 =	vadd.f32 v30, v31;
	v45 =	vld.idx.msk [tilespmem:v34+s4+$0x0], $0xffff;
	v32 =	vadd.f32 v32, v35  }
0x361: {  	v46 =	vadd.f32 v41, v38;
	v33 =	vadd.f32 v36, v33  }
0x362: {  	(erf) = vpow2.f32 v23;
	v19 =	vld.idx.msk [tilespmem:v19+s4+$0x0], $0xffff;
	v11 =	vmul.f32 v11, v20;
	v21 =	vadd.f32 v21, v32  }
0x363: {  	v15 =	vmul.f32 v15, v18;
	(erf) = vrcp.f32 v46;
	v47 =	vadd.f32 v30, v33  }
0x364: {  	v48 =	vmul.f32 $1.442695020e+00, v37;
	(erf) = vrcp.f32 v21  }
0x365: {  	v49 =	vmul.f32 $1.442695020e+00, v45;
	(erf) = vrcp.f32 v47  }
0x366: {  	v16 =	vmul.f32 v16, v17;
	v11 =	vsub.f32 $1.000000000e+00, v11;
	(erf) = vpow2.f32 v48  }
0x367: {  	v50 =	vpop (erf);
	v19 =	vmul.f32 $1.442695020e+00, v19;
	(erf) = vpow2.f32 v49  }
0x368: {  	v15 =	vsub.f32 $1.000000000e+00, v15;
	v51 =	vpop (erf)  }
0x369: {  	v16 =	vsub.f32 $1.000000000e+00, v16;
	[tilespmem:v13+s16+$0x0] =	vst.idx.add.f32.msk $0xffff, v11;
	v52 =	vpop (erf);
	(erf) = vpow2.f32 v19  }
0x36a: {  	[tilespmem:v14+s16+$0x0] =	vst.idx.add.f32.msk $0xffff, v15;
	v11 =	vpop (erf)  }
0x36b: {  	[tilespmem:v12+s16+$0x0] =	vst.idx.add.f32.msk $0xffff, v16;
	v57 =	vmul.f32 v51, v52;
	v53 =	vpop (erf)  }
0x36c: {  	[tilespmem:v13+s17+$0x0] =	vst.idx.add.f32.msk $0xffff, v3;
	v11 =	vmul.f32 v22, v11;
	v54 =	vpop (erf)  }
0x36d: {  	[tilespmem:v14+s17+$0x0] =	vst.idx.add.f32.msk $0xffff, v3;
	v16 =	vsub.f32 $1.000000000e+00, v57;
	v55 =	vpop (erf)  }
0x36e: {  	[tilespmem:v12+s17+$0x0] =	vst.idx.add.f32.msk $0xffff, v3;
	v11 =	vsub.f32 $1.000000000e+00, v11;
	v56 =	vpop (erf)  }
0x36f: {  	v13 =	vmul.f32 v50, v53;
	[tilespmem:v28+s16+$0x0] =	vst.idx.add.f32.msk $0xffff, v16;
	v58 =	vpop (erf)  }
0x370: {  	[tilespmem:v29+s16+$0x0] =	vst.idx.add.f32.msk $0xffff, v11;
	v11 =	vadd.s32 v2, v26;
	v59 =	vpop (erf)  }
0x371: {  	v13 =	vsub.f32 $1.000000000e+00, v13;
	[tilespmem:v28+s17+$0x0] =	vst.idx.add.f32.msk $0xffff, v3;
	v60 =	vmul.f32 v54, v59  }
0x372: {  	v61 =	vadd.s32 v2, v25;
	[tilespmem:v29+s17+$0x0] =	vst.idx.add.f32.msk $0xffff, v3;
	v62 =	vpop (erf)  }
0x373: {  	[tilespmem:v27+s16+$0x0] =	vst.idx.add.f32.msk $0xffff, v13;
	v14 =	vmul.f32 v55, v62;
	v13 =	vsub.f32 $1.000000000e+00, v60  }
0x374: {  	v63 =	vadd.s32 v2, v24;
	[tilespmem:v27+s17+$0x0] =	vst.idx.add.f32.msk $0xffff, v3  }
0x375: {  	v12 =	vmul.f32 v56, v58;
	v14 =	vsub.f32 $1.000000000e+00, v14;
	[tilespmem:v11+s16+$0x0] =	vst.idx.add.f32.msk $0xffff, v13  }
0x376: {  	[tilespmem:v11+s17+$0x0] =	vst.idx.add.f32.msk $0xffff, v3  }
.Ltmp7:
0x377: {  	v11 =	vsub.f32 $1.000000000e+00, v12;
	[tilespmem:v61+s16+$0x0] =	vst.idx.add.f32.msk $0xffff, v14;
	(pc) =	sbr.rel .LBB2_11-.Ltmp7, $4  }
0x378: {  	[tilespmem:v61+s17+$0x0] =	vst.idx.add.f32.msk $0xffff, v3  }
0x379: {  	[tilespmem:v63+s16+$0x0] =	vst.idx.add.f32.msk $0xffff, v11  }
0x37a: {  	[tilespmem:v63+s17+$0x0] =	vst.idx.add.f32.msk $0xffff, v3  }
0x37b: {  	s2 =	rddreg [dreg:$0xb]  }
.LBB2_12:
0x37c: {  	_ =	sfence.sel $0x180000  }
0x37d: {  	[bflag:$0x0] =	sbarrier.arrive $0xFFFF  }
0x37e: {  	_ =	strace $0x90000047  }
0x37f: {  	s0 =	stileid.u32;
	[bflag:$0x2] =	sbarrier.arrive $0xFFFF  }
0x380: {  	p0 =	sne.s32 s0, $0x0;
	s0 =	rddreg [dreg:$0x3]  }
0x381: {  	s0 =	sadd.s32 @!p0 $0x100000, s0  }
0x382: {  	[sflag:s0] =	ssyncadd.tile.s32 @!p0 $0x1;
	_ =	shalt  }
.Lfunc_end2:
_tile_overlayer_lowered:
.L_overlay_start_2:
0x383: {  	(tag) =	ssettag $0x2  }
0x384: {  	s0 =	rddreg [dreg:$0x0];
	s2 =	stileid.u32  }
0x385: {  	s1 =	rddreg [dreg:$0x1];
	p0 =	sne.s32 s2, $0x0  }
0x386: {  	s3 =	rddreg [dreg:$0x2];
	[bflag:$0x3] =	sbarrier.arrive $0xFFFF;
	s2 =	simm.s32 @!p0 $0x1C03  }
0x387: {  	[timem:s3], [sflag:s2] =	dma.local @!p0 [hbm:s0], s1  }
0x388: {  	s0 =	simm.s32 @!p0 $0x3  }
0x389: {  	_ =	swait.ge @!p0 [sflag:s0], s1  }
0x38a: {  	s1 =	ssub.s32 @!p0 $0x0, s1;
	[sflag:s0] =	ssyncset.done @!p0 $0x0  }
0x38b: {  	[sflag:s0] =	ssyncadd.s32 @!p0 s1  }
0x38c: {  	[bflag:$0x3] =	sbarrier.arrive $0xFFFF  }
0x38d: {  	_ =	shalt  }

</sc_bundles>
